<compile_context>
chip_gen: v7x
topology: tpu7x:2x2x1
jax: 0.10.2.dev20260603
libtpu: 0.0.44.dev20260713+nightly
codegen_flags: <defaults>
</compile_context>

<pallas_src>
import functools

import jax
import jax.numpy as jnp
from jax import lax
from jax.experimental import pallas as pl
from jax.experimental.pallas import tpu as pltpu
from jax.experimental.pallas import tpu_sc as plsc

N_SITES = 100000
K = 64
B = 16384
NC, NS, L = 2, 16, 16
NW = NC * NS
BPW = B // NW
CHUNK = 128
NCH = BPW // CHUNK

_D0 = 0.0009223163497825149
_D1 = 0.9797691943591391
_D2 = -0.3935581873890316
_D3 = 0.10669243657177084


def _softplus16(x):
    t = jnp.exp(-jnp.abs(x))
    p = _D2 + t * _D3
    p = _D1 + t * p
    p = _D0 + t * p
    return jnp.maximum(x, 0.0) + p


@functools.cache
def _get_mesh():
    return plsc.VectorSubcoreMesh(
        core_axis_name="c", subcore_axis_name="s", num_cores=NC, num_subcores=NS
    )


def _hbb_body(idx_hbm, qab_hbm, out_hbm, idx_v, rows_v, gsems, wsem):
    wid = lax.axis_index("s") * NC + lax.axis_index("c")

    pltpu.sync_copy(idx_hbm.at[wid], idx_v)

    gathers = []
    for j in range(NCH):
        gathers.append(
            pltpu.async_copy(
                qab_hbm.at[idx_v.at[j]],
                rows_v.at[pl.ds(j * CHUNK, CHUNK)],
                gsems.at[j],
            )
        )

    writes = []
    for j in range(NCH):
        gathers[j].wait()

        @plsc.parallel_loop(j * CHUNK, (j + 1) * CHUNK, unroll=2)
        def _(r):
            for c in range(K // L):
                a = _softplus16(rows_v[r, pl.ds(c * L, L)])
                b = _softplus16(rows_v[r, pl.ds(K + c * L, L)])
                rows_v[r, pl.ds(c * L, L)] = a / (a + b)

        sl = pl.ds(j * CHUNK, CHUNK)
        writes.append(
            pltpu.async_copy(
                rows_v.at[sl], out_hbm.at[pl.ds(wid * BPW + j * CHUNK, CHUNK)], wsem
            )
        )

    for wr in writes:
        wr.wait()


@functools.cache
def _get_hbb_sc():
    return functools.partial(
        pl.kernel,
        out_type=jax.ShapeDtypeStruct((B, 2 * K), jnp.float32),
        mesh=_get_mesh(),
        scratch_types=[
            pltpu.VMEM((NCH, CHUNK), jnp.int32),
            pltpu.VMEM((BPW, 2 * K), jnp.float32),
            pltpu.SemaphoreType.DMA((NCH,)),
            pltpu.SemaphoreType.DMA,
        ],
    )(_hbb_body)


def kernel(site_idx, q_a_site, q_b_site):
    qab = (
        jnp.zeros((N_SITES, 2 * K), jnp.float32)
        .at[:, :K].set(q_a_site)
        .at[:, K:].set(q_b_site)
    )
    idx = site_idx.astype(jnp.int32).reshape(NW, NCH, CHUNK)
    wide = _get_hbb_sc()(idx, qab)
    return wide[:, :K]

# --- scband reference (transcript-rebuilt; emitter-appended) ---
"""Pipeline reference for scband-hierarchical-beta-bernoulli-51316269252816 (READ-ONLY COPY).

The authoritative reference and input builder live on the scoring server;
editing this copy changes nothing except your own understanding.
"""

import jax, jax.numpy as jnp
import numpy as np

N_SITES = 100000
K_MAX = 64
BATCH = 16384

def _softplus(x):
    return jnp.logaddexp(x, 0.0)

def setup_inputs(seed: int = 0) -> dict:
    key = jax.random.key(seed)
    k1, k2, k3 = jax.random.split(key, 3)
    site_idx = jax.random.randint(k1, (BATCH,), 0, N_SITES)
    # learned variational parameters (torch init is ones; perturb slightly for non-degenerate math)
    q_a_site = 1.0 + 0.1 * jax.random.normal(k2, (N_SITES, K_MAX), dtype=jnp.float32)
    q_b_site = 1.0 + 0.1 * jax.random.normal(k3, (N_SITES, K_MAX), dtype=jnp.float32)
    return {"site_idx": site_idx, "q_a_site": q_a_site, "q_b_site": q_b_site}

def reference(site_idx, q_a_site, q_b_site):
    # q_site_mean batched over site_idx: E[pi_{jk}] = a/(a+b) with a=softplus(qa[j]), b=softplus(qb[j])
    a = _softplus(jnp.take(q_a_site, site_idx, axis=0))
    b = _softplus(jnp.take(q_b_site, site_idx, axis=0))
    return a / (a + b)

if __name__ == "__main__":
    import jax
    _d = setup_inputs()
    print(jax.jit(kernel)(*tuple(_d.values())))

</pallas_src>

<mosaic_0001>
#map = affine_map<(d0, d1) -> (0, 0, 0)>
#map1 = affine_map<(d0, d1) -> (0, 0)>
module attributes {stable_mosaic.version = 14 : i64} {
  func.func @_hbb_body(%arg0: i32, %arg1: i32, %arg2: memref<32x4x128xi32, #tpu.memory_space<hbm>>, %arg3: memref<100000x128xf32, #tpu.memory_space<hbm>>, %arg4: memref<16384x128xf32, #tpu.memory_space<hbm>>, %arg5: memref<4x128xi32, #tpu.memory_space<vmem>>, %arg6: memref<512x128xf32, #tpu.memory_space<vmem>>, %arg7: memref<4x!tpu.dma_semaphore, #tpu.memory_space<semaphore_mem>>, %arg8: memref<!tpu.dma_semaphore, #tpu.memory_space<semaphore_mem>>) attributes {dimension_semantics = [#tpu.dimension_semantics<core_parallel>, #tpu.dimension_semantics<subcore_parallel>], iteration_bounds = array<i64: 2, 16>, scalar_prefetch = 0 : i64, scratch_operands = 4 : i64, tpu.core_type = #tpu.core_type<sc_vector_subcore>, window_params = [{transform_indices = #map}, {transform_indices = #map1}, {transform_indices = #map1}]} {
    %mul3A = arith.constant 2 : i32
    %mul3A_0 = arith.muli %arg1, %mul3A : i32
    %add3A = arith.addi %mul3A_0, %arg0 : i32
    "tpu.region"() ({
      %run_scoped3A = tpu.sem_alloc : memref<!tpu.dma_semaphore, #tpu.memory_space<semaphore_mem>>
      %dma_start3A_210 = arith.constant 0 : i32
      %dma_start3A_211 = arith.constant 0 : i32
      %dma_start3A_212 = tpu.memref_slice %arg2[%add3A, %dma_start3A_210, %dma_start3A_211] : memref<32x4x128xi32, #tpu.memory_space<hbm>> -> memref<1x4x128xi32, #tpu.memory_space<hbm>>
      %dma_start3A_213 = tpu.memref_squeeze %dma_start3A_212 : memref<1x4x128xi32, #tpu.memory_space<hbm>> -> memref<4x128xi32, #tpu.memory_space<hbm>>
      %dma_start3A_214 = arith.constant 0 : i32
      %dma_start3A_215 = arith.constant 0 : i32
      %dma_start3A_216 = tpu.memref_slice %arg2[%add3A, %dma_start3A_214, %dma_start3A_215] : memref<32x4x128xi32, #tpu.memory_space<hbm>> -> memref<1x4x128xi32, #tpu.memory_space<hbm>>
      %dma_start3A_217 = tpu.memref_squeeze %dma_start3A_216 : memref<1x4x128xi32, #tpu.memory_space<hbm>> -> memref<4x128xi32, #tpu.memory_space<hbm>>
      tpu.enqueue_dma source(%dma_start3A_217 : memref<4x128xi32, #tpu.memory_space<hbm>>) target(%arg5 : memref<4x128xi32, #tpu.memory_space<vmem>>) target_semaphore(%run_scoped3A : memref<!tpu.dma_semaphore, #tpu.memory_space<semaphore_mem>>)
      %dma_wait3A_218 = arith.constant 0 : i32
      %dma_wait3A_219 = arith.constant 0 : i32
      %dma_wait3A_220 = tpu.memref_slice %arg2[%add3A, %dma_wait3A_218, %dma_wait3A_219] : memref<32x4x128xi32, #tpu.memory_space<hbm>> -> memref<1x4x128xi32, #tpu.memory_space<hbm>>
      %dma_wait3A_221 = tpu.memref_squeeze %dma_wait3A_220 : memref<1x4x128xi32, #tpu.memory_space<hbm>> -> memref<4x128xi32, #tpu.memory_space<hbm>>
      %dma_wait3A_222 = arith.constant 0 : i32
      %dma_wait3A_223 = arith.constant 0 : i32
      %dma_wait3A_224 = tpu.memref_slice %arg2[%add3A, %dma_wait3A_222, %dma_wait3A_223] : memref<32x4x128xi32, #tpu.memory_space<hbm>> -> memref<1x4x128xi32, #tpu.memory_space<hbm>>
      %dma_wait3A_225 = tpu.memref_squeeze %dma_wait3A_224 : memref<1x4x128xi32, #tpu.memory_space<hbm>> -> memref<4x128xi32, #tpu.memory_space<hbm>>
      tpu.wait_dma2 semaphore(%run_scoped3A : memref<!tpu.dma_semaphore, #tpu.memory_space<semaphore_mem>>) src(%dma_wait3A_225 : memref<4x128xi32, #tpu.memory_space<hbm>>) dst(%arg5 : memref<4x128xi32, #tpu.memory_space<vmem>>)
      tpu.yield
    }) : () -> ()
    %dma_start3A = arith.constant 0 : i32
    %dma_start3A_1 = arith.constant 0 : i32
    %dma_start3A_2 = arith.constant 0 : i32
    %dma_start3A_3 = arith.constant 0 : i32
    %dma_start3A_4 = tpu.memref_slice %arg6[%dma_start3A_2, %dma_start3A_3] : memref<512x128xf32, #tpu.memory_space<vmem>> -> memref<128x128xf32, #tpu.memory_space<vmem>>
    %dma_start3A_5 = arith.constant 0 : i32
    %dma_start3A_6 = tpu.memref_slice %arg5[%dma_start3A, %dma_start3A_5] : memref<4x128xi32, #tpu.memory_space<vmem>> -> memref<1x128xi32, #tpu.memory_space<vmem>>
    %dma_start3A_7 = tpu.memref_squeeze %dma_start3A_6 : memref<1x128xi32, #tpu.memory_space<vmem>> -> memref<128xi32, #tpu.memory_space<vmem>>
    %dma_start3A_8 = arith.constant 0 : i32
    %dma_start3A_9 = arith.constant 0 : i32
    %dma_start3A_10 = tpu.memref_slice %arg3[%dma_start3A_8, %dma_start3A_9] : memref<100000x128xf32, #tpu.memory_space<hbm>> -> memref<100000x128xf32, #tpu.memory_space<hbm>>
    %dma_start3A_11 = tpu.memref_slice %arg7[%dma_start3A_1] : memref<4x!tpu.dma_semaphore, #tpu.memory_space<semaphore_mem>> -> memref<1x!tpu.dma_semaphore, #tpu.memory_space<semaphore_mem>>
    %dma_start3A_12 = tpu.memref_squeeze %dma_start3A_11 : memref<1x!tpu.dma_semaphore, #tpu.memory_space<semaphore_mem>> -> memref<!tpu.dma_semaphore, #tpu.memory_space<semaphore_mem>>
    tpu.enqueue_indirect_dma source(%dma_start3A_10 : memref<100000x128xf32, #tpu.memory_space<hbm>>) target(%dma_start3A_4 : memref<128x128xf32, #tpu.memory_space<vmem>>) offsets(%dma_start3A_7 : memref<128xi32, #tpu.memory_space<vmem>>) semaphore(%dma_start3A_12 : memref<!tpu.dma_semaphore, #tpu.memory_space<semaphore_mem>>)
    %dma_start3A_13 = arith.constant 1 : i32
    %dma_start3A_14 = arith.constant 1 : i32
    %dma_start3A_15 = arith.constant 128 : i32
    %dma_start3A_16 = arith.constant 0 : i32
    %dma_start3A_17 = tpu.memref_slice %arg6[%dma_start3A_15, %dma_start3A_16] : memref<512x128xf32, #tpu.memory_space<vmem>> -> memref<128x128xf32, #tpu.memory_space<vmem>>
    %dma_start3A_18 = arith.constant 0 : i32
    %dma_start3A_19 = tpu.memref_slice %arg5[%dma_start3A_13, %dma_start3A_18] : memref<4x128xi32, #tpu.memory_space<vmem>> -> memref<1x128xi32, #tpu.memory_space<vmem>>
    %dma_start3A_20 = tpu.memref_squeeze %dma_start3A_19 : memref<1x128xi32, #tpu.memory_space<vmem>> -> memref<128xi32, #tpu.memory_space<vmem>>
    %dma_start3A_21 = arith.constant 0 : i32
    %dma_start3A_22 = arith.constant 0 : i32
    %dma_start3A_23 = tpu.memref_slice %arg3[%dma_start3A_21, %dma_start3A_22] : memref<100000x128xf32, #tpu.memory_space<hbm>> -> memref<100000x128xf32, #tpu.memory_space<hbm>>
    %dma_start3A_24 = tpu.memref_slice %arg7[%dma_start3A_14] : memref<4x!tpu.dma_semaphore, #tpu.memory_space<semaphore_mem>> -> memref<1x!tpu.dma_semaphore, #tpu.memory_space<semaphore_mem>>
    %dma_start3A_25 = tpu.memref_squeeze %dma_start3A_24 : memref<1x!tpu.dma_semaphore, #tpu.memory_space<semaphore_mem>> -> memref<!tpu.dma_semaphore, #tpu.memory_space<semaphore_mem>>
    tpu.enqueue_indirect_dma source(%dma_start3A_23 : memref<100000x128xf32, #tpu.memory_space<hbm>>) target(%dma_start3A_17 : memref<128x128xf32, #tpu.memory_space<vmem>>) offsets(%dma_start3A_20 : memref<128xi32, #tpu.memory_space<vmem>>) semaphore(%dma_start3A_25 : memref<!tpu.dma_semaphore, #tpu.memory_space<semaphore_mem>>)
    %dma_start3A_26 = arith.constant 2 : i32
    %dma_start3A_27 = arith.constant 2 : i32
    %dma_start3A_28 = arith.constant 256 : i32
    %dma_start3A_29 = arith.constant 0 : i32
    %dma_start3A_30 = tpu.memref_slice %arg6[%dma_start3A_28, %dma_start3A_29] : memref<512x128xf32, #tpu.memory_space<vmem>> -> memref<128x128xf32, #tpu.memory_space<vmem>>
    %dma_start3A_31 = arith.constant 0 : i32
    %dma_start3A_32 = tpu.memref_slice %arg5[%dma_start3A_26, %dma_start3A_31] : memref<4x128xi32, #tpu.memory_space<vmem>> -> memref<1x128xi32, #tpu.memory_space<vmem>>
    %dma_start3A_33 = tpu.memref_squeeze %dma_start3A_32 : memref<1x128xi32, #tpu.memory_space<vmem>> -> memref<128xi32, #tpu.memory_space<vmem>>
    %dma_start3A_34 = arith.constant 0 : i32
    %dma_start3A_35 = arith.constant 0 : i32
    %dma_start3A_36 = tpu.memref_slice %arg3[%dma_start3A_34, %dma_start3A_35] : memref<100000x128xf32, #tpu.memory_space<hbm>> -> memref<100000x128xf32, #tpu.memory_space<hbm>>
    %dma_start3A_37 = tpu.memref_slice %arg7[%dma_start3A_27] : memref<4x!tpu.dma_semaphore, #tpu.memory_space<semaphore_mem>> -> memref<1x!tpu.dma_semaphore, #tpu.memory_space<semaphore_mem>>
    %dma_start3A_38 = tpu.memref_squeeze %dma_start3A_37 : memref<1x!tpu.dma_semaphore, #tpu.memory_space<semaphore_mem>> -> memref<!tpu.dma_semaphore, #tpu.memory_space<semaphore_mem>>
    tpu.enqueue_indirect_dma source(%dma_start3A_36 : memref<100000x128xf32, #tpu.memory_space<hbm>>) target(%dma_start3A_30 : memref<128x128xf32, #tpu.memory_space<vmem>>) offsets(%dma_start3A_33 : memref<128xi32, #tpu.memory_space<vmem>>) semaphore(%dma_start3A_38 : memref<!tpu.dma_semaphore, #tpu.memory_space<semaphore_mem>>)
    %dma_start3A_39 = arith.constant 3 : i32
    %dma_start3A_40 = arith.constant 3 : i32
    %dma_start3A_41 = arith.constant 384 : i32
    %dma_start3A_42 = arith.constant 0 : i32
    %dma_start3A_43 = tpu.memref_slice %arg6[%dma_start3A_41, %dma_start3A_42] : memref<512x128xf32, #tpu.memory_space<vmem>> -> memref<128x128xf32, #tpu.memory_space<vmem>>
    %dma_start3A_44 = arith.constant 0 : i32
    %dma_start3A_45 = tpu.memref_slice %arg5[%dma_start3A_39, %dma_start3A_44] : memref<4x128xi32, #tpu.memory_space<vmem>> -> memref<1x128xi32, #tpu.memory_space<vmem>>
    %dma_start3A_46 = tpu.memref_squeeze %dma_start3A_45 : memref<1x128xi32, #tpu.memory_space<vmem>> -> memref<128xi32, #tpu.memory_space<vmem>>
    %dma_start3A_47 = arith.constant 0 : i32
    %dma_start3A_48 = arith.constant 0 : i32
    %dma_start3A_49 = tpu.memref_slice %arg3[%dma_start3A_47, %dma_start3A_48] : memref<100000x128xf32, #tpu.memory_space<hbm>> -> memref<100000x128xf32, #tpu.memory_space<hbm>>
    %dma_start3A_50 = tpu.memref_slice %arg7[%dma_start3A_40] : memref<4x!tpu.dma_semaphore, #tpu.memory_space<semaphore_mem>> -> memref<1x!tpu.dma_semaphore, #tpu.memory_space<semaphore_mem>>
    %dma_start3A_51 = tpu.memref_squeeze %dma_start3A_50 : memref<1x!tpu.dma_semaphore, #tpu.memory_space<semaphore_mem>> -> memref<!tpu.dma_semaphore, #tpu.memory_space<semaphore_mem>>
    tpu.enqueue_indirect_dma source(%dma_start3A_49 : memref<100000x128xf32, #tpu.memory_space<hbm>>) target(%dma_start3A_43 : memref<128x128xf32, #tpu.memory_space<vmem>>) offsets(%dma_start3A_46 : memref<128xi32, #tpu.memory_space<vmem>>) semaphore(%dma_start3A_51 : memref<!tpu.dma_semaphore, #tpu.memory_space<semaphore_mem>>)
    %dma_wait3A = arith.constant 0 : i32
    %dma_wait3A_52 = arith.constant 0 : i32
    %dma_wait3A_53 = arith.constant 0 : i32
    %dma_wait3A_54 = arith.constant 0 : i32
    %dma_wait3A_55 = tpu.memref_slice %arg6[%dma_wait3A_53, %dma_wait3A_54] : memref<512x128xf32, #tpu.memory_space<vmem>> -> memref<128x128xf32, #tpu.memory_space<vmem>>
    %dma_wait3A_56 = arith.constant 0 : i32
    %dma_wait3A_57 = tpu.memref_slice %arg5[%dma_wait3A, %dma_wait3A_56] : memref<4x128xi32, #tpu.memory_space<vmem>> -> memref<1x128xi32, #tpu.memory_space<vmem>>
    %dma_wait3A_58 = tpu.memref_squeeze %dma_wait3A_57 : memref<1x128xi32, #tpu.memory_space<vmem>> -> memref<128xi32, #tpu.memory_space<vmem>>
    %dma_wait3A_59 = arith.constant 0 : i32
    %dma_wait3A_60 = arith.constant 0 : i32
    %dma_wait3A_61 = tpu.memref_slice %arg3[%dma_wait3A_59, %dma_wait3A_60] : memref<100000x128xf32, #tpu.memory_space<hbm>> -> memref<100000x128xf32, #tpu.memory_space<hbm>>
    %dma_wait3A_62 = tpu.memref_slice %arg7[%dma_wait3A_52] : memref<4x!tpu.dma_semaphore, #tpu.memory_space<semaphore_mem>> -> memref<1x!tpu.dma_semaphore, #tpu.memory_space<semaphore_mem>>
    %dma_wait3A_63 = tpu.memref_squeeze %dma_wait3A_62 : memref<1x!tpu.dma_semaphore, #tpu.memory_space<semaphore_mem>> -> memref<!tpu.dma_semaphore, #tpu.memory_space<semaphore_mem>>
    tpu.wait_indirect_dma semaphore(%dma_wait3A_63 : memref<!tpu.dma_semaphore, #tpu.memory_space<semaphore_mem>>) src(%dma_wait3A_61 : memref<100000x128xf32, #tpu.memory_space<hbm>>) dst(%dma_wait3A_55 : memref<128x128xf32, #tpu.memory_space<vmem>>)
    %parallel_loop3A = arith.constant 0 : i32
    %parallel_loop3A_64 = arith.constant 128 : i32
    %parallel_loop3A_65 = arith.constant 1 : i32
    scf.for %parallel_loop3A_210 = %parallel_loop3A to %parallel_loop3A_64 step %parallel_loop3A_65  : i32 {
      %parallel_loop3A_211 = arith.index_cast %parallel_loop3A_210 : i32 to index
      %parallel_loop3A_212 = arith.constant 0 : index
      %parallel_loop3A_213 = tpu.vector_load %arg6[%parallel_loop3A_211, %parallel_loop3A_212] {strides = array<i32>} : memref<512x128xf32, #tpu.memory_space<vmem>>, vector<1x16xf32>,
      %parallel_loop3A_214 = vector.shape_cast %parallel_loop3A_213 : vector<1x16xf32> to vector<16xf32>
      %parallel_loop3A_215 = math.absf %parallel_loop3A_214 : vector<16xf32>
      %parallel_loop3A_216 = arith.constant 0.000000e+00 : f32
      %parallel_loop3A_217 = vector.broadcast %parallel_loop3A_216 : f32 to vector<16xf32>
      %parallel_loop3A_218 = arith.subf %parallel_loop3A_217, %parallel_loop3A_215 : vector<16xf32>
      %parallel_loop3A_219 = math.exp %parallel_loop3A_218 : vector<16xf32>
      %parallel_loop3A_220 = arith.constant 0.106692433 : f32
      %parallel_loop3A_221 = vector.broadcast %parallel_loop3A_220 : f32 to vector<16xf32>
      %parallel_loop3A_222 = arith.mulf %parallel_loop3A_219, %parallel_loop3A_221 : vector<16xf32>
      %parallel_loop3A_223 = arith.constant -0.393558174 : f32
      %parallel_loop3A_224 = vector.broadcast %parallel_loop3A_223 : f32 to vector<16xf32>
      %parallel_loop3A_225 = arith.addf %parallel_loop3A_224, %parallel_loop3A_222 : vector<16xf32>
      %parallel_loop3A_226 = arith.mulf %parallel_loop3A_219, %parallel_loop3A_225 : vector<16xf32>
      %parallel_loop3A_227 = arith.constant 0.97976917 : f32
      %parallel_loop3A_228 = vector.broadcast %parallel_loop3A_227 : f32 to vector<16xf32>
      %parallel_loop3A_229 = arith.addf %parallel_loop3A_228, %parallel_loop3A_226 : vector<16xf32>
      %parallel_loop3A_230 = arith.mulf %parallel_loop3A_219, %parallel_loop3A_229 : vector<16xf32>
      %parallel_loop3A_231 = arith.constant 9.22316336E-4 : f32
      %parallel_loop3A_232 = vector.broadcast %parallel_loop3A_231 : f32 to vector<16xf32>
      %parallel_loop3A_233 = arith.addf %parallel_loop3A_232, %parallel_loop3A_230 : vector<16xf32>
      %parallel_loop3A_234 = arith.constant 0.000000e+00 : f32
      %parallel_loop3A_235 = vector.broadcast %parallel_loop3A_234 : f32 to vector<16xf32>
      %parallel_loop3A_236 = arith.maximumf %parallel_loop3A_214, %parallel_loop3A_235 : vector<16xf32>
      %parallel_loop3A_237 = arith.addf %parallel_loop3A_236, %parallel_loop3A_233 : vector<16xf32>
      %parallel_loop3A_238 = arith.index_cast %parallel_loop3A_210 : i32 to index
      %parallel_loop3A_239 = arith.constant 64 : index
      %parallel_loop3A_240 = tpu.vector_load %arg6[%parallel_loop3A_238, %parallel_loop3A_239] {strides = array<i32>} : memref<512x128xf32, #tpu.memory_space<vmem>>, vector<1x16xf32>,
      %parallel_loop3A_241 = vector.shape_cast %parallel_loop3A_240 : vector<1x16xf32> to vector<16xf32>
      %parallel_loop3A_242 = math.absf %parallel_loop3A_241 : vector<16xf32>
      %parallel_loop3A_243 = arith.constant 0.000000e+00 : f32
      %parallel_loop3A_244 = vector.broadcast %parallel_loop3A_243 : f32 to vector<16xf32>
      %parallel_loop3A_245 = arith.subf %parallel_loop3A_244, %parallel_loop3A_242 : vector<16xf32>
      %parallel_loop3A_246 = math.exp %parallel_loop3A_245 : vector<16xf32>
      %parallel_loop3A_247 = arith.constant 0.106692433 : f32
      %parallel_loop3A_248 = vector.broadcast %parallel_loop3A_247 : f32 to vector<16xf32>
      %parallel_loop3A_249 = arith.mulf %parallel_loop3A_246, %parallel_loop3A_248 : vector<16xf32>
      %parallel_loop3A_250 = arith.constant -0.393558174 : f32
      %parallel_loop3A_251 = vector.broadcast %parallel_loop3A_250 : f32 to vector<16xf32>
      %parallel_loop3A_252 = arith.addf %parallel_loop3A_251, %parallel_loop3A_249 : vector<16xf32>
      %parallel_loop3A_253 = arith.mulf %parallel_loop3A_246, %parallel_loop3A_252 : vector<16xf32>
      %parallel_loop3A_254 = arith.constant 0.97976917 : f32
      %parallel_loop3A_255 = vector.broadcast %parallel_loop3A_254 : f32 to vector<16xf32>
      %parallel_loop3A_256 = arith.addf %parallel_loop3A_255, %parallel_loop3A_253 : vector<16xf32>
      %parallel_loop3A_257 = arith.mulf %parallel_loop3A_246, %parallel_loop3A_256 : vector<16xf32>
      %parallel_loop3A_258 = arith.constant 9.22316336E-4 : f32
      %parallel_loop3A_259 = vector.broadcast %parallel_loop3A_258 : f32 to vector<16xf32>
      %parallel_loop3A_260 = arith.addf %parallel_loop3A_259, %parallel_loop3A_257 : vector<16xf32>
      %parallel_loop3A_261 = arith.constant 0.000000e+00 : f32
      %parallel_loop3A_262 = vector.broadcast %parallel_loop3A_261 : f32 to vector<16xf32>
      %parallel_loop3A_263 = arith.maximumf %parallel_loop3A_241, %parallel_loop3A_262 : vector<16xf32>
      %parallel_loop3A_264 = arith.addf %parallel_loop3A_263, %parallel_loop3A_260 : vector<16xf32>
      %parallel_loop3A_265 = arith.addf %parallel_loop3A_237, %parallel_loop3A_264 : vector<16xf32>
      %parallel_loop3A_266 = arith.divf %parallel_loop3A_237, %parallel_loop3A_265 : vector<16xf32>
      %parallel_loop3A_267 = arith.index_cast %parallel_loop3A_210 : i32 to index
      %parallel_loop3A_268 = arith.constant 0 : index
      %parallel_loop3A_269 = tpu.vector_load %arg6[%parallel_loop3A_267, %parallel_loop3A_268] {strides = array<i32>} : memref<512x128xf32, #tpu.memory_space<vmem>>, vector<1x16xf32>,
      %parallel_loop3A_270 = vector.shape_cast %parallel_loop3A_269 : vector<1x16xf32> to vector<16xf32>
      %parallel_loop3A_271 = vector.shape_cast %parallel_loop3A_266 : vector<16xf32> to vector<1x16xf32>
      tpu.vector_store %arg6[%parallel_loop3A_267, %parallel_loop3A_268], %parallel_loop3A_271 {strides = array<i32>} : memref<512x128xf32, #tpu.memory_space<vmem>>, vector<1x16xf32>,
      %parallel_loop3A_272 = arith.index_cast %parallel_loop3A_210 : i32 to index
      %parallel_loop3A_273 = arith.constant 16 : index
      %parallel_loop3A_274 = tpu.vector_load %arg6[%parallel_loop3A_272, %parallel_loop3A_273] {strides = array<i32>} : memref<512x128xf32, #tpu.memory_space<vmem>>, vector<1x16xf32>,
      %parallel_loop3A_275 = vector.shape_cast %parallel_loop3A_274 : vector<1x16xf32> to vector<16xf32>
      %parallel_loop3A_276 = math.absf %parallel_loop3A_275 : vector<16xf32>
      %parallel_loop3A_277 = arith.constant 0.000000e+00 : f32
      %parallel_loop3A_278 = vector.broadcast %parallel_loop3A_277 : f32 to vector<16xf32>
      %parallel_loop3A_279 = arith.subf %parallel_loop3A_278, %parallel_loop3A_276 : vector<16xf32>
      %parallel_loop3A_280 = math.exp %parallel_loop3A_279 : vector<16xf32>
      %parallel_loop3A_281 = arith.constant 0.106692433 : f32
      %parallel_loop3A_282 = vector.broadcast %parallel_loop3A_281 : f32 to vector<16xf32>
      %parallel_loop3A_283 = arith.mulf %parallel_loop3A_280, %parallel_loop3A_282 : vector<16xf32>
      %parallel_loop3A_284 = arith.constant -0.393558174 : f32
      %parallel_loop3A_285 = vector.broadcast %parallel_loop3A_284 : f32 to vector<16xf32>
      %parallel_loop3A_286 = arith.addf %parallel_loop3A_285, %parallel_loop3A_283 : vector<16xf32>
      %parallel_loop3A_287 = arith.mulf %parallel_loop3A_280, %parallel_loop3A_286 : vector<16xf32>
      %parallel_loop3A_288 = arith.constant 0.97976917 : f32
      %parallel_loop3A_289 = vector.broadcast %parallel_loop3A_288 : f32 to vector<16xf32>
      %parallel_loop3A_290 = arith.addf %parallel_loop3A_289, %parallel_loop3A_287 : vector<16xf32>
      %parallel_loop3A_291 = arith.mulf %parallel_loop3A_280, %parallel_loop3A_290 : vector<16xf32>
      %parallel_loop3A_292 = arith.constant 9.22316336E-4 : f32
      %parallel_loop3A_293 = vector.broadcast %parallel_loop3A_292 : f32 to vector<16xf32>
      %parallel_loop3A_294 = arith.addf %parallel_loop3A_293, %parallel_loop3A_291 : vector<16xf32>
      %parallel_loop3A_295 = arith.constant 0.000000e+00 : f32
      %parallel_loop3A_296 = vector.broadcast %parallel_loop3A_295 : f32 to vector<16xf32>
      %parallel_loop3A_297 = arith.maximumf %parallel_loop3A_275, %parallel_loop3A_296 : vector<16xf32>
      %parallel_loop3A_298 = arith.addf %parallel_loop3A_297, %parallel_loop3A_294 : vector<16xf32>
      %parallel_loop3A_299 = arith.index_cast %parallel_loop3A_210 : i32 to index
      %parallel_loop3A_300 = arith.constant 80 : index
      %parallel_loop3A_301 = tpu.vector_load %arg6[%parallel_loop3A_299, %parallel_loop3A_300] {strides = array<i32>} : memref<512x128xf32, #tpu.memory_space<vmem>>, vector<1x16xf32>,
      %parallel_loop3A_302 = vector.shape_cast %parallel_loop3A_301 : vector<1x16xf32> to vector<16xf32>
      %parallel_loop3A_303 = math.absf %parallel_loop3A_302 : vector<16xf32>
      %parallel_loop3A_304 = arith.constant 0.000000e+00 : f32
      %parallel_loop3A_305 = vector.broadcast %parallel_loop3A_304 : f32 to vector<16xf32>
      %parallel_loop3A_306 = arith.subf %parallel_loop3A_305, %parallel_loop3A_303 : vector<16xf32>
      %parallel_loop3A_307 = math.exp %parallel_loop3A_306 : vector<16xf32>
      %parallel_loop3A_308 = arith.constant 0.106692433 : f32
      %parallel_loop3A_309 = vector.broadcast %parallel_loop3A_308 : f32 to vector<16xf32>
      %parallel_loop3A_310 = arith.mulf %parallel_loop3A_307, %parallel_loop3A_309 : vector<16xf32>
      %parallel_loop3A_311 = arith.constant -0.393558174 : f32
      %parallel_loop3A_312 = vector.broadcast %parallel_loop3A_311 : f32 to vector<16xf32>
      %parallel_loop3A_313 = arith.addf %parallel_loop3A_312, %parallel_loop3A_310 : vector<16xf32>
      %parallel_loop3A_314 = arith.mulf %parallel_loop3A_307, %parallel_loop3A_313 : vector<16xf32>
      %parallel_loop3A_315 = arith.constant 0.97976917 : f32
      %parallel_loop3A_316 = vector.broadcast %parallel_loop3A_315 : f32 to vector<16xf32>
      %parallel_loop3A_317 = arith.addf %parallel_loop3A_316, %parallel_loop3A_314 : vector<16xf32>
      %parallel_loop3A_318 = arith.mulf %parallel_loop3A_307, %parallel_loop3A_317 : vector<16xf32>
      %parallel_loop3A_319 = arith.constant 9.22316336E-4 : f32
      %parallel_loop3A_320 = vector.broadcast %parallel_loop3A_319 : f32 to vector<16xf32>
      %parallel_loop3A_321 = arith.addf %parallel_loop3A_320, %parallel_loop3A_318 : vector<16xf32>
      %parallel_loop3A_322 = arith.constant 0.000000e+00 : f32
      %parallel_loop3A_323 = vector.broadcast %parallel_loop3A_322 : f32 to vector<16xf32>
      %parallel_loop3A_324 = arith.maximumf %parallel_loop3A_302, %parallel_loop3A_323 : vector<16xf32>
      %parallel_loop3A_325 = arith.addf %parallel_loop3A_324, %parallel_loop3A_321 : vector<16xf32>
      %parallel_loop3A_326 = arith.addf %parallel_loop3A_298, %parallel_loop3A_325 : vector<16xf32>
      %parallel_loop3A_327 = arith.divf %parallel_loop3A_298, %parallel_loop3A_326 : vector<16xf32>
      %parallel_loop3A_328 = arith.index_cast %parallel_loop3A_210 : i32 to index
      %parallel_loop3A_329 = arith.constant 16 : index
      %parallel_loop3A_330 = tpu.vector_load %arg6[%parallel_loop3A_328, %parallel_loop3A_329] {strides = array<i32>} : memref<512x128xf32, #tpu.memory_space<vmem>>, vector<1x16xf32>,
      %parallel_loop3A_331 = vector.shape_cast %parallel_loop3A_330 : vector<1x16xf32> to vector<16xf32>
      %parallel_loop3A_332 = vector.shape_cast %parallel_loop3A_327 : vector<16xf32> to vector<1x16xf32>
      tpu.vector_store %arg6[%parallel_loop3A_328, %parallel_loop3A_329], %parallel_loop3A_332 {strides = array<i32>} : memref<512x128xf32, #tpu.memory_space<vmem>>, vector<1x16xf32>,
      %parallel_loop3A_333 = arith.index_cast %parallel_loop3A_210 : i32 to index
      %parallel_loop3A_334 = arith.constant 32 : index
      %parallel_loop3A_335 = tpu.vector_load %arg6[%parallel_loop3A_333, %parallel_loop3A_334] {strides = array<i32>} : memref<512x128xf32, #tpu.memory_space<vmem>>, vector<1x16xf32>,
      %parallel_loop3A_336 = vector.shape_cast %parallel_loop3A_335 : vector<1x16xf32> to vector<16xf32>
      %parallel_loop3A_337 = math.absf %parallel_loop3A_336 : vector<16xf32>
      %parallel_loop3A_338 = arith.constant 0.000000e+00 : f32
      %parallel_loop3A_339 = vector.broadcast %parallel_loop3A_338 : f32 to vector<16xf32>
      %parallel_loop3A_340 = arith.subf %parallel_loop3A_339, %parallel_loop3A_337 : vector<16xf32>
      %parallel_loop3A_341 = math.exp %parallel_loop3A_340 : vector<16xf32>
      %parallel_loop3A_342 = arith.constant 0.106692433 : f32
      %parallel_loop3A_343 = vector.broadcast %parallel_loop3A_342 : f32 to vector<16xf32>
      %parallel_loop3A_344 = arith.mulf %parallel_loop3A_341, %parallel_loop3A_343 : vector<16xf32>
      %parallel_loop3A_345 = arith.constant -0.393558174 : f32
      %parallel_loop3A_346 = vector.broadcast %parallel_loop3A_345 : f32 to vector<16xf32>
      %parallel_loop3A_347 = arith.addf %parallel_loop3A_346, %parallel_loop3A_344 : vector<16xf32>
      %parallel_loop3A_348 = arith.mulf %parallel_loop3A_341, %parallel_loop3A_347 : vector<16xf32>
      %parallel_loop3A_349 = arith.constant 0.97976917 : f32
      %parallel_loop3A_350 = vector.broadcast %parallel_loop3A_349 : f32 to vector<16xf32>
      %parallel_loop3A_351 = arith.addf %parallel_loop3A_350, %parallel_loop3A_348 : vector<16xf32>
      %parallel_loop3A_352 = arith.mulf %parallel_loop3A_341, %parallel_loop3A_351 : vector<16xf32>
      %parallel_loop3A_353 = arith.constant 9.22316336E-4 : f32
      %parallel_loop3A_354 = vector.broadcast %parallel_loop3A_353 : f32 to vector<16xf32>
      %parallel_loop3A_355 = arith.addf %parallel_loop3A_354, %parallel_loop3A_352 : vector<16xf32>
      %parallel_loop3A_356 = arith.constant 0.000000e+00 : f32
      %parallel_loop3A_357 = vector.broadcast %parallel_loop3A_356 : f32 to vector<16xf32>
      %parallel_loop3A_358 = arith.maximumf %parallel_loop3A_336, %parallel_loop3A_357 : vector<16xf32>
      %parallel_loop3A_359 = arith.addf %parallel_loop3A_358, %parallel_loop3A_355 : vector<16xf32>
      %parallel_loop3A_360 = arith.index_cast %parallel_loop3A_210 : i32 to index
      %parallel_loop3A_361 = arith.constant 96 : index
      %parallel_loop3A_362 = tpu.vector_load %arg6[%parallel_loop3A_360, %parallel_loop3A_361] {strides = array<i32>} : memref<512x128xf32, #tpu.memory_space<vmem>>, vector<1x16xf32>,
      %parallel_loop3A_363 = vector.shape_cast %parallel_loop3A_362 : vector<1x16xf32> to vector<16xf32>
      %parallel_loop3A_364 = math.absf %parallel_loop3A_363 : vector<16xf32>
      %parallel_loop3A_365 = arith.constant 0.000000e+00 : f32
      %parallel_loop3A_366 = vector.broadcast %parallel_loop3A_365 : f32 to vector<16xf32>
      %parallel_loop3A_367 = arith.subf %parallel_loop3A_366, %parallel_loop3A_364 : vector<16xf32>
      %parallel_loop3A_368 = math.exp %parallel_loop3A_367 : vector<16xf32>
      %parallel_loop3A_369 = arith.constant 0.106692433 : f32
      %parallel_loop3A_370 = vector.broadcast %parallel_loop3A_369 : f32 to vector<16xf32>
      %parallel_loop3A_371 = arith.mulf %parallel_loop3A_368, %parallel_loop3A_370 : vector<16xf32>
      %parallel_loop3A_372 = arith.constant -0.393558174 : f32
      %parallel_loop3A_373 = vector.broadcast %parallel_loop3A_372 : f32 to vector<16xf32>
      %parallel_loop3A_374 = arith.addf %parallel_loop3A_373, %parallel_loop3A_371 : vector<16xf32>
      %parallel_loop3A_375 = arith.mulf %parallel_loop3A_368, %parallel_loop3A_374 : vector<16xf32>
      %parallel_loop3A_376 = arith.constant 0.97976917 : f32
      %parallel_loop3A_377 = vector.broadcast %parallel_loop3A_376 : f32 to vector<16xf32>
      %parallel_loop3A_378 = arith.addf %parallel_loop3A_377, %parallel_loop3A_375 : vector<16xf32>
      %parallel_loop3A_379 = arith.mulf %parallel_loop3A_368, %parallel_loop3A_378 : vector<16xf32>
      %parallel_loop3A_380 = arith.constant 9.22316336E-4 : f32
      %parallel_loop3A_381 = vector.broadcast %parallel_loop3A_380 : f32 to vector<16xf32>
      %parallel_loop3A_382 = arith.addf %parallel_loop3A_381, %parallel_loop3A_379 : vector<16xf32>
      %parallel_loop3A_383 = arith.constant 0.000000e+00 : f32
      %parallel_loop3A_384 = vector.broadcast %parallel_loop3A_383 : f32 to vector<16xf32>
      %parallel_loop3A_385 = arith.maximumf %parallel_loop3A_363, %parallel_loop3A_384 : vector<16xf32>
      %parallel_loop3A_386 = arith.addf %parallel_loop3A_385, %parallel_loop3A_382 : vector<16xf32>
      %parallel_loop3A_387 = arith.addf %parallel_loop3A_359, %parallel_loop3A_386 : vector<16xf32>
      %parallel_loop3A_388 = arith.divf %parallel_loop3A_359, %parallel_loop3A_387 : vector<16xf32>
      %parallel_loop3A_389 = arith.index_cast %parallel_loop3A_210 : i32 to index
      %parallel_loop3A_390 = arith.constant 32 : index
      %parallel_loop3A_391 = tpu.vector_load %arg6[%parallel_loop3A_389, %parallel_loop3A_390] {strides = array<i32>} : memref<512x128xf32, #tpu.memory_space<vmem>>, vector<1x16xf32>,
      %parallel_loop3A_392 = vector.shape_cast %parallel_loop3A_391 : vector<1x16xf32> to vector<16xf32>
      %parallel_loop3A_393 = vector.shape_cast %parallel_loop3A_388 : vector<16xf32> to vector<1x16xf32>
      tpu.vector_store %arg6[%parallel_loop3A_389, %parallel_loop3A_390], %parallel_loop3A_393 {strides = array<i32>} : memref<512x128xf32, #tpu.memory_space<vmem>>, vector<1x16xf32>,
      %parallel_loop3A_394 = arith.index_cast %parallel_loop3A_210 : i32 to index
      %parallel_loop3A_395 = arith.constant 48 : index
      %parallel_loop3A_396 = tpu.vector_load %arg6[%parallel_loop3A_394, %parallel_loop3A_395] {strides = array<i32>} : memref<512x128xf32, #tpu.memory_space<vmem>>, vector<1x16xf32>,
      %parallel_loop3A_397 = vector.shape_cast %parallel_loop3A_396 : vector<1x16xf32> to vector<16xf32>
      %parallel_loop3A_398 = math.absf %parallel_loop3A_397 : vector<16xf32>
      %parallel_loop3A_399 = arith.constant 0.000000e+00 : f32
      %parallel_loop3A_400 = vector.broadcast %parallel_loop3A_399 : f32 to vector<16xf32>
      %parallel_loop3A_401 = arith.subf %parallel_loop3A_400, %parallel_loop3A_398 : vector<16xf32>
      %parallel_loop3A_402 = math.exp %parallel_loop3A_401 : vector<16xf32>
      %parallel_loop3A_403 = arith.constant 0.106692433 : f32
      %parallel_loop3A_404 = vector.broadcast %parallel_loop3A_403 : f32 to vector<16xf32>
      %parallel_loop3A_405 = arith.mulf %parallel_loop3A_402, %parallel_loop3A_404 : vector<16xf32>
      %parallel_loop3A_406 = arith.constant -0.393558174 : f32
      %parallel_loop3A_407 = vector.broadcast %parallel_loop3A_406 : f32 to vector<16xf32>
      %parallel_loop3A_408 = arith.addf %parallel_loop3A_407, %parallel_loop3A_405 : vector<16xf32>
      %parallel_loop3A_409 = arith.mulf %parallel_loop3A_402, %parallel_loop3A_408 : vector<16xf32>
      %parallel_loop3A_410 = arith.constant 0.97976917 : f32
      %parallel_loop3A_411 = vector.broadcast %parallel_loop3A_410 : f32 to vector<16xf32>
      %parallel_loop3A_412 = arith.addf %parallel_loop3A_411, %parallel_loop3A_409 : vector<16xf32>
      %parallel_loop3A_413 = arith.mulf %parallel_loop3A_402, %parallel_loop3A_412 : vector<16xf32>
      %parallel_loop3A_414 = arith.constant 9.22316336E-4 : f32
      %parallel_loop3A_415 = vector.broadcast %parallel_loop3A_414 : f32 to vector<16xf32>
      %parallel_loop3A_416 = arith.addf %parallel_loop3A_415, %parallel_loop3A_413 : vector<16xf32>
      %parallel_loop3A_417 = arith.constant 0.000000e+00 : f32
      %parallel_loop3A_418 = vector.broadcast %parallel_loop3A_417 : f32 to vector<16xf32>
      %parallel_loop3A_419 = arith.maximumf %parallel_loop3A_397, %parallel_loop3A_418 : vector<16xf32>
      %parallel_loop3A_420 = arith.addf %parallel_loop3A_419, %parallel_loop3A_416 : vector<16xf32>
      %parallel_loop3A_421 = arith.index_cast %parallel_loop3A_210 : i32 to index
      %parallel_loop3A_422 = arith.constant 112 : index
      %parallel_loop3A_423 = tpu.vector_load %arg6[%parallel_loop3A_421, %parallel_loop3A_422] {strides = array<i32>} : memref<512x128xf32, #tpu.memory_space<vmem>>, vector<1x16xf32>,
      %parallel_loop3A_424 = vector.shape_cast %parallel_loop3A_423 : vector<1x16xf32> to vector<16xf32>
      %parallel_loop3A_425 = math.absf %parallel_loop3A_424 : vector<16xf32>
      %parallel_loop3A_426 = arith.constant 0.000000e+00 : f32
      %parallel_loop3A_427 = vector.broadcast %parallel_loop3A_426 : f32 to vector<16xf32>
      %parallel_loop3A_428 = arith.subf %parallel_loop3A_427, %parallel_loop3A_425 : vector<16xf32>
      %parallel_loop3A_429 = math.exp %parallel_loop3A_428 : vector<16xf32>
      %parallel_loop3A_430 = arith.constant 0.106692433 : f32
      %parallel_loop3A_431 = vector.broadcast %parallel_loop3A_430 : f32 to vector<16xf32>
      %parallel_loop3A_432 = arith.mulf %parallel_loop3A_429, %parallel_loop3A_431 : vector<16xf32>
      %parallel_loop3A_433 = arith.constant -0.393558174 : f32
      %parallel_loop3A_434 = vector.broadcast %parallel_loop3A_433 : f32 to vector<16xf32>
      %parallel_loop3A_435 = arith.addf %parallel_loop3A_434, %parallel_loop3A_432 : vector<16xf32>
      %parallel_loop3A_436 = arith.mulf %parallel_loop3A_429, %parallel_loop3A_435 : vector<16xf32>
      %parallel_loop3A_437 = arith.constant 0.97976917 : f32
      %parallel_loop3A_438 = vector.broadcast %parallel_loop3A_437 : f32 to vector<16xf32>
      %parallel_loop3A_439 = arith.addf %parallel_loop3A_438, %parallel_loop3A_436 : vector<16xf32>
      %parallel_loop3A_440 = arith.mulf %parallel_loop3A_429, %parallel_loop3A_439 : vector<16xf32>
      %parallel_loop3A_441 = arith.constant 9.22316336E-4 : f32
      %parallel_loop3A_442 = vector.broadcast %parallel_loop3A_441 : f32 to vector<16xf32>
      %parallel_loop3A_443 = arith.addf %parallel_loop3A_442, %parallel_loop3A_440 : vector<16xf32>
      %parallel_loop3A_444 = arith.constant 0.000000e+00 : f32
      %parallel_loop3A_445 = vector.broadcast %parallel_loop3A_444 : f32 to vector<16xf32>
      %parallel_loop3A_446 = arith.maximumf %parallel_loop3A_424, %parallel_loop3A_445 : vector<16xf32>
      %parallel_loop3A_447 = arith.addf %parallel_loop3A_446, %parallel_loop3A_443 : vector<16xf32>
      %parallel_loop3A_448 = arith.addf %parallel_loop3A_420, %parallel_loop3A_447 : vector<16xf32>
      %parallel_loop3A_449 = arith.divf %parallel_loop3A_420, %parallel_loop3A_448 : vector<16xf32>
      %parallel_loop3A_450 = arith.index_cast %parallel_loop3A_210 : i32 to index
      %parallel_loop3A_451 = arith.constant 48 : index
      %parallel_loop3A_452 = tpu.vector_load %arg6[%parallel_loop3A_450, %parallel_loop3A_451] {strides = array<i32>} : memref<512x128xf32, #tpu.memory_space<vmem>>, vector<1x16xf32>,
      %parallel_loop3A_453 = vector.shape_cast %parallel_loop3A_452 : vector<1x16xf32> to vector<16xf32>
      %parallel_loop3A_454 = vector.shape_cast %parallel_loop3A_449 : vector<16xf32> to vector<1x16xf32>
      tpu.vector_store %arg6[%parallel_loop3A_450, %parallel_loop3A_451], %parallel_loop3A_454 {strides = array<i32>} : memref<512x128xf32, #tpu.memory_space<vmem>>, vector<1x16xf32>,
    } {sc.loop_unroll_factor = 2 : i64, sc.parallel_access}
    %mul3A_66 = arith.constant 512 : i32
    %mul3A_67 = arith.muli %add3A, %mul3A_66 : i32
    %add3A_68 = arith.constant 0 : i32
    %add3A_69 = arith.addi %mul3A_67, %add3A_68 : i32
    %dma_start3A_70 = arith.constant 0 : i32
    %dma_start3A_71 = arith.constant 0 : i32
    %dma_start3A_72 = tpu.memref_slice %arg6[%dma_start3A_70, %dma_start3A_71] : memref<512x128xf32, #tpu.memory_space<vmem>> -> memref<128x128xf32, #tpu.memory_space<vmem>>
    %dma_start3A_73 = arith.constant 0 : i32
    %dma_start3A_74 = tpu.memref_slice %arg4[%add3A_69, %dma_start3A_73] : memref<16384x128xf32, #tpu.memory_space<hbm>> -> memref<128x128xf32, #tpu.memory_space<hbm>>
    %dma_start3A_75 = arith.constant 0 : i32
    %dma_start3A_76 = tpu.memref_slice %arg4[%add3A_69, %dma_start3A_75] : memref<16384x128xf32, #tpu.memory_space<hbm>> -> memref<128x128xf32, #tpu.memory_space<hbm>>
    %dma_start3A_77 = arith.constant 0 : i32
    %dma_start3A_78 = arith.constant 0 : i32
    %dma_start3A_79 = tpu.memref_slice %arg6[%dma_start3A_77, %dma_start3A_78] : memref<512x128xf32, #tpu.memory_space<vmem>> -> memref<128x128xf32, #tpu.memory_space<vmem>>
    tpu.enqueue_dma source(%dma_start3A_79 : memref<128x128xf32, #tpu.memory_space<vmem>>) target(%dma_start3A_76 : memref<128x128xf32, #tpu.memory_space<hbm>>) target_semaphore(%arg8 : memref<!tpu.dma_semaphore, #tpu.memory_space<semaphore_mem>>)
    %dma_wait3A_80 = arith.constant 1 : i32
    %dma_wait3A_81 = arith.constant 1 : i32
    %dma_wait3A_82 = arith.constant 128 : i32
    %dma_wait3A_83 = arith.constant 0 : i32
    %dma_wait3A_84 = tpu.memref_slice %arg6[%dma_wait3A_82, %dma_wait3A_83] : memref<512x128xf32, #tpu.memory_space<vmem>> -> memref<128x128xf32, #tpu.memory_space<vmem>>
    %dma_wait3A_85 = arith.constant 0 : i32
    %dma_wait3A_86 = tpu.memref_slice %arg5[%dma_wait3A_80, %dma_wait3A_85] : memref<4x128xi32, #tpu.memory_space<vmem>> -> memref<1x128xi32, #tpu.memory_space<vmem>>
    %dma_wait3A_87 = tpu.memref_squeeze %dma_wait3A_86 : memref<1x128xi32, #tpu.memory_space<vmem>> -> memref<128xi32, #tpu.memory_space<vmem>>
    %dma_wait3A_88 = arith.constant 0 : i32
    %dma_wait3A_89 = arith.constant 0 : i32
    %dma_wait3A_90 = tpu.memref_slice %arg3[%dma_wait3A_88, %dma_wait3A_89] : memref<100000x128xf32, #tpu.memory_space<hbm>> -> memref<100000x128xf32, #tpu.memory_space<hbm>>
    %dma_wait3A_91 = tpu.memref_slice %arg7[%dma_wait3A_81] : memref<4x!tpu.dma_semaphore, #tpu.memory_space<semaphore_mem>> -> memref<1x!tpu.dma_semaphore, #tpu.memory_space<semaphore_mem>>
    %dma_wait3A_92 = tpu.memref_squeeze %dma_wait3A_91 : memref<1x!tpu.dma_semaphore, #tpu.memory_space<semaphore_mem>> -> memref<!tpu.dma_semaphore, #tpu.memory_space<semaphore_mem>>
    tpu.wait_indirect_dma semaphore(%dma_wait3A_92 : memref<!tpu.dma_semaphore, #tpu.memory_space<semaphore_mem>>) src(%dma_wait3A_90 : memref<100000x128xf32, #tpu.memory_space<hbm>>) dst(%dma_wait3A_84 : memref<128x128xf32, #tpu.memory_space<vmem>>)
    %parallel_loop3A_93 = arith.constant 128 : i32
    %parallel_loop3A_94 = arith.constant 256 : i32
    %parallel_loop3A_95 = arith.constant 1 : i32
    scf.for %parallel_loop3A_210 = %parallel_loop3A_93 to %parallel_loop3A_94 step %parallel_loop3A_95  : i32 {
      %parallel_loop3A_211 = arith.index_cast %parallel_loop3A_210 : i32 to index
      %parallel_loop3A_212 = arith.constant 0 : index
      %parallel_loop3A_213 = tpu.vector_load %arg6[%parallel_loop3A_211, %parallel_loop3A_212] {strides = array<i32>} : memref<512x128xf32, #tpu.memory_space<vmem>>, vector<1x16xf32>,
      %parallel_loop3A_214 = vector.shape_cast %parallel_loop3A_213 : vector<1x16xf32> to vector<16xf32>
      %parallel_loop3A_215 = math.absf %parallel_loop3A_214 : vector<16xf32>
      %parallel_loop3A_216 = arith.constant 0.000000e+00 : f32
      %parallel_loop3A_217 = vector.broadcast %parallel_loop3A_216 : f32 to vector<16xf32>
      %parallel_loop3A_218 = arith.subf %parallel_loop3A_217, %parallel_loop3A_215 : vector<16xf32>
      %parallel_loop3A_219 = math.exp %parallel_loop3A_218 : vector<16xf32>
      %parallel_loop3A_220 = arith.constant 0.106692433 : f32
      %parallel_loop3A_221 = vector.broadcast %parallel_loop3A_220 : f32 to vector<16xf32>
      %parallel_loop3A_222 = arith.mulf %parallel_loop3A_219, %parallel_loop3A_221 : vector<16xf32>
      %parallel_loop3A_223 = arith.constant -0.393558174 : f32
      %parallel_loop3A_224 = vector.broadcast %parallel_loop3A_223 : f32 to vector<16xf32>
      %parallel_loop3A_225 = arith.addf %parallel_loop3A_224, %parallel_loop3A_222 : vector<16xf32>
      %parallel_loop3A_226 = arith.mulf %parallel_loop3A_219, %parallel_loop3A_225 : vector<16xf32>
      %parallel_loop3A_227 = arith.constant 0.97976917 : f32
      %parallel_loop3A_228 = vector.broadcast %parallel_loop3A_227 : f32 to vector<16xf32>
      %parallel_loop3A_229 = arith.addf %parallel_loop3A_228, %parallel_loop3A_226 : vector<16xf32>
      %parallel_loop3A_230 = arith.mulf %parallel_loop3A_219, %parallel_loop3A_229 : vector<16xf32>
      %parallel_loop3A_231 = arith.constant 9.22316336E-4 : f32
      %parallel_loop3A_232 = vector.broadcast %parallel_loop3A_231 : f32 to vector<16xf32>
      %parallel_loop3A_233 = arith.addf %parallel_loop3A_232, %parallel_loop3A_230 : vector<16xf32>
      %parallel_loop3A_234 = arith.constant 0.000000e+00 : f32
      %parallel_loop3A_235 = vector.broadcast %parallel_loop3A_234 : f32 to vector<16xf32>
      %parallel_loop3A_236 = arith.maximumf %parallel_loop3A_214, %parallel_loop3A_235 : vector<16xf32>
      %parallel_loop3A_237 = arith.addf %parallel_loop3A_236, %parallel_loop3A_233 : vector<16xf32>
      %parallel_loop3A_238 = arith.index_cast %parallel_loop3A_210 : i32 to index
      %parallel_loop3A_239 = arith.constant 64 : index
      %parallel_loop3A_240 = tpu.vector_load %arg6[%parallel_loop3A_238, %parallel_loop3A_239] {strides = array<i32>} : memref<512x128xf32, #tpu.memory_space<vmem>>, vector<1x16xf32>,
      %parallel_loop3A_241 = vector.shape_cast %parallel_loop3A_240 : vector<1x16xf32> to vector<16xf32>
      %parallel_loop3A_242 = math.absf %parallel_loop3A_241 : vector<16xf32>
      %parallel_loop3A_243 = arith.constant 0.000000e+00 : f32
      %parallel_loop3A_244 = vector.broadcast %parallel_loop3A_243 : f32 to vector<16xf32>
      %parallel_loop3A_245 = arith.subf %parallel_loop3A_244, %parallel_loop3A_242 : vector<16xf32>
      %parallel_loop3A_246 = math.exp %parallel_loop3A_245 : vector<16xf32>
      %parallel_loop3A_247 = arith.constant 0.106692433 : f32
      %parallel_loop3A_248 = vector.broadcast %parallel_loop3A_247 : f32 to vector<16xf32>
      %parallel_loop3A_249 = arith.mulf %parallel_loop3A_246, %parallel_loop3A_248 : vector<16xf32>
      %parallel_loop3A_250 = arith.constant -0.393558174 : f32
      %parallel_loop3A_251 = vector.broadcast %parallel_loop3A_250 : f32 to vector<16xf32>
      %parallel_loop3A_252 = arith.addf %parallel_loop3A_251, %parallel_loop3A_249 : vector<16xf32>
      %parallel_loop3A_253 = arith.mulf %parallel_loop3A_246, %parallel_loop3A_252 : vector<16xf32>
      %parallel_loop3A_254 = arith.constant 0.97976917 : f32
      %parallel_loop3A_255 = vector.broadcast %parallel_loop3A_254 : f32 to vector<16xf32>
      %parallel_loop3A_256 = arith.addf %parallel_loop3A_255, %parallel_loop3A_253 : vector<16xf32>
      %parallel_loop3A_257 = arith.mulf %parallel_loop3A_246, %parallel_loop3A_256 : vector<16xf32>
      %parallel_loop3A_258 = arith.constant 9.22316336E-4 : f32
      %parallel_loop3A_259 = vector.broadcast %parallel_loop3A_258 : f32 to vector<16xf32>
      %parallel_loop3A_260 = arith.addf %parallel_loop3A_259, %parallel_loop3A_257 : vector<16xf32>
      %parallel_loop3A_261 = arith.constant 0.000000e+00 : f32
      %parallel_loop3A_262 = vector.broadcast %parallel_loop3A_261 : f32 to vector<16xf32>
      %parallel_loop3A_263 = arith.maximumf %parallel_loop3A_241, %parallel_loop3A_262 : vector<16xf32>
      %parallel_loop3A_264 = arith.addf %parallel_loop3A_263, %parallel_loop3A_260 : vector<16xf32>
      %parallel_loop3A_265 = arith.addf %parallel_loop3A_237, %parallel_loop3A_264 : vector<16xf32>
      %parallel_loop3A_266 = arith.divf %parallel_loop3A_237, %parallel_loop3A_265 : vector<16xf32>
      %parallel_loop3A_267 = arith.index_cast %parallel_loop3A_210 : i32 to index
      %parallel_loop3A_268 = arith.constant 0 : index
      %parallel_loop3A_269 = tpu.vector_load %arg6[%parallel_loop3A_267, %parallel_loop3A_268] {strides = array<i32>} : memref<512x128xf32, #tpu.memory_space<vmem>>, vector<1x16xf32>,
      %parallel_loop3A_270 = vector.shape_cast %parallel_loop3A_269 : vector<1x16xf32> to vector<16xf32>
      %parallel_loop3A_271 = vector.shape_cast %parallel_loop3A_266 : vector<16xf32> to vector<1x16xf32>
      tpu.vector_store %arg6[%parallel_loop3A_267, %parallel_loop3A_268], %parallel_loop3A_271 {strides = array<i32>} : memref<512x128xf32, #tpu.memory_space<vmem>>, vector<1x16xf32>,
      %parallel_loop3A_272 = arith.index_cast %parallel_loop3A_210 : i32 to index
      %parallel_loop3A_273 = arith.constant 16 : index
      %parallel_loop3A_274 = tpu.vector_load %arg6[%parallel_loop3A_272, %parallel_loop3A_273] {strides = array<i32>} : memref<512x128xf32, #tpu.memory_space<vmem>>, vector<1x16xf32>,
      %parallel_loop3A_275 = vector.shape_cast %parallel_loop3A_274 : vector<1x16xf32> to vector<16xf32>
      %parallel_loop3A_276 = math.absf %parallel_loop3A_275 : vector<16xf32>
      %parallel_loop3A_277 = arith.constant 0.000000e+00 : f32
      %parallel_loop3A_278 = vector.broadcast %parallel_loop3A_277 : f32 to vector<16xf32>
      %parallel_loop3A_279 = arith.subf %parallel_loop3A_278, %parallel_loop3A_276 : vector<16xf32>
      %parallel_loop3A_280 = math.exp %parallel_loop3A_279 : vector<16xf32>
      %parallel_loop3A_281 = arith.constant 0.106692433 : f32
      %parallel_loop3A_282 = vector.broadcast %parallel_loop3A_281 : f32 to vector<16xf32>
      %parallel_loop3A_283 = arith.mulf %parallel_loop3A_280, %parallel_loop3A_282 : vector<16xf32>
      %parallel_loop3A_284 = arith.constant -0.393558174 : f32
      %parallel_loop3A_285 = vector.broadcast %parallel_loop3A_284 : f32 to vector<16xf32>
      %parallel_loop3A_286 = arith.addf %parallel_loop3A_285, %parallel_loop3A_283 : vector<16xf32>
      %parallel_loop3A_287 = arith.mulf %parallel_loop3A_280, %parallel_loop3A_286 : vector<16xf32>
      %parallel_loop3A_288 = arith.constant 0.97976917 : f32
      %parallel_loop3A_289 = vector.broadcast %parallel_loop3A_288 : f32 to vector<16xf32>
      %parallel_loop3A_290 = arith.addf %parallel_loop3A_289, %parallel_loop3A_287 : vector<16xf32>
      %parallel_loop3A_291 = arith.mulf %parallel_loop3A_280, %parallel_loop3A_290 : vector<16xf32>
      %parallel_loop3A_292 = arith.constant 9.22316336E-4 : f32
      %parallel_loop3A_293 = vector.broadcast %parallel_loop3A_292 : f32 to vector<16xf32>
      %parallel_loop3A_294 = arith.addf %parallel_loop3A_293, %parallel_loop3A_291 : vector<16xf32>
      %parallel_loop3A_295 = arith.constant 0.000000e+00 : f32
      %parallel_loop3A_296 = vector.broadcast %parallel_loop3A_295 : f32 to vector<16xf32>
      %parallel_loop3A_297 = arith.maximumf %parallel_loop3A_275, %parallel_loop3A_296 : vector<16xf32>
      %parallel_loop3A_298 = arith.addf %parallel_loop3A_297, %parallel_loop3A_294 : vector<16xf32>
      %parallel_loop3A_299 = arith.index_cast %parallel_loop3A_210 : i32 to index
      %parallel_loop3A_300 = arith.constant 80 : index
      %parallel_loop3A_301 = tpu.vector_load %arg6[%parallel_loop3A_299, %parallel_loop3A_300] {strides = array<i32>} : memref<512x128xf32, #tpu.memory_space<vmem>>, vector<1x16xf32>,
      %parallel_loop3A_302 = vector.shape_cast %parallel_loop3A_301 : vector<1x16xf32> to vector<16xf32>
      %parallel_loop3A_303 = math.absf %parallel_loop3A_302 : vector<16xf32>
      %parallel_loop3A_304 = arith.constant 0.000000e+00 : f32
      %parallel_loop3A_305 = vector.broadcast %parallel_loop3A_304 : f32 to vector<16xf32>
      %parallel_loop3A_306 = arith.subf %parallel_loop3A_305, %parallel_loop3A_303 : vector<16xf32>
      %parallel_loop3A_307 = math.exp %parallel_loop3A_306 : vector<16xf32>
      %parallel_loop3A_308 = arith.constant 0.106692433 : f32
      %parallel_loop3A_309 = vector.broadcast %parallel_loop3A_308 : f32 to vector<16xf32>
      %parallel_loop3A_310 = arith.mulf %parallel_loop3A_307, %parallel_loop3A_309 : vector<16xf32>
      %parallel_loop3A_311 = arith.constant -0.393558174 : f32
      %parallel_loop3A_312 = vector.broadcast %parallel_loop3A_311 : f32 to vector<16xf32>
      %parallel_loop3A_313 = arith.addf %parallel_loop3A_312, %parallel_loop3A_310 : vector<16xf32>
      %parallel_loop3A_314 = arith.mulf %parallel_loop3A_307, %parallel_loop3A_313 : vector<16xf32>
      %parallel_loop3A_315 = arith.constant 0.97976917 : f32
      %parallel_loop3A_316 = vector.broadcast %parallel_loop3A_315 : f32 to vector<16xf32>
      %parallel_loop3A_317 = arith.addf %parallel_loop3A_316, %parallel_loop3A_314 : vector<16xf32>
      %parallel_loop3A_318 = arith.mulf %parallel_loop3A_307, %parallel_loop3A_317 : vector<16xf32>
      %parallel_loop3A_319 = arith.constant 9.22316336E-4 : f32
      %parallel_loop3A_320 = vector.broadcast %parallel_loop3A_319 : f32 to vector<16xf32>
      %parallel_loop3A_321 = arith.addf %parallel_loop3A_320, %parallel_loop3A_318 : vector<16xf32>
      %parallel_loop3A_322 = arith.constant 0.000000e+00 : f32
      %parallel_loop3A_323 = vector.broadcast %parallel_loop3A_322 : f32 to vector<16xf32>
      %parallel_loop3A_324 = arith.maximumf %parallel_loop3A_302, %parallel_loop3A_323 : vector<16xf32>
      %parallel_loop3A_325 = arith.addf %parallel_loop3A_324, %parallel_loop3A_321 : vector<16xf32>
      %parallel_loop3A_326 = arith.addf %parallel_loop3A_298, %parallel_loop3A_325 : vector<16xf32>
      %parallel_loop3A_327 = arith.divf %parallel_loop3A_298, %parallel_loop3A_326 : vector<16xf32>
      %parallel_loop3A_328 = arith.index_cast %parallel_loop3A_210 : i32 to index
      %parallel_loop3A_329 = arith.constant 16 : index
      %parallel_loop3A_330 = tpu.vector_load %arg6[%parallel_loop3A_328, %parallel_loop3A_329] {strides = array<i32>} : memref<512x128xf32, #tpu.memory_space<vmem>>, vector<1x16xf32>,
      %parallel_loop3A_331 = vector.shape_cast %parallel_loop3A_330 : vector<1x16xf32> to vector<16xf32>
      %parallel_loop3A_332 = vector.shape_cast %parallel_loop3A_327 : vector<16xf32> to vector<1x16xf32>
      tpu.vector_store %arg6[%parallel_loop3A_328, %parallel_loop3A_329], %parallel_loop3A_332 {strides = array<i32>} : memref<512x128xf32, #tpu.memory_space<vmem>>, vector<1x16xf32>,
      %parallel_loop3A_333 = arith.index_cast %parallel_loop3A_210 : i32 to index
      %parallel_loop3A_334 = arith.constant 32 : index
      %parallel_loop3A_335 = tpu.vector_load %arg6[%parallel_loop3A_333, %parallel_loop3A_334] {strides = array<i32>} : memref<512x128xf32, #tpu.memory_space<vmem>>, vector<1x16xf32>,
      %parallel_loop3A_336 = vector.shape_cast %parallel_loop3A_335 : vector<1x16xf32> to vector<16xf32>
      %parallel_loop3A_337 = math.absf %parallel_loop3A_336 : vector<16xf32>
      %parallel_loop3A_338 = arith.constant 0.000000e+00 : f32
      %parallel_loop3A_339 = vector.broadcast %parallel_loop3A_338 : f32 to vector<16xf32>
      %parallel_loop3A_340 = arith.subf %parallel_loop3A_339, %parallel_loop3A_337 : vector<16xf32>
      %parallel_loop3A_341 = math.exp %parallel_loop3A_340 : vector<16xf32>
      %parallel_loop3A_342 = arith.constant 0.106692433 : f32
      %parallel_loop3A_343 = vector.broadcast %parallel_loop3A_342 : f32 to vector<16xf32>
      %parallel_loop3A_344 = arith.mulf %parallel_loop3A_341, %parallel_loop3A_343 : vector<16xf32>
      %parallel_loop3A_345 = arith.constant -0.393558174 : f32
      %parallel_loop3A_346 = vector.broadcast %parallel_loop3A_345 : f32 to vector<16xf32>
      %parallel_loop3A_347 = arith.addf %parallel_loop3A_346, %parallel_loop3A_344 : vector<16xf32>
      %parallel_loop3A_348 = arith.mulf %parallel_loop3A_341, %parallel_loop3A_347 : vector<16xf32>
      %parallel_loop3A_349 = arith.constant 0.97976917 : f32
      %parallel_loop3A_350 = vector.broadcast %parallel_loop3A_349 : f32 to vector<16xf32>
      %parallel_loop3A_351 = arith.addf %parallel_loop3A_350, %parallel_loop3A_348 : vector<16xf32>
      %parallel_loop3A_352 = arith.mulf %parallel_loop3A_341, %parallel_loop3A_351 : vector<16xf32>
      %parallel_loop3A_353 = arith.constant 9.22316336E-4 : f32
      %parallel_loop3A_354 = vector.broadcast %parallel_loop3A_353 : f32 to vector<16xf32>
      %parallel_loop3A_355 = arith.addf %parallel_loop3A_354, %parallel_loop3A_352 : vector<16xf32>
      %parallel_loop3A_356 = arith.constant 0.000000e+00 : f32
      %parallel_loop3A_357 = vector.broadcast %parallel_loop3A_356 : f32 to vector<16xf32>
      %parallel_loop3A_358 = arith.maximumf %parallel_loop3A_336, %parallel_loop3A_357 : vector<16xf32>
      %parallel_loop3A_359 = arith.addf %parallel_loop3A_358, %parallel_loop3A_355 : vector<16xf32>
      %parallel_loop3A_360 = arith.index_cast %parallel_loop3A_210 : i32 to index
      %parallel_loop3A_361 = arith.constant 96 : index
      %parallel_loop3A_362 = tpu.vector_load %arg6[%parallel_loop3A_360, %parallel_loop3A_361] {strides = array<i32>} : memref<512x128xf32, #tpu.memory_space<vmem>>, vector<1x16xf32>,
      %parallel_loop3A_363 = vector.shape_cast %parallel_loop3A_362 : vector<1x16xf32> to vector<16xf32>
      %parallel_loop3A_364 = math.absf %parallel_loop3A_363 : vector<16xf32>
      %parallel_loop3A_365 = arith.constant 0.000000e+00 : f32
      %parallel_loop3A_366 = vector.broadcast %parallel_loop3A_365 : f32 to vector<16xf32>
      %parallel_loop3A_367 = arith.subf %parallel_loop3A_366, %parallel_loop3A_364 : vector<16xf32>
      %parallel_loop3A_368 = math.exp %parallel_loop3A_367 : vector<16xf32>
      %parallel_loop3A_369 = arith.constant 0.106692433 : f32
      %parallel_loop3A_370 = vector.broadcast %parallel_loop3A_369 : f32 to vector<16xf32>
      %parallel_loop3A_371 = arith.mulf %parallel_loop3A_368, %parallel_loop3A_370 : vector<16xf32>
      %parallel_loop3A_372 = arith.constant -0.393558174 : f32
      %parallel_loop3A_373 = vector.broadcast %parallel_loop3A_372 : f32 to vector<16xf32>
      %parallel_loop3A_374 = arith.addf %parallel_loop3A_373, %parallel_loop3A_371 : vector<16xf32>
      %parallel_loop3A_375 = arith.mulf %parallel_loop3A_368, %parallel_loop3A_374 : vector<16xf32>
      %parallel_loop3A_376 = arith.constant 0.97976917 : f32
      %parallel_loop3A_377 = vector.broadcast %parallel_loop3A_376 : f32 to vector<16xf32>
      %parallel_loop3A_378 = arith.addf %parallel_loop3A_377, %parallel_loop3A_375 : vector<16xf32>
      %parallel_loop3A_379 = arith.mulf %parallel_loop3A_368, %parallel_loop3A_378 : vector<16xf32>
      %parallel_loop3A_380 = arith.constant 9.22316336E-4 : f32
      %parallel_loop3A_381 = vector.broadcast %parallel_loop3A_380 : f32 to vector<16xf32>
      %parallel_loop3A_382 = arith.addf %parallel_loop3A_381, %parallel_loop3A_379 : vector<16xf32>
      %parallel_loop3A_383 = arith.constant 0.000000e+00 : f32
      %parallel_loop3A_384 = vector.broadcast %parallel_loop3A_383 : f32 to vector<16xf32>
      %parallel_loop3A_385 = arith.maximumf %parallel_loop3A_363, %parallel_loop3A_384 : vector<16xf32>
      %parallel_loop3A_386 = arith.addf %parallel_loop3A_385, %parallel_loop3A_382 : vector<16xf32>
      %parallel_loop3A_387 = arith.addf %parallel_loop3A_359, %parallel_loop3A_386 : vector<16xf32>
      %parallel_loop3A_388 = arith.divf %parallel_loop3A_359, %parallel_loop3A_387 : vector<16xf32>
      %parallel_loop3A_389 = arith.index_cast %parallel_loop3A_210 : i32 to index
      %parallel_loop3A_390 = arith.constant 32 : index
      %parallel_loop3A_391 = tpu.vector_load %arg6[%parallel_loop3A_389, %parallel_loop3A_390] {strides = array<i32>} : memref<512x128xf32, #tpu.memory_space<vmem>>, vector<1x16xf32>,
      %parallel_loop3A_392 = vector.shape_cast %parallel_loop3A_391 : vector<1x16xf32> to vector<16xf32>
      %parallel_loop3A_393 = vector.shape_cast %parallel_loop3A_388 : vector<16xf32> to vector<1x16xf32>
      tpu.vector_store %arg6[%parallel_loop3A_389, %parallel_loop3A_390], %parallel_loop3A_393 {strides = array<i32>} : memref<512x128xf32, #tpu.memory_space<vmem>>, vector<1x16xf32>,
      %parallel_loop3A_394 = arith.index_cast %parallel_loop3A_210 : i32 to index
      %parallel_loop3A_395 = arith.constant 48 : index
      %parallel_loop3A_396 = tpu.vector_load %arg6[%parallel_loop3A_394, %parallel_loop3A_395] {strides = array<i32>} : memref<512x128xf32, #tpu.memory_space<vmem>>, vector<1x16xf32>,
      %parallel_loop3A_397 = vector.shape_cast %parallel_loop3A_396 : vector<1x16xf32> to vector<16xf32>
      %parallel_loop3A_398 = math.absf %parallel_loop3A_397 : vector<16xf32>
      %parallel_loop3A_399 = arith.constant 0.000000e+00 : f32
      %parallel_loop3A_400 = vector.broadcast %parallel_loop3A_399 : f32 to vector<16xf32>
      %parallel_loop3A_401 = arith.subf %parallel_loop3A_400, %parallel_loop3A_398 : vector<16xf32>
      %parallel_loop3A_402 = math.exp %parallel_loop3A_401 : vector<16xf32>
      %parallel_loop3A_403 = arith.constant 0.106692433 : f32
      %parallel_loop3A_404 = vector.broadcast %parallel_loop3A_403 : f32 to vector<16xf32>
      %parallel_loop3A_405 = arith.mulf %parallel_loop3A_402, %parallel_loop3A_404 : vector<16xf32>
      %parallel_loop3A_406 = arith.constant -0.393558174 : f32
      %parallel_loop3A_407 = vector.broadcast %parallel_loop3A_406 : f32 to vector<16xf32>
      %parallel_loop3A_408 = arith.addf %parallel_loop3A_407, %parallel_loop3A_405 : vector<16xf32>
      %parallel_loop3A_409 = arith.mulf %parallel_loop3A_402, %parallel_loop3A_408 : vector<16xf32>
      %parallel_loop3A_410 = arith.constant 0.97976917 : f32
      %parallel_loop3A_411 = vector.broadcast %parallel_loop3A_410 : f32 to vector<16xf32>
      %parallel_loop3A_412 = arith.addf %parallel_loop3A_411, %parallel_loop3A_409 : vector<16xf32>
      %parallel_loop3A_413 = arith.mulf %parallel_loop3A_402, %parallel_loop3A_412 : vector<16xf32>
      %parallel_loop3A_414 = arith.constant 9.22316336E-4 : f32
      %parallel_loop3A_415 = vector.broadcast %parallel_loop3A_414 : f32 to vector<16xf32>
      %parallel_loop3A_416 = arith.addf %parallel_loop3A_415, %parallel_loop3A_413 : vector<16xf32>
      %parallel_loop3A_417 = arith.constant 0.000000e+00 : f32
      %parallel_loop3A_418 = vector.broadcast %parallel_loop3A_417 : f32 to vector<16xf32>
      %parallel_loop3A_419 = arith.maximumf %parallel_loop3A_397, %parallel_loop3A_418 : vector<16xf32>
      %parallel_loop3A_420 = arith.addf %parallel_loop3A_419, %parallel_loop3A_416 : vector<16xf32>
      %parallel_loop3A_421 = arith.index_cast %parallel_loop3A_210 : i32 to index
      %parallel_loop3A_422 = arith.constant 112 : index
      %parallel_loop3A_423 = tpu.vector_load %arg6[%parallel_loop3A_421, %parallel_loop3A_422] {strides = array<i32>} : memref<512x128xf32, #tpu.memory_space<vmem>>, vector<1x16xf32>,
      %parallel_loop3A_424 = vector.shape_cast %parallel_loop3A_423 : vector<1x16xf32> to vector<16xf32>
      %parallel_loop3A_425 = math.absf %parallel_loop3A_424 : vector<16xf32>
      %parallel_loop3A_426 = arith.constant 0.000000e+00 : f32
      %parallel_loop3A_427 = vector.broadcast %parallel_loop3A_426 : f32 to vector<16xf32>
      %parallel_loop3A_428 = arith.subf %parallel_loop3A_427, %parallel_loop3A_425 : vector<16xf32>
      %parallel_loop3A_429 = math.exp %parallel_loop3A_428 : vector<16xf32>
      %parallel_loop3A_430 = arith.constant 0.106692433 : f32
      %parallel_loop3A_431 = vector.broadcast %parallel_loop3A_430 : f32 to vector<16xf32>
      %parallel_loop3A_432 = arith.mulf %parallel_loop3A_429, %parallel_loop3A_431 : vector<16xf32>
      %parallel_loop3A_433 = arith.constant -0.393558174 : f32
      %parallel_loop3A_434 = vector.broadcast %parallel_loop3A_433 : f32 to vector<16xf32>
      %parallel_loop3A_435 = arith.addf %parallel_loop3A_434, %parallel_loop3A_432 : vector<16xf32>
      %parallel_loop3A_436 = arith.mulf %parallel_loop3A_429, %parallel_loop3A_435 : vector<16xf32>
      %parallel_loop3A_437 = arith.constant 0.97976917 : f32
      %parallel_loop3A_438 = vector.broadcast %parallel_loop3A_437 : f32 to vector<16xf32>
      %parallel_loop3A_439 = arith.addf %parallel_loop3A_438, %parallel_loop3A_436 : vector<16xf32>
      %parallel_loop3A_440 = arith.mulf %parallel_loop3A_429, %parallel_loop3A_439 : vector<16xf32>
      %parallel_loop3A_441 = arith.constant 9.22316336E-4 : f32
      %parallel_loop3A_442 = vector.broadcast %parallel_loop3A_441 : f32 to vector<16xf32>
      %parallel_loop3A_443 = arith.addf %parallel_loop3A_442, %parallel_loop3A_440 : vector<16xf32>
      %parallel_loop3A_444 = arith.constant 0.000000e+00 : f32
      %parallel_loop3A_445 = vector.broadcast %parallel_loop3A_444 : f32 to vector<16xf32>
      %parallel_loop3A_446 = arith.maximumf %parallel_loop3A_424, %parallel_loop3A_445 : vector<16xf32>
      %parallel_loop3A_447 = arith.addf %parallel_loop3A_446, %parallel_loop3A_443 : vector<16xf32>
      %parallel_loop3A_448 = arith.addf %parallel_loop3A_420, %parallel_loop3A_447 : vector<16xf32>
      %parallel_loop3A_449 = arith.divf %parallel_loop3A_420, %parallel_loop3A_448 : vector<16xf32>
      %parallel_loop3A_450 = arith.index_cast %parallel_loop3A_210 : i32 to index
      %parallel_loop3A_451 = arith.constant 48 : index
      %parallel_loop3A_452 = tpu.vector_load %arg6[%parallel_loop3A_450, %parallel_loop3A_451] {strides = array<i32>} : memref<512x128xf32, #tpu.memory_space<vmem>>, vector<1x16xf32>,
      %parallel_loop3A_453 = vector.shape_cast %parallel_loop3A_452 : vector<1x16xf32> to vector<16xf32>
      %parallel_loop3A_454 = vector.shape_cast %parallel_loop3A_449 : vector<16xf32> to vector<1x16xf32>
      tpu.vector_store %arg6[%parallel_loop3A_450, %parallel_loop3A_451], %parallel_loop3A_454 {strides = array<i32>} : memref<512x128xf32, #tpu.memory_space<vmem>>, vector<1x16xf32>,
    } {sc.loop_unroll_factor = 2 : i64, sc.parallel_access}
    %mul3A_96 = arith.constant 512 : i32
    %mul3A_97 = arith.muli %add3A, %mul3A_96 : i32
    %add3A_98 = arith.constant 128 : i32
    %add3A_99 = arith.addi %mul3A_97, %add3A_98 : i32
    %dma_start3A_100 = arith.constant 128 : i32
    %dma_start3A_101 = arith.constant 0 : i32
    %dma_start3A_102 = tpu.memref_slice %arg6[%dma_start3A_100, %dma_start3A_101] : memref<512x128xf32, #tpu.memory_space<vmem>> -> memref<128x128xf32, #tpu.memory_space<vmem>>
    %dma_start3A_103 = arith.constant 0 : i32
    %dma_start3A_104 = tpu.memref_slice %arg4[%add3A_99, %dma_start3A_103] : memref<16384x128xf32, #tpu.memory_space<hbm>> -> memref<128x128xf32, #tpu.memory_space<hbm>>
    %dma_start3A_105 = arith.constant 0 : i32
    %dma_start3A_106 = tpu.memref_slice %arg4[%add3A_99, %dma_start3A_105] : memref<16384x128xf32, #tpu.memory_space<hbm>> -> memref<128x128xf32, #tpu.memory_space<hbm>>
    %dma_start3A_107 = arith.constant 128 : i32
    %dma_start3A_108 = arith.constant 0 : i32
    %dma_start3A_109 = tpu.memref_slice %arg6[%dma_start3A_107, %dma_start3A_108] : memref<512x128xf32, #tpu.memory_space<vmem>> -> memref<128x128xf32, #tpu.memory_space<vmem>>
    tpu.enqueue_dma source(%dma_start3A_109 : memref<128x128xf32, #tpu.memory_space<vmem>>) target(%dma_start3A_106 : memref<128x128xf32, #tpu.memory_space<hbm>>) target_semaphore(%arg8 : memref<!tpu.dma_semaphore, #tpu.memory_space<semaphore_mem>>)
    %dma_wait3A_110 = arith.constant 2 : i32
    %dma_wait3A_111 = arith.constant 2 : i32
    %dma_wait3A_112 = arith.constant 256 : i32
    %dma_wait3A_113 = arith.constant 0 : i32
    %dma_wait3A_114 = tpu.memref_slice %arg6[%dma_wait3A_112, %dma_wait3A_113] : memref<512x128xf32, #tpu.memory_space<vmem>> -> memref<128x128xf32, #tpu.memory_space<vmem>>
    %dma_wait3A_115 = arith.constant 0 : i32
    %dma_wait3A_116 = tpu.memref_slice %arg5[%dma_wait3A_110, %dma_wait3A_115] : memref<4x128xi32, #tpu.memory_space<vmem>> -> memref<1x128xi32, #tpu.memory_space<vmem>>
    %dma_wait3A_117 = tpu.memref_squeeze %dma_wait3A_116 : memref<1x128xi32, #tpu.memory_space<vmem>> -> memref<128xi32, #tpu.memory_space<vmem>>
    %dma_wait3A_118 = arith.constant 0 : i32
    %dma_wait3A_119 = arith.constant 0 : i32
    %dma_wait3A_120 = tpu.memref_slice %arg3[%dma_wait3A_118, %dma_wait3A_119] : memref<100000x128xf32, #tpu.memory_space<hbm>> -> memref<100000x128xf32, #tpu.memory_space<hbm>>
    %dma_wait3A_121 = tpu.memref_slice %arg7[%dma_wait3A_111] : memref<4x!tpu.dma_semaphore, #tpu.memory_space<semaphore_mem>> -> memref<1x!tpu.dma_semaphore, #tpu.memory_space<semaphore_mem>>
    %dma_wait3A_122 = tpu.memref_squeeze %dma_wait3A_121 : memref<1x!tpu.dma_semaphore, #tpu.memory_space<semaphore_mem>> -> memref<!tpu.dma_semaphore, #tpu.memory_space<semaphore_mem>>
    tpu.wait_indirect_dma semaphore(%dma_wait3A_122 : memref<!tpu.dma_semaphore, #tpu.memory_space<semaphore_mem>>) src(%dma_wait3A_120 : memref<100000x128xf32, #tpu.memory_space<hbm>>) dst(%dma_wait3A_114 : memref<128x128xf32, #tpu.memory_space<vmem>>)
    %parallel_loop3A_123 = arith.constant 256 : i32
    %parallel_loop3A_124 = arith.constant 384 : i32
    %parallel_loop3A_125 = arith.constant 1 : i32
    scf.for %parallel_loop3A_210 = %parallel_loop3A_123 to %parallel_loop3A_124 step %parallel_loop3A_125  : i32 {
      %parallel_loop3A_211 = arith.index_cast %parallel_loop3A_210 : i32 to index
      %parallel_loop3A_212 = arith.constant 0 : index
      %parallel_loop3A_213 = tpu.vector_load %arg6[%parallel_loop3A_211, %parallel_loop3A_212] {strides = array<i32>} : memref<512x128xf32, #tpu.memory_space<vmem>>, vector<1x16xf32>,
      %parallel_loop3A_214 = vector.shape_cast %parallel_loop3A_213 : vector<1x16xf32> to vector<16xf32>
      %parallel_loop3A_215 = math.absf %parallel_loop3A_214 : vector<16xf32>
      %parallel_loop3A_216 = arith.constant 0.000000e+00 : f32
      %parallel_loop3A_217 = vector.broadcast %parallel_loop3A_216 : f32 to vector<16xf32>
      %parallel_loop3A_218 = arith.subf %parallel_loop3A_217, %parallel_loop3A_215 : vector<16xf32>
      %parallel_loop3A_219 = math.exp %parallel_loop3A_218 : vector<16xf32>
      %parallel_loop3A_220 = arith.constant 0.106692433 : f32
      %parallel_loop3A_221 = vector.broadcast %parallel_loop3A_220 : f32 to vector<16xf32>
      %parallel_loop3A_222 = arith.mulf %parallel_loop3A_219, %parallel_loop3A_221 : vector<16xf32>
      %parallel_loop3A_223 = arith.constant -0.393558174 : f32
      %parallel_loop3A_224 = vector.broadcast %parallel_loop3A_223 : f32 to vector<16xf32>
      %parallel_loop3A_225 = arith.addf %parallel_loop3A_224, %parallel_loop3A_222 : vector<16xf32>
      %parallel_loop3A_226 = arith.mulf %parallel_loop3A_219, %parallel_loop3A_225 : vector<16xf32>
      %parallel_loop3A_227 = arith.constant 0.97976917 : f32
      %parallel_loop3A_228 = vector.broadcast %parallel_loop3A_227 : f32 to vector<16xf32>
      %parallel_loop3A_229 = arith.addf %parallel_loop3A_228, %parallel_loop3A_226 : vector<16xf32>
      %parallel_loop3A_230 = arith.mulf %parallel_loop3A_219, %parallel_loop3A_229 : vector<16xf32>
      %parallel_loop3A_231 = arith.constant 9.22316336E-4 : f32
      %parallel_loop3A_232 = vector.broadcast %parallel_loop3A_231 : f32 to vector<16xf32>
      %parallel_loop3A_233 = arith.addf %parallel_loop3A_232, %parallel_loop3A_230 : vector<16xf32>
      %parallel_loop3A_234 = arith.constant 0.000000e+00 : f32
      %parallel_loop3A_235 = vector.broadcast %parallel_loop3A_234 : f32 to vector<16xf32>
      %parallel_loop3A_236 = arith.maximumf %parallel_loop3A_214, %parallel_loop3A_235 : vector<16xf32>
      %parallel_loop3A_237 = arith.addf %parallel_loop3A_236, %parallel_loop3A_233 : vector<16xf32>
      %parallel_loop3A_238 = arith.index_cast %parallel_loop3A_210 : i32 to index
      %parallel_loop3A_239 = arith.constant 64 : index
      %parallel_loop3A_240 = tpu.vector_load %arg6[%parallel_loop3A_238, %parallel_loop3A_239] {strides = array<i32>} : memref<512x128xf32, #tpu.memory_space<vmem>>, vector<1x16xf32>,
      %parallel_loop3A_241 = vector.shape_cast %parallel_loop3A_240 : vector<1x16xf32> to vector<16xf32>
      %parallel_loop3A_242 = math.absf %parallel_loop3A_241 : vector<16xf32>
      %parallel_loop3A_243 = arith.constant 0.000000e+00 : f32
      %parallel_loop3A_244 = vector.broadcast %parallel_loop3A_243 : f32 to vector<16xf32>
      %parallel_loop3A_245 = arith.subf %parallel_loop3A_244, %parallel_loop3A_242 : vector<16xf32>
      %parallel_loop3A_246 = math.exp %parallel_loop3A_245 : vector<16xf32>
      %parallel_loop3A_247 = arith.constant 0.106692433 : f32
      %parallel_loop3A_248 = vector.broadcast %parallel_loop3A_247 : f32 to vector<16xf32>
      %parallel_loop3A_249 = arith.mulf %parallel_loop3A_246, %parallel_loop3A_248 : vector<16xf32>
      %parallel_loop3A_250 = arith.constant -0.393558174 : f32
      %parallel_loop3A_251 = vector.broadcast %parallel_loop3A_250 : f32 to vector<16xf32>
      %parallel_loop3A_252 = arith.addf %parallel_loop3A_251, %parallel_loop3A_249 : vector<16xf32>
      %parallel_loop3A_253 = arith.mulf %parallel_loop3A_246, %parallel_loop3A_252 : vector<16xf32>
      %parallel_loop3A_254 = arith.constant 0.97976917 : f32
      %parallel_loop3A_255 = vector.broadcast %parallel_loop3A_254 : f32 to vector<16xf32>
      %parallel_loop3A_256 = arith.addf %parallel_loop3A_255, %parallel_loop3A_253 : vector<16xf32>
      %parallel_loop3A_257 = arith.mulf %parallel_loop3A_246, %parallel_loop3A_256 : vector<16xf32>
      %parallel_loop3A_258 = arith.constant 9.22316336E-4 : f32
      %parallel_loop3A_259 = vector.broadcast %parallel_loop3A_258 : f32 to vector<16xf32>
      %parallel_loop3A_260 = arith.addf %parallel_loop3A_259, %parallel_loop3A_257 : vector<16xf32>
      %parallel_loop3A_261 = arith.constant 0.000000e+00 : f32
      %parallel_loop3A_262 = vector.broadcast %parallel_loop3A_261 : f32 to vector<16xf32>
      %parallel_loop3A_263 = arith.maximumf %parallel_loop3A_241, %parallel_loop3A_262 : vector<16xf32>
      %parallel_loop3A_264 = arith.addf %parallel_loop3A_263, %parallel_loop3A_260 : vector<16xf32>
      %parallel_loop3A_265 = arith.addf %parallel_loop3A_237, %parallel_loop3A_264 : vector<16xf32>
      %parallel_loop3A_266 = arith.divf %parallel_loop3A_237, %parallel_loop3A_265 : vector<16xf32>
      %parallel_loop3A_267 = arith.index_cast %parallel_loop3A_210 : i32 to index
      %parallel_loop3A_268 = arith.constant 0 : index
      %parallel_loop3A_269 = tpu.vector_load %arg6[%parallel_loop3A_267, %parallel_loop3A_268] {strides = array<i32>} : memref<512x128xf32, #tpu.memory_space<vmem>>, vector<1x16xf32>,
      %parallel_loop3A_270 = vector.shape_cast %parallel_loop3A_269 : vector<1x16xf32> to vector<16xf32>
      %parallel_loop3A_271 = vector.shape_cast %parallel_loop3A_266 : vector<16xf32> to vector<1x16xf32>
      tpu.vector_store %arg6[%parallel_loop3A_267, %parallel_loop3A_268], %parallel_loop3A_271 {strides = array<i32>} : memref<512x128xf32, #tpu.memory_space<vmem>>, vector<1x16xf32>,
      %parallel_loop3A_272 = arith.index_cast %parallel_loop3A_210 : i32 to index
      %parallel_loop3A_273 = arith.constant 16 : index
      %parallel_loop3A_274 = tpu.vector_load %arg6[%parallel_loop3A_272, %parallel_loop3A_273] {strides = array<i32>} : memref<512x128xf32, #tpu.memory_space<vmem>>, vector<1x16xf32>,
      %parallel_loop3A_275 = vector.shape_cast %parallel_loop3A_274 : vector<1x16xf32> to vector<16xf32>
      %parallel_loop3A_276 = math.absf %parallel_loop3A_275 : vector<16xf32>
      %parallel_loop3A_277 = arith.constant 0.000000e+00 : f32
      %parallel_loop3A_278 = vector.broadcast %parallel_loop3A_277 : f32 to vector<16xf32>
      %parallel_loop3A_279 = arith.subf %parallel_loop3A_278, %parallel_loop3A_276 : vector<16xf32>
      %parallel_loop3A_280 = math.exp %parallel_loop3A_279 : vector<16xf32>
      %parallel_loop3A_281 = arith.constant 0.106692433 : f32
      %parallel_loop3A_282 = vector.broadcast %parallel_loop3A_281 : f32 to vector<16xf32>
      %parallel_loop3A_283 = arith.mulf %parallel_loop3A_280, %parallel_loop3A_282 : vector<16xf32>
      %parallel_loop3A_284 = arith.constant -0.393558174 : f32
      %parallel_loop3A_285 = vector.broadcast %parallel_loop3A_284 : f32 to vector<16xf32>
      %parallel_loop3A_286 = arith.addf %parallel_loop3A_285, %parallel_loop3A_283 : vector<16xf32>
      %parallel_loop3A_287 = arith.mulf %parallel_loop3A_280, %parallel_loop3A_286 : vector<16xf32>
      %parallel_loop3A_288 = arith.constant 0.97976917 : f32
      %parallel_loop3A_289 = vector.broadcast %parallel_loop3A_288 : f32 to vector<16xf32>
      %parallel_loop3A_290 = arith.addf %parallel_loop3A_289, %parallel_loop3A_287 : vector<16xf32>
      %parallel_loop3A_291 = arith.mulf %parallel_loop3A_280, %parallel_loop3A_290 : vector<16xf32>
      %parallel_loop3A_292 = arith.constant 9.22316336E-4 : f32
      %parallel_loop3A_293 = vector.broadcast %parallel_loop3A_292 : f32 to vector<16xf32>
      %parallel_loop3A_294 = arith.addf %parallel_loop3A_293, %parallel_loop3A_291 : vector<16xf32>
      %parallel_loop3A_295 = arith.constant 0.000000e+00 : f32
      %parallel_loop3A_296 = vector.broadcast %parallel_loop3A_295 : f32 to vector<16xf32>
      %parallel_loop3A_297 = arith.maximumf %parallel_loop3A_275, %parallel_loop3A_296 : vector<16xf32>
      %parallel_loop3A_298 = arith.addf %parallel_loop3A_297, %parallel_loop3A_294 : vector<16xf32>
      %parallel_loop3A_299 = arith.index_cast %parallel_loop3A_210 : i32 to index
      %parallel_loop3A_300 = arith.constant 80 : index
      %parallel_loop3A_301 = tpu.vector_load %arg6[%parallel_loop3A_299, %parallel_loop3A_300] {strides = array<i32>} : memref<512x128xf32, #tpu.memory_space<vmem>>, vector<1x16xf32>,
      %parallel_loop3A_302 = vector.shape_cast %parallel_loop3A_301 : vector<1x16xf32> to vector<16xf32>
      %parallel_loop3A_303 = math.absf %parallel_loop3A_302 : vector<16xf32>
      %parallel_loop3A_304 = arith.constant 0.000000e+00 : f32
      %parallel_loop3A_305 = vector.broadcast %parallel_loop3A_304 : f32 to vector<16xf32>
      %parallel_loop3A_306 = arith.subf %parallel_loop3A_305, %parallel_loop3A_303 : vector<16xf32>
      %parallel_loop3A_307 = math.exp %parallel_loop3A_306 : vector<16xf32>
      %parallel_loop3A_308 = arith.constant 0.106692433 : f32
      %parallel_loop3A_309 = vector.broadcast %parallel_loop3A_308 : f32 to vector<16xf32>
      %parallel_loop3A_310 = arith.mulf %parallel_loop3A_307, %parallel_loop3A_309 : vector<16xf32>
      %parallel_loop3A_311 = arith.constant -0.393558174 : f32
      %parallel_loop3A_312 = vector.broadcast %parallel_loop3A_311 : f32 to vector<16xf32>
      %parallel_loop3A_313 = arith.addf %parallel_loop3A_312, %parallel_loop3A_310 : vector<16xf32>
      %parallel_loop3A_314 = arith.mulf %parallel_loop3A_307, %parallel_loop3A_313 : vector<16xf32>
      %parallel_loop3A_315 = arith.constant 0.97976917 : f32
      %parallel_loop3A_316 = vector.broadcast %parallel_loop3A_315 : f32 to vector<16xf32>
      %parallel_loop3A_317 = arith.addf %parallel_loop3A_316, %parallel_loop3A_314 : vector<16xf32>
      %parallel_loop3A_318 = arith.mulf %parallel_loop3A_307, %parallel_loop3A_317 : vector<16xf32>
      %parallel_loop3A_319 = arith.constant 9.22316336E-4 : f32
      %parallel_loop3A_320 = vector.broadcast %parallel_loop3A_319 : f32 to vector<16xf32>
      %parallel_loop3A_321 = arith.addf %parallel_loop3A_320, %parallel_loop3A_318 : vector<16xf32>
      %parallel_loop3A_322 = arith.constant 0.000000e+00 : f32
      %parallel_loop3A_323 = vector.broadcast %parallel_loop3A_322 : f32 to vector<16xf32>
      %parallel_loop3A_324 = arith.maximumf %parallel_loop3A_302, %parallel_loop3A_323 : vector<16xf32>
      %parallel_loop3A_325 = arith.addf %parallel_loop3A_324, %parallel_loop3A_321 : vector<16xf32>
      %parallel_loop3A_326 = arith.addf %parallel_loop3A_298, %parallel_loop3A_325 : vector<16xf32>
      %parallel_loop3A_327 = arith.divf %parallel_loop3A_298, %parallel_loop3A_326 : vector<16xf32>
      %parallel_loop3A_328 = arith.index_cast %parallel_loop3A_210 : i32 to index
      %parallel_loop3A_329 = arith.constant 16 : index
      %parallel_loop3A_330 = tpu.vector_load %arg6[%parallel_loop3A_328, %parallel_loop3A_329] {strides = array<i32>} : memref<512x128xf32, #tpu.memory_space<vmem>>, vector<1x16xf32>,
      %parallel_loop3A_331 = vector.shape_cast %parallel_loop3A_330 : vector<1x16xf32> to vector<16xf32>
      %parallel_loop3A_332 = vector.shape_cast %parallel_loop3A_327 : vector<16xf32> to vector<1x16xf32>
      tpu.vector_store %arg6[%parallel_loop3A_328, %parallel_loop3A_329], %parallel_loop3A_332 {strides = array<i32>} : memref<512x128xf32, #tpu.memory_space<vmem>>, vector<1x16xf32>,
      %parallel_loop3A_333 = arith.index_cast %parallel_loop3A_210 : i32 to index
      %parallel_loop3A_334 = arith.constant 32 : index
      %parallel_loop3A_335 = tpu.vector_load %arg6[%parallel_loop3A_333, %parallel_loop3A_334] {strides = array<i32>} : memref<512x128xf32, #tpu.memory_space<vmem>>, vector<1x16xf32>,
      %parallel_loop3A_336 = vector.shape_cast %parallel_loop3A_335 : vector<1x16xf32> to vector<16xf32>
      %parallel_loop3A_337 = math.absf %parallel_loop3A_336 : vector<16xf32>
      %parallel_loop3A_338 = arith.constant 0.000000e+00 : f32
      %parallel_loop3A_339 = vector.broadcast %parallel_loop3A_338 : f32 to vector<16xf32>
      %parallel_loop3A_340 = arith.subf %parallel_loop3A_339, %parallel_loop3A_337 : vector<16xf32>
      %parallel_loop3A_341 = math.exp %parallel_loop3A_340 : vector<16xf32>
      %parallel_loop3A_342 = arith.constant 0.106692433 : f32
      %parallel_loop3A_343 = vector.broadcast %parallel_loop3A_342 : f32 to vector<16xf32>
      %parallel_loop3A_344 = arith.mulf %parallel_loop3A_341, %parallel_loop3A_343 : vector<16xf32>
      %parallel_loop3A_345 = arith.constant -0.393558174 : f32
      %parallel_loop3A_346 = vector.broadcast %parallel_loop3A_345 : f32 to vector<16xf32>
      %parallel_loop3A_347 = arith.addf %parallel_loop3A_346, %parallel_loop3A_344 : vector<16xf32>
      %parallel_loop3A_348 = arith.mulf %parallel_loop3A_341, %parallel_loop3A_347 : vector<16xf32>
      %parallel_loop3A_349 = arith.constant 0.97976917 : f32
      %parallel_loop3A_350 = vector.broadcast %parallel_loop3A_349 : f32 to vector<16xf32>
      %parallel_loop3A_351 = arith.addf %parallel_loop3A_350, %parallel_loop3A_348 : vector<16xf32>
      %parallel_loop3A_352 = arith.mulf %parallel_loop3A_341, %parallel_loop3A_351 : vector<16xf32>
      %parallel_loop3A_353 = arith.constant 9.22316336E-4 : f32
      %parallel_loop3A_354 = vector.broadcast %parallel_loop3A_353 : f32 to vector<16xf32>
      %parallel_loop3A_355 = arith.addf %parallel_loop3A_354, %parallel_loop3A_352 : vector<16xf32>
      %parallel_loop3A_356 = arith.constant 0.000000e+00 : f32
      %parallel_loop3A_357 = vector.broadcast %parallel_loop3A_356 : f32 to vector<16xf32>
      %parallel_loop3A_358 = arith.maximumf %parallel_loop3A_336, %parallel_loop3A_357 : vector<16xf32>
      %parallel_loop3A_359 = arith.addf %parallel_loop3A_358, %parallel_loop3A_355 : vector<16xf32>
      %parallel_loop3A_360 = arith.index_cast %parallel_loop3A_210 : i32 to index
      %parallel_loop3A_361 = arith.constant 96 : index
      %parallel_loop3A_362 = tpu.vector_load %arg6[%parallel_loop3A_360, %parallel_loop3A_361] {strides = array<i32>} : memref<512x128xf32, #tpu.memory_space<vmem>>, vector<1x16xf32>,
      %parallel_loop3A_363 = vector.shape_cast %parallel_loop3A_362 : vector<1x16xf32> to vector<16xf32>
      %parallel_loop3A_364 = math.absf %parallel_loop3A_363 : vector<16xf32>
      %parallel_loop3A_365 = arith.constant 0.000000e+00 : f32
      %parallel_loop3A_366 = vector.broadcast %parallel_loop3A_365 : f32 to vector<16xf32>
      %parallel_loop3A_367 = arith.subf %parallel_loop3A_366, %parallel_loop3A_364 : vector<16xf32>
      %parallel_loop3A_368 = math.exp %parallel_loop3A_367 : vector<16xf32>
      %parallel_loop3A_369 = arith.constant 0.106692433 : f32
      %parallel_loop3A_370 = vector.broadcast %parallel_loop3A_369 : f32 to vector<16xf32>
      %parallel_loop3A_371 = arith.mulf %parallel_loop3A_368, %parallel_loop3A_370 : vector<16xf32>
      %parallel_loop3A_372 = arith.constant -0.393558174 : f32
      %parallel_loop3A_373 = vector.broadcast %parallel_loop3A_372 : f32 to vector<16xf32>
      %parallel_loop3A_374 = arith.addf %parallel_loop3A_373, %parallel_loop3A_371 : vector<16xf32>
      %parallel_loop3A_375 = arith.mulf %parallel_loop3A_368, %parallel_loop3A_374 : vector<16xf32>
      %parallel_loop3A_376 = arith.constant 0.97976917 : f32
      %parallel_loop3A_377 = vector.broadcast %parallel_loop3A_376 : f32 to vector<16xf32>
      %parallel_loop3A_378 = arith.addf %parallel_loop3A_377, %parallel_loop3A_375 : vector<16xf32>
      %parallel_loop3A_379 = arith.mulf %parallel_loop3A_368, %parallel_loop3A_378 : vector<16xf32>
      %parallel_loop3A_380 = arith.constant 9.22316336E-4 : f32
      %parallel_loop3A_381 = vector.broadcast %parallel_loop3A_380 : f32 to vector<16xf32>
      %parallel_loop3A_382 = arith.addf %parallel_loop3A_381, %parallel_loop3A_379 : vector<16xf32>
      %parallel_loop3A_383 = arith.constant 0.000000e+00 : f32
      %parallel_loop3A_384 = vector.broadcast %parallel_loop3A_383 : f32 to vector<16xf32>
      %parallel_loop3A_385 = arith.maximumf %parallel_loop3A_363, %parallel_loop3A_384 : vector<16xf32>
      %parallel_loop3A_386 = arith.addf %parallel_loop3A_385, %parallel_loop3A_382 : vector<16xf32>
      %parallel_loop3A_387 = arith.addf %parallel_loop3A_359, %parallel_loop3A_386 : vector<16xf32>
      %parallel_loop3A_388 = arith.divf %parallel_loop3A_359, %parallel_loop3A_387 : vector<16xf32>
      %parallel_loop3A_389 = arith.index_cast %parallel_loop3A_210 : i32 to index
      %parallel_loop3A_390 = arith.constant 32 : index
      %parallel_loop3A_391 = tpu.vector_load %arg6[%parallel_loop3A_389, %parallel_loop3A_390] {strides = array<i32>} : memref<512x128xf32, #tpu.memory_space<vmem>>, vector<1x16xf32>,
      %parallel_loop3A_392 = vector.shape_cast %parallel_loop3A_391 : vector<1x16xf32> to vector<16xf32>
      %parallel_loop3A_393 = vector.shape_cast %parallel_loop3A_388 : vector<16xf32> to vector<1x16xf32>
      tpu.vector_store %arg6[%parallel_loop3A_389, %parallel_loop3A_390], %parallel_loop3A_393 {strides = array<i32>} : memref<512x128xf32, #tpu.memory_space<vmem>>, vector<1x16xf32>,
      %parallel_loop3A_394 = arith.index_cast %parallel_loop3A_210 : i32 to index
      %parallel_loop3A_395 = arith.constant 48 : index
      %parallel_loop3A_396 = tpu.vector_load %arg6[%parallel_loop3A_394, %parallel_loop3A_395] {strides = array<i32>} : memref<512x128xf32, #tpu.memory_space<vmem>>, vector<1x16xf32>,
      %parallel_loop3A_397 = vector.shape_cast %parallel_loop3A_396 : vector<1x16xf32> to vector<16xf32>
      %parallel_loop3A_398 = math.absf %parallel_loop3A_397 : vector<16xf32>
      %parallel_loop3A_399 = arith.constant 0.000000e+00 : f32
      %parallel_loop3A_400 = vector.broadcast %parallel_loop3A_399 : f32 to vector<16xf32>
      %parallel_loop3A_401 = arith.subf %parallel_loop3A_400, %parallel_loop3A_398 : vector<16xf32>
      %parallel_loop3A_402 = math.exp %parallel_loop3A_401 : vector<16xf32>
      %parallel_loop3A_403 = arith.constant 0.106692433 : f32
      %parallel_loop3A_404 = vector.broadcast %parallel_loop3A_403 : f32 to vector<16xf32>
      %parallel_loop3A_405 = arith.mulf %parallel_loop3A_402, %parallel_loop3A_404 : vector<16xf32>
      %parallel_loop3A_406 = arith.constant -0.393558174 : f32
      %parallel_loop3A_407 = vector.broadcast %parallel_loop3A_406 : f32 to vector<16xf32>
      %parallel_loop3A_408 = arith.addf %parallel_loop3A_407, %parallel_loop3A_405 : vector<16xf32>
      %parallel_loop3A_409 = arith.mulf %parallel_loop3A_402, %parallel_loop3A_408 : vector<16xf32>
      %parallel_loop3A_410 = arith.constant 0.97976917 : f32
      %parallel_loop3A_411 = vector.broadcast %parallel_loop3A_410 : f32 to vector<16xf32>
      %parallel_loop3A_412 = arith.addf %parallel_loop3A_411, %parallel_loop3A_409 : vector<16xf32>
      %parallel_loop3A_413 = arith.mulf %parallel_loop3A_402, %parallel_loop3A_412 : vector<16xf32>
      %parallel_loop3A_414 = arith.constant 9.22316336E-4 : f32
      %parallel_loop3A_415 = vector.broadcast %parallel_loop3A_414 : f32 to vector<16xf32>
      %parallel_loop3A_416 = arith.addf %parallel_loop3A_415, %parallel_loop3A_413 : vector<16xf32>
      %parallel_loop3A_417 = arith.constant 0.000000e+00 : f32
      %parallel_loop3A_418 = vector.broadcast %parallel_loop3A_417 : f32 to vector<16xf32>
      %parallel_loop3A_419 = arith.maximumf %parallel_loop3A_397, %parallel_loop3A_418 : vector<16xf32>
      %parallel_loop3A_420 = arith.addf %parallel_loop3A_419, %parallel_loop3A_416 : vector<16xf32>
      %parallel_loop3A_421 = arith.index_cast %parallel_loop3A_210 : i32 to index
      %parallel_loop3A_422 = arith.constant 112 : index
      %parallel_loop3A_423 = tpu.vector_load %arg6[%parallel_loop3A_421, %parallel_loop3A_422] {strides = array<i32>} : memref<512x128xf32, #tpu.memory_space<vmem>>, vector<1x16xf32>,
      %parallel_loop3A_424 = vector.shape_cast %parallel_loop3A_423 : vector<1x16xf32> to vector<16xf32>
      %parallel_loop3A_425 = math.absf %parallel_loop3A_424 : vector<16xf32>
      %parallel_loop3A_426 = arith.constant 0.000000e+00 : f32
      %parallel_loop3A_427 = vector.broadcast %parallel_loop3A_426 : f32 to vector<16xf32>
      %parallel_loop3A_428 = arith.subf %parallel_loop3A_427, %parallel_loop3A_425 : vector<16xf32>
      %parallel_loop3A_429 = math.exp %parallel_loop3A_428 : vector<16xf32>
      %parallel_loop3A_430 = arith.constant 0.106692433 : f32
      %parallel_loop3A_431 = vector.broadcast %parallel_loop3A_430 : f32 to vector<16xf32>
      %parallel_loop3A_432 = arith.mulf %parallel_loop3A_429, %parallel_loop3A_431 : vector<16xf32>
      %parallel_loop3A_433 = arith.constant -0.393558174 : f32
      %parallel_loop3A_434 = vector.broadcast %parallel_loop3A_433 : f32 to vector<16xf32>
      %parallel_loop3A_435 = arith.addf %parallel_loop3A_434, %parallel_loop3A_432 : vector<16xf32>
      %parallel_loop3A_436 = arith.mulf %parallel_loop3A_429, %parallel_loop3A_435 : vector<16xf32>
      %parallel_loop3A_437 = arith.constant 0.97976917 : f32
      %parallel_loop3A_438 = vector.broadcast %parallel_loop3A_437 : f32 to vector<16xf32>
      %parallel_loop3A_439 = arith.addf %parallel_loop3A_438, %parallel_loop3A_436 : vector<16xf32>
      %parallel_loop3A_440 = arith.mulf %parallel_loop3A_429, %parallel_loop3A_439 : vector<16xf32>
      %parallel_loop3A_441 = arith.constant 9.22316336E-4 : f32
      %parallel_loop3A_442 = vector.broadcast %parallel_loop3A_441 : f32 to vector<16xf32>
      %parallel_loop3A_443 = arith.addf %parallel_loop3A_442, %parallel_loop3A_440 : vector<16xf32>
      %parallel_loop3A_444 = arith.constant 0.000000e+00 : f32
      %parallel_loop3A_445 = vector.broadcast %parallel_loop3A_444 : f32 to vector<16xf32>
      %parallel_loop3A_446 = arith.maximumf %parallel_loop3A_424, %parallel_loop3A_445 : vector<16xf32>
      %parallel_loop3A_447 = arith.addf %parallel_loop3A_446, %parallel_loop3A_443 : vector<16xf32>
      %parallel_loop3A_448 = arith.addf %parallel_loop3A_420, %parallel_loop3A_447 : vector<16xf32>
      %parallel_loop3A_449 = arith.divf %parallel_loop3A_420, %parallel_loop3A_448 : vector<16xf32>
      %parallel_loop3A_450 = arith.index_cast %parallel_loop3A_210 : i32 to index
      %parallel_loop3A_451 = arith.constant 48 : index
      %parallel_loop3A_452 = tpu.vector_load %arg6[%parallel_loop3A_450, %parallel_loop3A_451] {strides = array<i32>} : memref<512x128xf32, #tpu.memory_space<vmem>>, vector<1x16xf32>,
      %parallel_loop3A_453 = vector.shape_cast %parallel_loop3A_452 : vector<1x16xf32> to vector<16xf32>
      %parallel_loop3A_454 = vector.shape_cast %parallel_loop3A_449 : vector<16xf32> to vector<1x16xf32>
      tpu.vector_store %arg6[%parallel_loop3A_450, %parallel_loop3A_451], %parallel_loop3A_454 {strides = array<i32>} : memref<512x128xf32, #tpu.memory_space<vmem>>, vector<1x16xf32>,
    } {sc.loop_unroll_factor = 2 : i64, sc.parallel_access}
    %mul3A_126 = arith.constant 512 : i32
    %mul3A_127 = arith.muli %add3A, %mul3A_126 : i32
    %add3A_128 = arith.constant 256 : i32
    %add3A_129 = arith.addi %mul3A_127, %add3A_128 : i32
    %dma_start3A_130 = arith.constant 256 : i32
    %dma_start3A_131 = arith.constant 0 : i32
    %dma_start3A_132 = tpu.memref_slice %arg6[%dma_start3A_130, %dma_start3A_131] : memref<512x128xf32, #tpu.memory_space<vmem>> -> memref<128x128xf32, #tpu.memory_space<vmem>>
    %dma_start3A_133 = arith.constant 0 : i32
    %dma_start3A_134 = tpu.memref_slice %arg4[%add3A_129, %dma_start3A_133] : memref<16384x128xf32, #tpu.memory_space<hbm>> -> memref<128x128xf32, #tpu.memory_space<hbm>>
    %dma_start3A_135 = arith.constant 0 : i32
    %dma_start3A_136 = tpu.memref_slice %arg4[%add3A_129, %dma_start3A_135] : memref<16384x128xf32, #tpu.memory_space<hbm>> -> memref<128x128xf32, #tpu.memory_space<hbm>>
    %dma_start3A_137 = arith.constant 256 : i32
    %dma_start3A_138 = arith.constant 0 : i32
    %dma_start3A_139 = tpu.memref_slice %arg6[%dma_start3A_137, %dma_start3A_138] : memref<512x128xf32, #tpu.memory_space<vmem>> -> memref<128x128xf32, #tpu.memory_space<vmem>>
    tpu.enqueue_dma source(%dma_start3A_139 : memref<128x128xf32, #tpu.memory_space<vmem>>) target(%dma_start3A_136 : memref<128x128xf32, #tpu.memory_space<hbm>>) target_semaphore(%arg8 : memref<!tpu.dma_semaphore, #tpu.memory_space<semaphore_mem>>)
    %dma_wait3A_140 = arith.constant 3 : i32
    %dma_wait3A_141 = arith.constant 3 : i32
    %dma_wait3A_142 = arith.constant 384 : i32
    %dma_wait3A_143 = arith.constant 0 : i32
    %dma_wait3A_144 = tpu.memref_slice %arg6[%dma_wait3A_142, %dma_wait3A_143] : memref<512x128xf32, #tpu.memory_space<vmem>> -> memref<128x128xf32, #tpu.memory_space<vmem>>
    %dma_wait3A_145 = arith.constant 0 : i32
    %dma_wait3A_146 = tpu.memref_slice %arg5[%dma_wait3A_140, %dma_wait3A_145] : memref<4x128xi32, #tpu.memory_space<vmem>> -> memref<1x128xi32, #tpu.memory_space<vmem>>
    %dma_wait3A_147 = tpu.memref_squeeze %dma_wait3A_146 : memref<1x128xi32, #tpu.memory_space<vmem>> -> memref<128xi32, #tpu.memory_space<vmem>>
    %dma_wait3A_148 = arith.constant 0 : i32
    %dma_wait3A_149 = arith.constant 0 : i32
    %dma_wait3A_150 = tpu.memref_slice %arg3[%dma_wait3A_148, %dma_wait3A_149] : memref<100000x128xf32, #tpu.memory_space<hbm>> -> memref<100000x128xf32, #tpu.memory_space<hbm>>
    %dma_wait3A_151 = tpu.memref_slice %arg7[%dma_wait3A_141] : memref<4x!tpu.dma_semaphore, #tpu.memory_space<semaphore_mem>> -> memref<1x!tpu.dma_semaphore, #tpu.memory_space<semaphore_mem>>
    %dma_wait3A_152 = tpu.memref_squeeze %dma_wait3A_151 : memref<1x!tpu.dma_semaphore, #tpu.memory_space<semaphore_mem>> -> memref<!tpu.dma_semaphore, #tpu.memory_space<semaphore_mem>>
    tpu.wait_indirect_dma semaphore(%dma_wait3A_152 : memref<!tpu.dma_semaphore, #tpu.memory_space<semaphore_mem>>) src(%dma_wait3A_150 : memref<100000x128xf32, #tpu.memory_space<hbm>>) dst(%dma_wait3A_144 : memref<128x128xf32, #tpu.memory_space<vmem>>)
    %parallel_loop3A_153 = arith.constant 384 : i32
    %parallel_loop3A_154 = arith.constant 512 : i32
    %parallel_loop3A_155 = arith.constant 1 : i32
    scf.for %parallel_loop3A_210 = %parallel_loop3A_153 to %parallel_loop3A_154 step %parallel_loop3A_155  : i32 {
      %parallel_loop3A_211 = arith.index_cast %parallel_loop3A_210 : i32 to index
      %parallel_loop3A_212 = arith.constant 0 : index
      %parallel_loop3A_213 = tpu.vector_load %arg6[%parallel_loop3A_211, %parallel_loop3A_212] {strides = array<i32>} : memref<512x128xf32, #tpu.memory_space<vmem>>, vector<1x16xf32>,
      %parallel_loop3A_214 = vector.shape_cast %parallel_loop3A_213 : vector<1x16xf32> to vector<16xf32>
      %parallel_loop3A_215 = math.absf %parallel_loop3A_214 : vector<16xf32>
      %parallel_loop3A_216 = arith.constant 0.000000e+00 : f32
      %parallel_loop3A_217 = vector.broadcast %parallel_loop3A_216 : f32 to vector<16xf32>
      %parallel_loop3A_218 = arith.subf %parallel_loop3A_217, %parallel_loop3A_215 : vector<16xf32>
      %parallel_loop3A_219 = math.exp %parallel_loop3A_218 : vector<16xf32>
      %parallel_loop3A_220 = arith.constant 0.106692433 : f32
      %parallel_loop3A_221 = vector.broadcast %parallel_loop3A_220 : f32 to vector<16xf32>
      %parallel_loop3A_222 = arith.mulf %parallel_loop3A_219, %parallel_loop3A_221 : vector<16xf32>
      %parallel_loop3A_223 = arith.constant -0.393558174 : f32
      %parallel_loop3A_224 = vector.broadcast %parallel_loop3A_223 : f32 to vector<16xf32>
      %parallel_loop3A_225 = arith.addf %parallel_loop3A_224, %parallel_loop3A_222 : vector<16xf32>
      %parallel_loop3A_226 = arith.mulf %parallel_loop3A_219, %parallel_loop3A_225 : vector<16xf32>
      %parallel_loop3A_227 = arith.constant 0.97976917 : f32
      %parallel_loop3A_228 = vector.broadcast %parallel_loop3A_227 : f32 to vector<16xf32>
      %parallel_loop3A_229 = arith.addf %parallel_loop3A_228, %parallel_loop3A_226 : vector<16xf32>
      %parallel_loop3A_230 = arith.mulf %parallel_loop3A_219, %parallel_loop3A_229 : vector<16xf32>
      %parallel_loop3A_231 = arith.constant 9.22316336E-4 : f32
      %parallel_loop3A_232 = vector.broadcast %parallel_loop3A_231 : f32 to vector<16xf32>
      %parallel_loop3A_233 = arith.addf %parallel_loop3A_232, %parallel_loop3A_230 : vector<16xf32>
      %parallel_loop3A_234 = arith.constant 0.000000e+00 : f32
      %parallel_loop3A_235 = vector.broadcast %parallel_loop3A_234 : f32 to vector<16xf32>
      %parallel_loop3A_236 = arith.maximumf %parallel_loop3A_214, %parallel_loop3A_235 : vector<16xf32>
      %parallel_loop3A_237 = arith.addf %parallel_loop3A_236, %parallel_loop3A_233 : vector<16xf32>
      %parallel_loop3A_238 = arith.index_cast %parallel_loop3A_210 : i32 to index
      %parallel_loop3A_239 = arith.constant 64 : index
      %parallel_loop3A_240 = tpu.vector_load %arg6[%parallel_loop3A_238, %parallel_loop3A_239] {strides = array<i32>} : memref<512x128xf32, #tpu.memory_space<vmem>>, vector<1x16xf32>,
      %parallel_loop3A_241 = vector.shape_cast %parallel_loop3A_240 : vector<1x16xf32> to vector<16xf32>
      %parallel_loop3A_242 = math.absf %parallel_loop3A_241 : vector<16xf32>
      %parallel_loop3A_243 = arith.constant 0.000000e+00 : f32
      %parallel_loop3A_244 = vector.broadcast %parallel_loop3A_243 : f32 to vector<16xf32>
      %parallel_loop3A_245 = arith.subf %parallel_loop3A_244, %parallel_loop3A_242 : vector<16xf32>
      %parallel_loop3A_246 = math.exp %parallel_loop3A_245 : vector<16xf32>
      %parallel_loop3A_247 = arith.constant 0.106692433 : f32
      %parallel_loop3A_248 = vector.broadcast %parallel_loop3A_247 : f32 to vector<16xf32>
      %parallel_loop3A_249 = arith.mulf %parallel_loop3A_246, %parallel_loop3A_248 : vector<16xf32>
      %parallel_loop3A_250 = arith.constant -0.393558174 : f32
      %parallel_loop3A_251 = vector.broadcast %parallel_loop3A_250 : f32 to vector<16xf32>
      %parallel_loop3A_252 = arith.addf %parallel_loop3A_251, %parallel_loop3A_249 : vector<16xf32>
      %parallel_loop3A_253 = arith.mulf %parallel_loop3A_246, %parallel_loop3A_252 : vector<16xf32>
      %parallel_loop3A_254 = arith.constant 0.97976917 : f32
      %parallel_loop3A_255 = vector.broadcast %parallel_loop3A_254 : f32 to vector<16xf32>
      %parallel_loop3A_256 = arith.addf %parallel_loop3A_255, %parallel_loop3A_253 : vector<16xf32>
      %parallel_loop3A_257 = arith.mulf %parallel_loop3A_246, %parallel_loop3A_256 : vector<16xf32>
      %parallel_loop3A_258 = arith.constant 9.22316336E-4 : f32
      %parallel_loop3A_259 = vector.broadcast %parallel_loop3A_258 : f32 to vector<16xf32>
      %parallel_loop3A_260 = arith.addf %parallel_loop3A_259, %parallel_loop3A_257 : vector<16xf32>
      %parallel_loop3A_261 = arith.constant 0.000000e+00 : f32
      %parallel_loop3A_262 = vector.broadcast %parallel_loop3A_261 : f32 to vector<16xf32>
      %parallel_loop3A_263 = arith.maximumf %parallel_loop3A_241, %parallel_loop3A_262 : vector<16xf32>
      %parallel_loop3A_264 = arith.addf %parallel_loop3A_263, %parallel_loop3A_260 : vector<16xf32>
      %parallel_loop3A_265 = arith.addf %parallel_loop3A_237, %parallel_loop3A_264 : vector<16xf32>
      %parallel_loop3A_266 = arith.divf %parallel_loop3A_237, %parallel_loop3A_265 : vector<16xf32>
      %parallel_loop3A_267 = arith.index_cast %parallel_loop3A_210 : i32 to index
      %parallel_loop3A_268 = arith.constant 0 : index
      %parallel_loop3A_269 = tpu.vector_load %arg6[%parallel_loop3A_267, %parallel_loop3A_268] {strides = array<i32>} : memref<512x128xf32, #tpu.memory_space<vmem>>, vector<1x16xf32>,
      %parallel_loop3A_270 = vector.shape_cast %parallel_loop3A_269 : vector<1x16xf32> to vector<16xf32>
      %parallel_loop3A_271 = vector.shape_cast %parallel_loop3A_266 : vector<16xf32> to vector<1x16xf32>
      tpu.vector_store %arg6[%parallel_loop3A_267, %parallel_loop3A_268], %parallel_loop3A_271 {strides = array<i32>} : memref<512x128xf32, #tpu.memory_space<vmem>>, vector<1x16xf32>,
      %parallel_loop3A_272 = arith.index_cast %parallel_loop3A_210 : i32 to index
      %parallel_loop3A_273 = arith.constant 16 : index
      %parallel_loop3A_274 = tpu.vector_load %arg6[%parallel_loop3A_272, %parallel_loop3A_273] {strides = array<i32>} : memref<512x128xf32, #tpu.memory_space<vmem>>, vector<1x16xf32>,
      %parallel_loop3A_275 = vector.shape_cast %parallel_loop3A_274 : vector<1x16xf32> to vector<16xf32>
      %parallel_loop3A_276 = math.absf %parallel_loop3A_275 : vector<16xf32>
      %parallel_loop3A_277 = arith.constant 0.000000e+00 : f32
      %parallel_loop3A_278 = vector.broadcast %parallel_loop3A_277 : f32 to vector<16xf32>
      %parallel_loop3A_279 = arith.subf %parallel_loop3A_278, %parallel_loop3A_276 : vector<16xf32>
      %parallel_loop3A_280 = math.exp %parallel_loop3A_279 : vector<16xf32>
      %parallel_loop3A_281 = arith.constant 0.106692433 : f32
      %parallel_loop3A_282 = vector.broadcast %parallel_loop3A_281 : f32 to vector<16xf32>
      %parallel_loop3A_283 = arith.mulf %parallel_loop3A_280, %parallel_loop3A_282 : vector<16xf32>
      %parallel_loop3A_284 = arith.constant -0.393558174 : f32
      %parallel_loop3A_285 = vector.broadcast %parallel_loop3A_284 : f32 to vector<16xf32>
      %parallel_loop3A_286 = arith.addf %parallel_loop3A_285, %parallel_loop3A_283 : vector<16xf32>
      %parallel_loop3A_287 = arith.mulf %parallel_loop3A_280, %parallel_loop3A_286 : vector<16xf32>
      %parallel_loop3A_288 = arith.constant 0.97976917 : f32
      %parallel_loop3A_289 = vector.broadcast %parallel_loop3A_288 : f32 to vector<16xf32>
      %parallel_loop3A_290 = arith.addf %parallel_loop3A_289, %parallel_loop3A_287 : vector<16xf32>
      %parallel_loop3A_291 = arith.mulf %parallel_loop3A_280, %parallel_loop3A_290 : vector<16xf32>
      %parallel_loop3A_292 = arith.constant 9.22316336E-4 : f32
      %parallel_loop3A_293 = vector.broadcast %parallel_loop3A_292 : f32 to vector<16xf32>
      %parallel_loop3A_294 = arith.addf %parallel_loop3A_293, %parallel_loop3A_291 : vector<16xf32>
      %parallel_loop3A_295 = arith.constant 0.000000e+00 : f32
      %parallel_loop3A_296 = vector.broadcast %parallel_loop3A_295 : f32 to vector<16xf32>
      %parallel_loop3A_297 = arith.maximumf %parallel_loop3A_275, %parallel_loop3A_296 : vector<16xf32>
      %parallel_loop3A_298 = arith.addf %parallel_loop3A_297, %parallel_loop3A_294 : vector<16xf32>
      %parallel_loop3A_299 = arith.index_cast %parallel_loop3A_210 : i32 to index
      %parallel_loop3A_300 = arith.constant 80 : index
      %parallel_loop3A_301 = tpu.vector_load %arg6[%parallel_loop3A_299, %parallel_loop3A_300] {strides = array<i32>} : memref<512x128xf32, #tpu.memory_space<vmem>>, vector<1x16xf32>,
      %parallel_loop3A_302 = vector.shape_cast %parallel_loop3A_301 : vector<1x16xf32> to vector<16xf32>
      %parallel_loop3A_303 = math.absf %parallel_loop3A_302 : vector<16xf32>
      %parallel_loop3A_304 = arith.constant 0.000000e+00 : f32
      %parallel_loop3A_305 = vector.broadcast %parallel_loop3A_304 : f32 to vector<16xf32>
      %parallel_loop3A_306 = arith.subf %parallel_loop3A_305, %parallel_loop3A_303 : vector<16xf32>
      %parallel_loop3A_307 = math.exp %parallel_loop3A_306 : vector<16xf32>
      %parallel_loop3A_308 = arith.constant 0.106692433 : f32
      %parallel_loop3A_309 = vector.broadcast %parallel_loop3A_308 : f32 to vector<16xf32>
      %parallel_loop3A_310 = arith.mulf %parallel_loop3A_307, %parallel_loop3A_309 : vector<16xf32>
      %parallel_loop3A_311 = arith.constant -0.393558174 : f32
      %parallel_loop3A_312 = vector.broadcast %parallel_loop3A_311 : f32 to vector<16xf32>
      %parallel_loop3A_313 = arith.addf %parallel_loop3A_312, %parallel_loop3A_310 : vector<16xf32>
      %parallel_loop3A_314 = arith.mulf %parallel_loop3A_307, %parallel_loop3A_313 : vector<16xf32>
      %parallel_loop3A_315 = arith.constant 0.97976917 : f32
      %parallel_loop3A_316 = vector.broadcast %parallel_loop3A_315 : f32 to vector<16xf32>
      %parallel_loop3A_317 = arith.addf %parallel_loop3A_316, %parallel_loop3A_314 : vector<16xf32>
      %parallel_loop3A_318 = arith.mulf %parallel_loop3A_307, %parallel_loop3A_317 : vector<16xf32>
      %parallel_loop3A_319 = arith.constant 9.22316336E-4 : f32
      %parallel_loop3A_320 = vector.broadcast %parallel_loop3A_319 : f32 to vector<16xf32>
      %parallel_loop3A_321 = arith.addf %parallel_loop3A_320, %parallel_loop3A_318 : vector<16xf32>
      %parallel_loop3A_322 = arith.constant 0.000000e+00 : f32
      %parallel_loop3A_323 = vector.broadcast %parallel_loop3A_322 : f32 to vector<16xf32>
      %parallel_loop3A_324 = arith.maximumf %parallel_loop3A_302, %parallel_loop3A_323 : vector<16xf32>
      %parallel_loop3A_325 = arith.addf %parallel_loop3A_324, %parallel_loop3A_321 : vector<16xf32>
      %parallel_loop3A_326 = arith.addf %parallel_loop3A_298, %parallel_loop3A_325 : vector<16xf32>
      %parallel_loop3A_327 = arith.divf %parallel_loop3A_298, %parallel_loop3A_326 : vector<16xf32>
      %parallel_loop3A_328 = arith.index_cast %parallel_loop3A_210 : i32 to index
      %parallel_loop3A_329 = arith.constant 16 : index
      %parallel_loop3A_330 = tpu.vector_load %arg6[%parallel_loop3A_328, %parallel_loop3A_329] {strides = array<i32>} : memref<512x128xf32, #tpu.memory_space<vmem>>, vector<1x16xf32>,
      %parallel_loop3A_331 = vector.shape_cast %parallel_loop3A_330 : vector<1x16xf32> to vector<16xf32>
      %parallel_loop3A_332 = vector.shape_cast %parallel_loop3A_327 : vector<16xf32> to vector<1x16xf32>
      tpu.vector_store %arg6[%parallel_loop3A_328, %parallel_loop3A_329], %parallel_loop3A_332 {strides = array<i32>} : memref<512x128xf32, #tpu.memory_space<vmem>>, vector<1x16xf32>,
      %parallel_loop3A_333 = arith.index_cast %parallel_loop3A_210 : i32 to index
      %parallel_loop3A_334 = arith.constant 32 : index
      %parallel_loop3A_335 = tpu.vector_load %arg6[%parallel_loop3A_333, %parallel_loop3A_334] {strides = array<i32>} : memref<512x128xf32, #tpu.memory_space<vmem>>, vector<1x16xf32>,
      %parallel_loop3A_336 = vector.shape_cast %parallel_loop3A_335 : vector<1x16xf32> to vector<16xf32>
      %parallel_loop3A_337 = math.absf %parallel_loop3A_336 : vector<16xf32>
      %parallel_loop3A_338 = arith.constant 0.000000e+00 : f32
      %parallel_loop3A_339 = vector.broadcast %parallel_loop3A_338 : f32 to vector<16xf32>
      %parallel_loop3A_340 = arith.subf %parallel_loop3A_339, %parallel_loop3A_337 : vector<16xf32>
      %parallel_loop3A_341 = math.exp %parallel_loop3A_340 : vector<16xf32>
      %parallel_loop3A_342 = arith.constant 0.106692433 : f32
      %parallel_loop3A_343 = vector.broadcast %parallel_loop3A_342 : f32 to vector<16xf32>
      %parallel_loop3A_344 = arith.mulf %parallel_loop3A_341, %parallel_loop3A_343 : vector<16xf32>
      %parallel_loop3A_345 = arith.constant -0.393558174 : f32
      %parallel_loop3A_346 = vector.broadcast %parallel_loop3A_345 : f32 to vector<16xf32>
      %parallel_loop3A_347 = arith.addf %parallel_loop3A_346, %parallel_loop3A_344 : vector<16xf32>
      %parallel_loop3A_348 = arith.mulf %parallel_loop3A_341, %parallel_loop3A_347 : vector<16xf32>
      %parallel_loop3A_349 = arith.constant 0.97976917 : f32
      %parallel_loop3A_350 = vector.broadcast %parallel_loop3A_349 : f32 to vector<16xf32>
      %parallel_loop3A_351 = arith.addf %parallel_loop3A_350, %parallel_loop3A_348 : vector<16xf32>
      %parallel_loop3A_352 = arith.mulf %parallel_loop3A_341, %parallel_loop3A_351 : vector<16xf32>
      %parallel_loop3A_353 = arith.constant 9.22316336E-4 : f32
      %parallel_loop3A_354 = vector.broadcast %parallel_loop3A_353 : f32 to vector<16xf32>
      %parallel_loop3A_355 = arith.addf %parallel_loop3A_354, %parallel_loop3A_352 : vector<16xf32>
      %parallel_loop3A_356 = arith.constant 0.000000e+00 : f32
      %parallel_loop3A_357 = vector.broadcast %parallel_loop3A_356 : f32 to vector<16xf32>
      %parallel_loop3A_358 = arith.maximumf %parallel_loop3A_336, %parallel_loop3A_357 : vector<16xf32>
      %parallel_loop3A_359 = arith.addf %parallel_loop3A_358, %parallel_loop3A_355 : vector<16xf32>
      %parallel_loop3A_360 = arith.index_cast %parallel_loop3A_210 : i32 to index
      %parallel_loop3A_361 = arith.constant 96 : index
      %parallel_loop3A_362 = tpu.vector_load %arg6[%parallel_loop3A_360, %parallel_loop3A_361] {strides = array<i32>} : memref<512x128xf32, #tpu.memory_space<vmem>>, vector<1x16xf32>,
      %parallel_loop3A_363 = vector.shape_cast %parallel_loop3A_362 : vector<1x16xf32> to vector<16xf32>
      %parallel_loop3A_364 = math.absf %parallel_loop3A_363 : vector<16xf32>
      %parallel_loop3A_365 = arith.constant 0.000000e+00 : f32
      %parallel_loop3A_366 = vector.broadcast %parallel_loop3A_365 : f32 to vector<16xf32>
      %parallel_loop3A_367 = arith.subf %parallel_loop3A_366, %parallel_loop3A_364 : vector<16xf32>
      %parallel_loop3A_368 = math.exp %parallel_loop3A_367 : vector<16xf32>
      %parallel_loop3A_369 = arith.constant 0.106692433 : f32
      %parallel_loop3A_370 = vector.broadcast %parallel_loop3A_369 : f32 to vector<16xf32>
      %parallel_loop3A_371 = arith.mulf %parallel_loop3A_368, %parallel_loop3A_370 : vector<16xf32>
      %parallel_loop3A_372 = arith.constant -0.393558174 : f32
      %parallel_loop3A_373 = vector.broadcast %parallel_loop3A_372 : f32 to vector<16xf32>
      %parallel_loop3A_374 = arith.addf %parallel_loop3A_373, %parallel_loop3A_371 : vector<16xf32>
      %parallel_loop3A_375 = arith.mulf %parallel_loop3A_368, %parallel_loop3A_374 : vector<16xf32>
      %parallel_loop3A_376 = arith.constant 0.97976917 : f32
      %parallel_loop3A_377 = vector.broadcast %parallel_loop3A_376 : f32 to vector<16xf32>
      %parallel_loop3A_378 = arith.addf %parallel_loop3A_377, %parallel_loop3A_375 : vector<16xf32>
      %parallel_loop3A_379 = arith.mulf %parallel_loop3A_368, %parallel_loop3A_378 : vector<16xf32>
      %parallel_loop3A_380 = arith.constant 9.22316336E-4 : f32
      %parallel_loop3A_381 = vector.broadcast %parallel_loop3A_380 : f32 to vector<16xf32>
      %parallel_loop3A_382 = arith.addf %parallel_loop3A_381, %parallel_loop3A_379 : vector<16xf32>
      %parallel_loop3A_383 = arith.constant 0.000000e+00 : f32
      %parallel_loop3A_384 = vector.broadcast %parallel_loop3A_383 : f32 to vector<16xf32>
      %parallel_loop3A_385 = arith.maximumf %parallel_loop3A_363, %parallel_loop3A_384 : vector<16xf32>
      %parallel_loop3A_386 = arith.addf %parallel_loop3A_385, %parallel_loop3A_382 : vector<16xf32>
      %parallel_loop3A_387 = arith.addf %parallel_loop3A_359, %parallel_loop3A_386 : vector<16xf32>
      %parallel_loop3A_388 = arith.divf %parallel_loop3A_359, %parallel_loop3A_387 : vector<16xf32>
      %parallel_loop3A_389 = arith.index_cast %parallel_loop3A_210 : i32 to index
      %parallel_loop3A_390 = arith.constant 32 : index
      %parallel_loop3A_391 = tpu.vector_load %arg6[%parallel_loop3A_389, %parallel_loop3A_390] {strides = array<i32>} : memref<512x128xf32, #tpu.memory_space<vmem>>, vector<1x16xf32>,
      %parallel_loop3A_392 = vector.shape_cast %parallel_loop3A_391 : vector<1x16xf32> to vector<16xf32>
      %parallel_loop3A_393 = vector.shape_cast %parallel_loop3A_388 : vector<16xf32> to vector<1x16xf32>
      tpu.vector_store %arg6[%parallel_loop3A_389, %parallel_loop3A_390], %parallel_loop3A_393 {strides = array<i32>} : memref<512x128xf32, #tpu.memory_space<vmem>>, vector<1x16xf32>,
      %parallel_loop3A_394 = arith.index_cast %parallel_loop3A_210 : i32 to index
      %parallel_loop3A_395 = arith.constant 48 : index
      %parallel_loop3A_396 = tpu.vector_load %arg6[%parallel_loop3A_394, %parallel_loop3A_395] {strides = array<i32>} : memref<512x128xf32, #tpu.memory_space<vmem>>, vector<1x16xf32>,
      %parallel_loop3A_397 = vector.shape_cast %parallel_loop3A_396 : vector<1x16xf32> to vector<16xf32>
      %parallel_loop3A_398 = math.absf %parallel_loop3A_397 : vector<16xf32>
      %parallel_loop3A_399 = arith.constant 0.000000e+00 : f32
      %parallel_loop3A_400 = vector.broadcast %parallel_loop3A_399 : f32 to vector<16xf32>
      %parallel_loop3A_401 = arith.subf %parallel_loop3A_400, %parallel_loop3A_398 : vector<16xf32>
      %parallel_loop3A_402 = math.exp %parallel_loop3A_401 : vector<16xf32>
      %parallel_loop3A_403 = arith.constant 0.106692433 : f32
      %parallel_loop3A_404 = vector.broadcast %parallel_loop3A_403 : f32 to vector<16xf32>
      %parallel_loop3A_405 = arith.mulf %parallel_loop3A_402, %parallel_loop3A_404 : vector<16xf32>
      %parallel_loop3A_406 = arith.constant -0.393558174 : f32
      %parallel_loop3A_407 = vector.broadcast %parallel_loop3A_406 : f32 to vector<16xf32>
      %parallel_loop3A_408 = arith.addf %parallel_loop3A_407, %parallel_loop3A_405 : vector<16xf32>
      %parallel_loop3A_409 = arith.mulf %parallel_loop3A_402, %parallel_loop3A_408 : vector<16xf32>
      %parallel_loop3A_410 = arith.constant 0.97976917 : f32
      %parallel_loop3A_411 = vector.broadcast %parallel_loop3A_410 : f32 to vector<16xf32>
      %parallel_loop3A_412 = arith.addf %parallel_loop3A_411, %parallel_loop3A_409 : vector<16xf32>
      %parallel_loop3A_413 = arith.mulf %parallel_loop3A_402, %parallel_loop3A_412 : vector<16xf32>
      %parallel_loop3A_414 = arith.constant 9.22316336E-4 : f32
      %parallel_loop3A_415 = vector.broadcast %parallel_loop3A_414 : f32 to vector<16xf32>
      %parallel_loop3A_416 = arith.addf %parallel_loop3A_415, %parallel_loop3A_413 : vector<16xf32>
      %parallel_loop3A_417 = arith.constant 0.000000e+00 : f32
      %parallel_loop3A_418 = vector.broadcast %parallel_loop3A_417 : f32 to vector<16xf32>
      %parallel_loop3A_419 = arith.maximumf %parallel_loop3A_397, %parallel_loop3A_418 : vector<16xf32>
      %parallel_loop3A_420 = arith.addf %parallel_loop3A_419, %parallel_loop3A_416 : vector<16xf32>
      %parallel_loop3A_421 = arith.index_cast %parallel_loop3A_210 : i32 to index
      %parallel_loop3A_422 = arith.constant 112 : index
      %parallel_loop3A_423 = tpu.vector_load %arg6[%parallel_loop3A_421, %parallel_loop3A_422] {strides = array<i32>} : memref<512x128xf32, #tpu.memory_space<vmem>>, vector<1x16xf32>,
      %parallel_loop3A_424 = vector.shape_cast %parallel_loop3A_423 : vector<1x16xf32> to vector<16xf32>
      %parallel_loop3A_425 = math.absf %parallel_loop3A_424 : vector<16xf32>
      %parallel_loop3A_426 = arith.constant 0.000000e+00 : f32
      %parallel_loop3A_427 = vector.broadcast %parallel_loop3A_426 : f32 to vector<16xf32>
      %parallel_loop3A_428 = arith.subf %parallel_loop3A_427, %parallel_loop3A_425 : vector<16xf32>
      %parallel_loop3A_429 = math.exp %parallel_loop3A_428 : vector<16xf32>
      %parallel_loop3A_430 = arith.constant 0.106692433 : f32
      %parallel_loop3A_431 = vector.broadcast %parallel_loop3A_430 : f32 to vector<16xf32>
      %parallel_loop3A_432 = arith.mulf %parallel_loop3A_429, %parallel_loop3A_431 : vector<16xf32>
      %parallel_loop3A_433 = arith.constant -0.393558174 : f32
      %parallel_loop3A_434 = vector.broadcast %parallel_loop3A_433 : f32 to vector<16xf32>
      %parallel_loop3A_435 = arith.addf %parallel_loop3A_434, %parallel_loop3A_432 : vector<16xf32>
      %parallel_loop3A_436 = arith.mulf %parallel_loop3A_429, %parallel_loop3A_435 : vector<16xf32>
      %parallel_loop3A_437 = arith.constant 0.97976917 : f32
      %parallel_loop3A_438 = vector.broadcast %parallel_loop3A_437 : f32 to vector<16xf32>
      %parallel_loop3A_439 = arith.addf %parallel_loop3A_438, %parallel_loop3A_436 : vector<16xf32>
      %parallel_loop3A_440 = arith.mulf %parallel_loop3A_429, %parallel_loop3A_439 : vector<16xf32>
      %parallel_loop3A_441 = arith.constant 9.22316336E-4 : f32
      %parallel_loop3A_442 = vector.broadcast %parallel_loop3A_441 : f32 to vector<16xf32>
      %parallel_loop3A_443 = arith.addf %parallel_loop3A_442, %parallel_loop3A_440 : vector<16xf32>
      %parallel_loop3A_444 = arith.constant 0.000000e+00 : f32
      %parallel_loop3A_445 = vector.broadcast %parallel_loop3A_444 : f32 to vector<16xf32>
      %parallel_loop3A_446 = arith.maximumf %parallel_loop3A_424, %parallel_loop3A_445 : vector<16xf32>
      %parallel_loop3A_447 = arith.addf %parallel_loop3A_446, %parallel_loop3A_443 : vector<16xf32>
      %parallel_loop3A_448 = arith.addf %parallel_loop3A_420, %parallel_loop3A_447 : vector<16xf32>
      %parallel_loop3A_449 = arith.divf %parallel_loop3A_420, %parallel_loop3A_448 : vector<16xf32>
      %parallel_loop3A_450 = arith.index_cast %parallel_loop3A_210 : i32 to index
      %parallel_loop3A_451 = arith.constant 48 : index
      %parallel_loop3A_452 = tpu.vector_load %arg6[%parallel_loop3A_450, %parallel_loop3A_451] {strides = array<i32>} : memref<512x128xf32, #tpu.memory_space<vmem>>, vector<1x16xf32>,
      %parallel_loop3A_453 = vector.shape_cast %parallel_loop3A_452 : vector<1x16xf32> to vector<16xf32>
      %parallel_loop3A_454 = vector.shape_cast %parallel_loop3A_449 : vector<16xf32> to vector<1x16xf32>
      tpu.vector_store %arg6[%parallel_loop3A_450, %parallel_loop3A_451], %parallel_loop3A_454 {strides = array<i32>} : memref<512x128xf32, #tpu.memory_space<vmem>>, vector<1x16xf32>,
    } {sc.loop_unroll_factor = 2 : i64, sc.parallel_access}
    %mul3A_156 = arith.constant 512 : i32
    %mul3A_157 = arith.muli %add3A, %mul3A_156 : i32
    %add3A_158 = arith.constant 384 : i32
    %add3A_159 = arith.addi %mul3A_157, %add3A_158 : i32
    %dma_start3A_160 = arith.constant 384 : i32
    %dma_start3A_161 = arith.constant 0 : i32
    %dma_start3A_162 = tpu.memref_slice %arg6[%dma_start3A_160, %dma_start3A_161] : memref<512x128xf32, #tpu.memory_space<vmem>> -> memref<128x128xf32, #tpu.memory_space<vmem>>
    %dma_start3A_163 = arith.constant 0 : i32
    %dma_start3A_164 = tpu.memref_slice %arg4[%add3A_159, %dma_start3A_163] : memref<16384x128xf32, #tpu.memory_space<hbm>> -> memref<128x128xf32, #tpu.memory_space<hbm>>
    %dma_start3A_165 = arith.constant 0 : i32
    %dma_start3A_166 = tpu.memref_slice %arg4[%add3A_159, %dma_start3A_165] : memref<16384x128xf32, #tpu.memory_space<hbm>> -> memref<128x128xf32, #tpu.memory_space<hbm>>
    %dma_start3A_167 = arith.constant 384 : i32
    %dma_start3A_168 = arith.constant 0 : i32
    %dma_start3A_169 = tpu.memref_slice %arg6[%dma_start3A_167, %dma_start3A_168] : memref<512x128xf32, #tpu.memory_space<vmem>> -> memref<128x128xf32, #tpu.memory_space<vmem>>
    tpu.enqueue_dma source(%dma_start3A_169 : memref<128x128xf32, #tpu.memory_space<vmem>>) target(%dma_start3A_166 : memref<128x128xf32, #tpu.memory_space<hbm>>) target_semaphore(%arg8 : memref<!tpu.dma_semaphore, #tpu.memory_space<semaphore_mem>>)
    %dma_wait3A_170 = arith.constant 0 : i32
    %dma_wait3A_171 = arith.constant 0 : i32
    %dma_wait3A_172 = tpu.memref_slice %arg6[%dma_wait3A_170, %dma_wait3A_171] : memref<512x128xf32, #tpu.memory_space<vmem>> -> memref<128x128xf32, #tpu.memory_space<vmem>>
    %dma_wait3A_173 = arith.constant 0 : i32
    %dma_wait3A_174 = tpu.memref_slice %arg4[%add3A_69, %dma_wait3A_173] : memref<16384x128xf32, #tpu.memory_space<hbm>> -> memref<128x128xf32, #tpu.memory_space<hbm>>
    %dma_wait3A_175 = arith.constant 0 : i32
    %dma_wait3A_176 = tpu.memref_slice %arg4[%add3A_69, %dma_wait3A_175] : memref<16384x128xf32, #tpu.memory_space<hbm>> -> memref<128x128xf32, #tpu.memory_space<hbm>>
    %dma_wait3A_177 = arith.constant 0 : i32
    %dma_wait3A_178 = arith.constant 0 : i32
    %dma_wait3A_179 = tpu.memref_slice %arg6[%dma_wait3A_177, %dma_wait3A_178] : memref<512x128xf32, #tpu.memory_space<vmem>> -> memref<128x128xf32, #tpu.memory_space<vmem>>
    tpu.wait_dma2 semaphore(%arg8 : memref<!tpu.dma_semaphore, #tpu.memory_space<semaphore_mem>>) src(%dma_wait3A_179 : memref<128x128xf32, #tpu.memory_space<vmem>>) dst(%dma_wait3A_176 : memref<128x128xf32, #tpu.memory_space<hbm>>)
    %dma_wait3A_180 = arith.constant 128 : i32
    %dma_wait3A_181 = arith.constant 0 : i32
    %dma_wait3A_182 = tpu.memref_slice %arg6[%dma_wait3A_180, %dma_wait3A_181] : memref<512x128xf32, #tpu.memory_space<vmem>> -> memref<128x128xf32, #tpu.memory_space<vmem>>
    %dma_wait3A_183 = arith.constant 0 : i32
    %dma_wait3A_184 = tpu.memref_slice %arg4[%add3A_99, %dma_wait3A_183] : memref<16384x128xf32, #tpu.memory_space<hbm>> -> memref<128x128xf32, #tpu.memory_space<hbm>>
    %dma_wait3A_185 = arith.constant 0 : i32
    %dma_wait3A_186 = tpu.memref_slice %arg4[%add3A_99, %dma_wait3A_185] : memref<16384x128xf32, #tpu.memory_space<hbm>> -> memref<128x128xf32, #tpu.memory_space<hbm>>
    %dma_wait3A_187 = arith.constant 128 : i32
    %dma_wait3A_188 = arith.constant 0 : i32
    %dma_wait3A_189 = tpu.memref_slice %arg6[%dma_wait3A_187, %dma_wait3A_188] : memref<512x128xf32, #tpu.memory_space<vmem>> -> memref<128x128xf32, #tpu.memory_space<vmem>>
    tpu.wait_dma2 semaphore(%arg8 : memref<!tpu.dma_semaphore, #tpu.memory_space<semaphore_mem>>) src(%dma_wait3A_189 : memref<128x128xf32, #tpu.memory_space<vmem>>) dst(%dma_wait3A_186 : memref<128x128xf32, #tpu.memory_space<hbm>>)
    %dma_wait3A_190 = arith.constant 256 : i32
    %dma_wait3A_191 = arith.constant 0 : i32
    %dma_wait3A_192 = tpu.memref_slice %arg6[%dma_wait3A_190, %dma_wait3A_191] : memref<512x128xf32, #tpu.memory_space<vmem>> -> memref<128x128xf32, #tpu.memory_space<vmem>>
    %dma_wait3A_193 = arith.constant 0 : i32
    %dma_wait3A_194 = tpu.memref_slice %arg4[%add3A_129, %dma_wait3A_193] : memref<16384x128xf32, #tpu.memory_space<hbm>> -> memref<128x128xf32, #tpu.memory_space<hbm>>
    %dma_wait3A_195 = arith.constant 0 : i32
    %dma_wait3A_196 = tpu.memref_slice %arg4[%add3A_129, %dma_wait3A_195] : memref<16384x128xf32, #tpu.memory_space<hbm>> -> memref<128x128xf32, #tpu.memory_space<hbm>>
    %dma_wait3A_197 = arith.constant 256 : i32
    %dma_wait3A_198 = arith.constant 0 : i32
    %dma_wait3A_199 = tpu.memref_slice %arg6[%dma_wait3A_197, %dma_wait3A_198] : memref<512x128xf32, #tpu.memory_space<vmem>> -> memref<128x128xf32, #tpu.memory_space<vmem>>
    tpu.wait_dma2 semaphore(%arg8 : memref<!tpu.dma_semaphore, #tpu.memory_space<semaphore_mem>>) src(%dma_wait3A_199 : memref<128x128xf32, #tpu.memory_space<vmem>>) dst(%dma_wait3A_196 : memref<128x128xf32, #tpu.memory_space<hbm>>)
    %dma_wait3A_200 = arith.constant 384 : i32
    %dma_wait3A_201 = arith.constant 0 : i32
    %dma_wait3A_202 = tpu.memref_slice %arg6[%dma_wait3A_200, %dma_wait3A_201] : memref<512x128xf32, #tpu.memory_space<vmem>> -> memref<128x128xf32, #tpu.memory_space<vmem>>
    %dma_wait3A_203 = arith.constant 0 : i32
    %dma_wait3A_204 = tpu.memref_slice %arg4[%add3A_159, %dma_wait3A_203] : memref<16384x128xf32, #tpu.memory_space<hbm>> -> memref<128x128xf32, #tpu.memory_space<hbm>>
    %dma_wait3A_205 = arith.constant 0 : i32
    %dma_wait3A_206 = tpu.memref_slice %arg4[%add3A_159, %dma_wait3A_205] : memref<16384x128xf32, #tpu.memory_space<hbm>> -> memref<128x128xf32, #tpu.memory_space<hbm>>
    %dma_wait3A_207 = arith.constant 384 : i32
    %dma_wait3A_208 = arith.constant 0 : i32
    %dma_wait3A_209 = tpu.memref_slice %arg6[%dma_wait3A_207, %dma_wait3A_208] : memref<512x128xf32, #tpu.memory_space<vmem>> -> memref<128x128xf32, #tpu.memory_space<vmem>>
    tpu.wait_dma2 semaphore(%arg8 : memref<!tpu.dma_semaphore, #tpu.memory_space<semaphore_mem>>) src(%dma_wait3A_209 : memref<128x128xf32, #tpu.memory_space<vmem>>) dst(%dma_wait3A_206 : memref<128x128xf32, #tpu.memory_space<hbm>>)
    return
  }
}

</mosaic_0001>

<sc_bundles>
// kernel: kernel.3.cloned.1.call-start
scs
__scs_entry_jumppad:
0x0: {  	(pc) =	sbr.rel $0x88, $3  }
0x1: {  	(tag) =	ssettag $0x0;
	lr =	simm.s32 $0x1  }
0x2: {  	[smem:$0x3F9E] =	sst lr;
	_ =	strace $0xD0000000  }
0x3: {  	_ = 	snop  }
0x4: {  	_ = 	snop  }
0x5: {  	_ = 	snop  }
0x6: {  	_ = 	snop  }
0x7: {  	_ = 	snop  }
__scs_overlays_trampoline_lowered:
0x8: {  	[smem:$0x3FAD] =	sst s0  }
0x9: {  	[smem:$0x3FAE] =	sst s1  }
0xa: {  	[smem:$0x3FAF] =	sst s2  }
0xb: {  	[smem:$0x3FB0] =	sst s3  }
0xc: {  	[smem:$0x3FB1] =	sst s4  }
0xd: {  	[smem:$0x3FB2] =	sst s5  }
0xe: {  	[smem:$0x3FB3] =	sst s6  }
0xf: {  	[smem:$0x3FB4] =	sst s7  }
0x10: {  	[smem:$0x3FB5] =	sst s8  }
0x11: {  	[smem:$0x3FB6] =	sst s9;
	s0 =	simm.s32 @!p0 $0x0  }
0x12: {  	s1 =	sld [smem:$0x3F9C];
	s0 =	simm.s32 @p0 $0x1  }
0x13: {  	[smem:$0x3FB7] =	sst s0;
	s0 =	simm.s32 @!p1 $0x0  }
0x14: {  	s2 =	sld [smem:$0x3F9B];
	s0 =	simm.s32 @p1 $0x1  }
0x15: {  	[smem:$0x3FB8] =	sst s0;
	s0 =	simm.s32 @!p2 $0x0  }
0x16: {  	s3 =	sld [smem:$0x3FDB];
	s0 =	simm.s32 @p2 $0x1  }
0x17: {  	s4 =	simm.s32 $0x1BF5;
	[smem:$0x3FBA] =	sst s0  }
0x18: {  	s0 =	sld [smem:$0x3F9D];
	_ =	swait.ge [sflag:s4], $0x0  }
0x19: {  	s7 =	sld [smem:$0x3F9E]  }
0x1a: {  	s8 =	sadd.s32 $0xFFFFE003, lr  }
0x1b: {  	s9 =	sadd.s32 $0xFFFFFEF7, lr;
	s5 =	simm.s32 $0xFFFFFFFF;
	p2 =	slt.u32 s8, $0xFFFFF086  }
0x1c: {  	p1 =	slt.u32 s9, $0xF7A;
	s5 =	simm.s32 @!p2 $0x0  }
0x1d: {  	s5 =	simm.s32 @p1 $0x1;
	p0 =	seq.s32 s7, s2  }
0x1e: {  	s7 =	smul.u32 @!p0 $0xF7A, s2;
	p2 =	seq.s32 @!p0 s5, $0x0  }
0x1f: {  	s9 =	smul.u32 $0xF7A, s1;
	s8 =	simm.s32 @!p0 $0x1BF5;
	p2 =	por !p2, p0  }
0x20: {  	[sflag:s8] =	ssyncset.s32 @!p0 $0xFFFFF086;
	s6 =	sadd.s32 @!p0 s3, s7;
	s7 =	simm.s32 @!p0 $0x108  }
0x21: {  	s3 =	sadd.s32 s3, s9;
	s6 =	sadd.s32 @!p0 $0x88, s6;
	s7 =	simm.s32 @p2 $0x1082  }
0x22: {  	[simem:s7], [sflag:s8] =	dma.local @!p0 [hbm:s6], $0xF7A  }
0x23: {  	s9 =	sor.u32 $0xD0000000, s2;
	s6 =	simm.s32 $0x108;
	_ =	swait.ge @!p0 [sflag:s8], $0x0  }
0x24: {  	s3 =	sadd.s32 $0x88, s3;
	s6 =	simm.s32 @!p1 $0x1082;
	[sflag:s4] =	ssyncset.s32 $0xFFFFF086  }
0x25: {  	[simem:s6], [sflag:s4] =	dma.local [hbm:s3], $0xF7A  }
0x26: {  	[smem:$0x3F9E] =	sst s1;
	(tag) =	ssettag s2;
	_ =	strace s9  }
0x27: {  	s1 =	sld [smem:$0x3FAE]  }
0x28: {  	s2 =	sld [smem:$0x3FAF]  }
0x29: {  	s4 =	sld [smem:$0x3FB1]  }
0x2a: {  	p0 =	seq.s32 s5, $0x0;
	s5 =	sld [smem:$0x3FB2]  }
0x2b: {  	s6 =	sld [smem:$0x3FB3]  }
0x2c: {  	s7 =	sld [smem:$0x3FB4]  }
0x2d: {  	s3 =	simm.s32 $0x108;
	s8 =	sld [smem:$0x3FB5]  }
0x2e: {  	s3 =	simm.s32 @!p0 $0x1082;
	s9 =	sld [smem:$0x3FB6]  }
0x2f: {  	lr =	sadd.s32 s0, s3;
	s0 =	sld [smem:$0x3FAD]  }
0x30: {  	s3 =	sld [smem:$0x3FB0]  }
0x31: {  	[smem:$0x3FB9] =	sst s10  }
0x32: {  	s10 =	sld [smem:$0x3FB7];
	_ =	sdelay $0x3  }
0x33: {  	p0 =	seq.s32 s10, $0x1;
	s10 =	sld [smem:$0x3FB9];
	_ =	sdelay $0x3  }
0x34: {  	[smem:$0x3FB9] =	sst s10  }
0x35: {  	s10 =	sld [smem:$0x3FB8];
	_ =	sdelay $0x3  }
0x36: {  	p1 =	seq.s32 s10, $0x1;
	s10 =	sld [smem:$0x3FB9];
	_ =	sdelay $0x3  }
0x37: {  	[smem:$0x3FB9] =	sst s10  }
0x38: {  	s10 =	sld [smem:$0x3FBA]  }
0x39: {  	_ = 	snop;
	(pc) =	sbr.ind lr, $3  }
0x3a: {  	_ = 	snop  }
0x3b: {  	_ = 	snop  }
0x3c: {  	p2 =	seq.s32 s10, $0x1;
	s10 =	sld [smem:$0x3FB9]  }
0x3d: {  	_ =	shalt  }
0x3e: {  	_ =	shalt  }
0x3f: {  	_ =	shalt  }
0x40: {  	_ =	shalt  }
0x41: {  	_ =	shalt  }
0x42: {  	_ =	shalt  }
0x43: {  	_ =	shalt  }
0x44: {  	_ =	shalt  }
0x45: {  	_ =	shalt  }
0x46: {  	_ =	shalt  }
0x47: {  	_ =	shalt  }
0x48: {  	_ =	shalt  }
0x49: {  	_ =	shalt  }
0x4a: {  	_ =	shalt  }
0x4b: {  	_ =	shalt  }
0x4c: {  	_ =	shalt  }
0x4d: {  	_ =	shalt  }
0x4e: {  	_ =	shalt  }
0x4f: {  	_ =	shalt  }
0x50: {  	_ =	shalt  }
0x51: {  	_ =	shalt  }
0x52: {  	_ =	shalt  }
0x53: {  	_ =	shalt  }
0x54: {  	_ =	shalt  }
0x55: {  	_ =	shalt  }
0x56: {  	_ =	shalt  }
0x57: {  	_ =	shalt  }
0x58: {  	_ =	shalt  }
0x59: {  	_ =	shalt  }
0x5a: {  	_ =	shalt  }
0x5b: {  	_ =	shalt  }
0x5c: {  	_ =	shalt  }
0x5d: {  	_ =	shalt  }
0x5e: {  	_ =	shalt  }
0x5f: {  	_ =	shalt  }
0x60: {  	_ =	shalt  }
0x61: {  	_ =	shalt  }
0x62: {  	_ =	shalt  }
0x63: {  	_ =	shalt  }
0x64: {  	_ =	shalt  }
0x65: {  	_ =	shalt  }
0x66: {  	_ =	shalt  }
0x67: {  	_ =	shalt  }
0x68: {  	_ =	shalt  }
0x69: {  	_ =	shalt  }
0x6a: {  	_ =	shalt  }
0x6b: {  	_ =	shalt  }
0x6c: {  	_ =	shalt  }
0x6d: {  	_ =	shalt  }
0x6e: {  	_ =	shalt  }
0x6f: {  	_ =	shalt  }
0x70: {  	_ =	shalt  }
0x71: {  	_ =	shalt  }
0x72: {  	_ =	shalt  }
0x73: {  	_ =	shalt  }
0x74: {  	_ =	shalt  }
0x75: {  	_ =	shalt  }
0x76: {  	_ =	shalt  }
0x77: {  	_ =	shalt  }
0x78: {  	_ =	shalt  }
0x79: {  	_ =	shalt  }
0x7a: {  	_ =	shalt  }
0x7b: {  	_ =	shalt  }
0x7c: {  	_ =	shalt  }
0x7d: {  	_ =	shalt  }
0x7e: {  	_ =	shalt  }
0x7f: {  	_ =	shalt  }
0x80: {  	_ =	shalt  }
0x81: {  	_ =	shalt  }
0x82: {  	_ =	shalt  }
0x83: {  	_ =	shalt  }
0x84: {  	_ =	shalt  }
0x85: {  	_ =	shalt  }
0x86: {  	_ =	shalt  }
0x87: {  	_ =	shalt  }
.Lfunc_end0:
.L_simem_size_0:
called_computation_lowered:
.L_overlay_start_0:
0x88: {  	s2 =	sld [smem:$0x3FD9]  }
0x89: {  	s3 =	sld [smem:$0x3FFE];
	_ =	sdelay $0x1  }
0x8a: {  	s1 =	srdreg.scid  }
0x8b: {  	s0 =	sand.u32 $0x1, s1  }
0x8c: {  	s17 =	sshll.u32 s0, $0xA;
	s2 =	sadd.s32 s3, s2  }
0x8d: {  	s2 =	sadd.s32 s2, s17  }
0x8e: {  	[smem:$0x3FC5] =	sst s2  }
0x8f: {  	_ = 	snop  }
0x90: {  	s2 =	sld [smem:$0x3FC9];
	(tm) =	ssettm $0x1  }
0x91: {  	s18 =	sld [smem:$0x3FFB];
	_ =	sdelay $0x3  }
0x92: {  	_ =	strace s18  }
0x93: {  	s3 =	sld [smem:$0x3FFC];
	_ =	sdelay $0x3  }
0x94: {  	_ =	strace s3  }
0x95: {  	s3 =	sld [smem:$0x3FFD];
	_ =	sdelay $0x3  }
0x96: {  	_ =	strace s3  }
0x97: {  	_ =	strace $0x8FFFFFFF  }
0x98: {  	s19 =	sld [smem:$0x3FDB];
	_ =	sdelay $0x1  }
0x99: {  	s4 =	simm.s32 $_scs_section_size  }
0x9a: {  	s5 =	simm.s32 $_size__tile_overlayer_lowered;
	s6 =	simm.s32 $_tile_overlayer_lowered  }
0x9b: {  	s22 =	simm.s32 $0x1BFF;
	s21 =	sshll.u32 s6, $0x1;
	s3 =	sadd.s32 s4, s19  }
0x9c: {  	s7 =	simm.s32 $0x0;
	s20 =	sshll.u32 s5, $0x1;
	s5 =	sadd.s32 s21, s3  }
0x9d: {  	[timem:s7], [sflag:s22] =	dma.local [hbm:s5], s20  }
0x9e: {  	_ =	swait.ge [sflag:s22], s20  }
0x9f: {  	s4 =	ssub.s32 $0x0, s20;
	[sflag:s22] =	ssyncset.done $0x0  }
0xa0: {  	[sflag:s22] =	ssyncadd.s32 s4;
	_ =	sdelay $0x1  }
0xa1: {  	s23 =	simm.s32 $0x1B8B  }
0xa2: {  	_ =	swait.ge [sflag:s23], $0x1  }
0xa3: {  	[sflag:s23] =	ssyncset.done $0x0  }
0xa4: {  	s25 =	simm.s32 $0x1B8E;
	s24 =	sld [smem:$0x3FFE];
	[sflag:s23] =	ssyncadd.s32 $0xFFFFFFFF  }
0xa5: {  	s26 =	simm.s32 $execute0_lowered;
	[smem:$0x3FD2] =	sst s25  }
0xa6: {  	s5 =	sshll.u32 s26, $0x1;
	_ =	strace $0x80000046;
	[dreg:$0x1] =	wrdreg $0xFFFFFFFF  }
0xa7: {  	s28 =	simm.s32 $_size_execute0_lowered;
	s3 =	sadd.s32 s3, s5;
	[dreg:$0x0] =	wrdreg $0x0  }
0xa8: {  	s5 =	sshll.u32 s28, $0x1;
	[dreg:$0x2] =	wrdreg s3  }
0xa9: {  	[dreg:$0x3] =	wrdreg s5  }
0xaa: {  	[dreg:$0x4] =	wrdreg $0xC0  }
0xab: {  	_ =	task [dreg:s7], $0x5FFFF  }
0xac: {  	[dreg:$0x1] =	wrdreg $0xFFFFFFFF  }
0xad: {  	[dreg:$0x0] =	wrdreg $0x60  }
0xae: {  	[dreg:$0x2] =	wrdreg s2  }
0xaf: {  	[dreg:$0x3] =	wrdreg s24  }
0xb0: {  	[dreg:$0x4] =	wrdreg $0x9  }
0xb1: {  	_ =	task.clear_ibuf [dreg:s7], $0x5FFFF;
	_ =	strace $0x90000046  }
0xb2: {  	s29 =	simm.s32 $0x9;
	_ =	strace $0x80000048  }
0xb3: {  	_ =	swait.ge [sflag:s29], $0x1  }
0xb4: {  	[sflag:s29] =	ssyncadd.s32 $0xFFFFFFFF  }
0xb5: {  	_ =	strace $0x90000048  }
0xb6: {  	_ =	sfence  }
0xb7: {  	s30 =	sld [smem:$0x0];
	_ =	sdelay $0x2  }
0xb8: {  	s31 =	sshll.u32 s1, $0xD;
	s1 =	sshrl.u32 s1, $0x2  }
0xb9: {  	s3 =	sand.u32 $0x4000, s31;
	s1 =	sadd.s32 s1, s30  }
0xba: {  	s0 =	sor.u32 s3, s0;
	s1 =	sshll.u32 s1, $0x11  }
0xbb: {  	s0 =	sor.u32 s1, s0  }
0xbc: {  	s0 =	sadd.s32 $0x8F2B, s0  }
0xbd: {  	[sflag:s0] =	ssyncadd.remote.s32 $0x1  }
0xbe: {  	_ =	sfence.sel $0xFFFF  }
0xbf: {  	[dreg:$0x0] =	wrdreg $0xFFFFFFFF;
	(pc) =	sbr.abs _section_cstart, $3  }
0xc0: {  	[dreg:$0x1] =	wrdreg $0xFFFFFFFF  }
0xc1: {  	_ =	task.clear_ibuf [dreg:s7], $0x2FFFF;
	_ =	strace $0x9FFFFFFF  }
0xc2: {  	(tm) =	ssettm $0x7FFFFFFF  }
0xc3: {  	_ =	shalt  }
tec
execute0_lowered:
.L_overlay_start_1:
0x0: {  	(tag) =	ssettag $0x1  }
0x1: {  	s4 =	rddreg [dreg:$0x0]  }
0x2: {  	s5 =	rddreg [dreg:$0x1]  }
0x3: {  	s0 =	rddreg [dreg:$0x2]  }
0x4: {  	s3 =	srdreg.scid;
	s2 =	simm.s32 $0x0;
	s1 =	stileid.u32  }
0x5: {  	s10 =	simm.s32 $0x6;
	s11 =	simm.s32 $0x80;
	s12 =	simm.s32 $0x200  }
0x6: {  	s13 =	simm.s32 $0x4200;
	s14 =	simm.s32 $0x100;
	s15 =	simm.s32 $0x8200  }
0x7: {  	s16 =	simm.s32 $0x180;
	s17 =	simm.s32 $0xC200;
	s18 =	simm.s32 $0x1  }
0x8: {  	s19 =	simm.s32 $0x2;
	s20 =	simm.s32 $0x3;
	s21 =	simm.s32 $0x4  }
0x9: {  	s22 =	simm.s32 $0x5;
	s23 =	simm.s32 $0x0;
	s6 =	sand.u32 $0x1, s3  }
0xa: {  	[smem:$0x7FF] =	sst s2;
	s30 =	sshll.u32 s1, $0xA;
	s7 =	sshll.u32 s6, $0x9  }
0xb: {  	s3 =	sadd.s32 $0x30F000, s5;
	s6 =	ssub.s32 $0x2, s6;
	s7 =	sor.u32 s7, s30  }
0xc: {  	_ =	strace $0x80000047;
	s31 =	sshrl.u32 s6, $0x1;
	s8 =	sshll.u32 s7, $0x4  }
0xd: {  	s7 =	sshrl.u32 s7, $0x3;
	s9 =	ssub.s32 s6, s31;
	s8 =	sadd.s32 s8, s5  }
0xe: {  	s4 =	sadd.s32 s4, s7;
	s9 =	smax.u32 s9, $0x1;
	s5 =	sadd.s32 $0x1C00, s8  }
0xf: {  	s6 =	sadd.s32 $0x2400, s8;
	s7 =	sadd.s32 $0x2C00, s8;
	s8 =	sadd.s32 $0x3400, s8  }
.LBB2_1:
0x10: {  	[tilespmem:s2], [sflag:$0x6] =	stream.linear.gather [hbm4b:s4+s2], $0x200, $0x38;
	[tilespmem:$0x10200] =	vst v63  }
0x11: {  	_ =	swait.ge [sflag:s10], $0x200  }
0x12: {  	[sflag:s10] =	ssyncset.done $0x0  }
0x13: {  	[sflag:s10] =	ssyncadd.s32 $0xFFFFFE00  }
0x14: {  	[tilespmem:s12], [sflag:$0x1] =	stream.indirect.gather [hbm4b:s3+s11], $0x80, s2, s11, $0xb8;
	[tilespmem:$0x10200] =	vst v63  }
0x15: {  	_ = 	snop  }
0x16: {  	[tilespmem:s13], [sflag:$0x2] =	stream.indirect.gather [hbm4b:s3+s11], $0x80, s11, s11, $0xb8;
	[tilespmem:$0x10200] =	vst v63  }
0x17: {  	_ = 	snop  }
0x18: {  	[tilespmem:s15], [sflag:$0x3] =	stream.indirect.gather [hbm4b:s3+s11], $0x80, s14, s11, $0xb8;
	[tilespmem:$0x10200] =	vst v63  }
0x19: {  	_ = 	snop  }
0x1a: {  	[tilespmem:s17], [sflag:$0x4] =	stream.indirect.gather [hbm4b:s3+s11], $0x80, s16, s11, $0xb8;
	[tilespmem:$0x10200] =	vst v63  }
0x1b: {  	_ =	swait.ge [sflag:s18], $0x4000  }
0x1c: {  	[sflag:s18] =	ssyncset.done $0x0  }
0x1d: {  	s24 =	simm.s32 $0x280;
	[sflag:s18] =	ssyncadd.s32 $0xFFFFC000  }
0x1e: {  	v10 =	vld [tilespmem:s24+$0x30]  }
0x1f: {  	v11 =	vld [tilespmem:s24+$0x70];
	_ =	sdelay $0x1  }
0x20: {  	v3 =	vld [tilespmem:s24+$0xFFFFFFC0]  }
0x21: {  	v13 =	vld [tilespmem:s24+$0xFFFFFF90]  }
0x22: {  	v14 =	vld [tilespmem:s24+$0xFFFFFFD0];
	v0 =	vand.u32 $0x7FFFFFFF, v10  }
0x23: {  	v15 =	vld [tilespmem:s24+$0xFFFFFFA0];
	v1 =	vand.u32 $0x7FFFFFFF, v11;
	v0 =	vsub.f32 $0.0e+00, v0  }
0x24: {  	v16 =	vld [tilespmem:s24+$0xFFFFFFE0];
	v1 =	vsub.f32 $0.0e+00, v1  }
0x25: {  	v18 =	vld [tilespmem:s24+$0xFFFFFF80];
	v0 =	vmul.f32 $1.442695020e+00, v0  }
0x26: {  	v2 =	vmul.f32 $1.442695020e+00, v1  }
0x27: {  	v4 =	vand.u32 $0x7FFFFFFF, v3;
	(erf) = vpow2.f32 v0  }
0x28: {  	v5 =	vand.u32 $0x7FFFFFFF, v14;
	v8 =	vand.u32 $0x7FFFFFFF, v15;
	(erf) = vpow2.f32 v2;
	v2 =	vld [tilespmem:s24+$0xFFFFFFF0]  }
0x29: {  	v12 =	vand.u32 $0x7FFFFFFF, v16;
	v6 =	vsub.f32 $0.0e+00, v4;
	v4 =	vand.u32 $0x7FFFFFFF, v13  }
0x2a: {  	v27 =	vand.u32 $0x7FFFFFFF, v18;
	v10 =	vmax.f32 v10, $0.0e+00;
	v7 =	vsub.f32 $0.0e+00, v4;
	v4 =	vld [tilespmem:s24+$0x40]  }
0x2b: {  	v11 =	vmax.f32 v11, $0.0e+00;
	v15 =	vmax.f32 v15, $0.0e+00;
	v9 =	vsub.f32 $0.0e+00, v5;
	v1 =	vld [tilespmem:s24+$0xFFFFFFB0]  }
0x2c: {  	v16 =	vmax.f32 v16, $0.0e+00;
	v8 =	vsub.f32 $0.0e+00, v8;
	v12 =	vsub.f32 $0.0e+00, v12  }
0x2d: {  	v5 =	vld [tilespmem:s24+$0x10];
	v27 =	vsub.f32 $0.0e+00, v27;
	v19 =	vmul.f32 $1.442695020e+00, v7;
	v7 =	vand.u32 $0x7FFFFFFF, v2  }
0x2e: {  	v17 =	vmul.f32 $1.442695020e+00, v6;
	v21 =	vmul.f32 $1.442695020e+00, v9;
	v9 =	vsub.f32 $0.0e+00, v7  }
0x2f: {  	v22 =	vmul.f32 $1.442695020e+00, v8;
	v12 =	vmul.f32 $1.442695020e+00, v12;
	v0 =	vmax.f32 v3, $0.0e+00  }
0x30: {  	v3 =	vld [tilespmem:s24+$0x0];
	v8 =	vand.u32 $0x7FFFFFFF, v4;
	v6 =	vand.u32 $0x7FFFFFFF, v1;
	v24 =	vpop (erf);
	v32 =	vmul.f32 $1.442695020e+00, v9  }
0x31: {  	v25 =	vsub.f32 $0.0e+00, v8;
	v9 =	vmul.f32 $1.442695020e+00, v27;
	v26 =	vpop (erf);
	v28 =	vmul.f32 $1.066924330e-01, v24  }
0x32: {  	v8 =	vand.u32 $0x7FFFFFFF, v5;
	v20 =	vsub.f32 $0.0e+00, v6;
	v29 =	vmul.f32 $1.066924330e-01, v26  }
0x33: {  	v30 =	vsub.f32 $0.0e+00, v8;
	(erf) = vpow2.f32 v9;
	v28 =	vadd.f32 $-3.935581740e-01, v28  }
0x34: {  	v25 =	vmul.f32 $1.442695020e+00, v25;
	(erf) = vpow2.f32 v17;
	v29 =	vadd.f32 $-3.935581740e-01, v29  }
0x35: {  	v8 =	vld [tilespmem:s24+$0x60];
	v7 =	vand.u32 $0x7FFFFFFF, v3;
	(erf) = vpow2.f32 v19;
	v28 =	vmul.f32 v28, v24  }
0x36: {  	v23 =	vsub.f32 $0.0e+00, v7;
	v7 =	vld [tilespmem:s24+$0x20];
	(erf) = vpow2.f32 v21;
	v29 =	vmul.f32 v29, v26  }
0x37: {  	v20 =	vmul.f32 $1.442695020e+00, v20;
	(erf) = vpow2.f32 v22;
	v9 =	vadd.f32 $9.797691700e-01, v28  }
0x38: {  	v23 =	vmul.f32 $1.442695020e+00, v23;
	(erf) = vpow2.f32 v12;
	v28 =	vadd.f32 $9.797691700e-01, v29  }
0x39: {  	v13 =	vmax.f32 v13, $0.0e+00;
	v6 =	vld [tilespmem:s24+$0x50];
	(erf) = vpow2.f32 v20;
	v19 =	vmul.f32 v9, v24  }
0x3a: {  	v1 =	vmax.f32 v1, $0.0e+00;
	(erf) = vpow2.f32 v32;
	v24 =	vmul.f32 v28, v26  }
0x3b: {  	v17 =	vand.u32 $0x7FFFFFFF, v8;
	v27 =	vand.u32 $0x7FFFFFFF, v7;
	v20 =	vmax.f32 v14, $0.0e+00  }
0x3c: {  	(erf) = vpow2.f32 v23;
	v19 =	vadd.f32 $9.223163360e-04, v19;
	v14 =	vpop (erf);
	v21 =	vadd.f32 $9.223163360e-04, v24  }
0x3d: {  	v17 =	vsub.f32 $0.0e+00, v17;
	v27 =	vsub.f32 $0.0e+00, v27;
	(erf) = vpow2.f32 v25;
	v22 =	vpop (erf)  }
0x3e: {  	v31 =	vand.u32 $0x7FFFFFFF, v6;
	v12 =	vadd.f32 v19, v10;
	v23 =	vpop (erf);
	v10 =	vadd.f32 v21, v11  }
0x3f: {  	v31 =	vsub.f32 $0.0e+00, v31;
	v17 =	vmul.f32 $1.442695020e+00, v17;
	v9 =	vmax.f32 v18, $0.0e+00;
	v24 =	vpop (erf)  }
0x40: {  	v18 =	vmul.f32 $1.442695020e+00, v30;
	v19 =	vmul.f32 $1.442695020e+00, v27;
	v25 =	vpop (erf);
	v10 =	vadd.f32 v10, v12  }
0x41: {  	v5 =	vmax.f32 v5, $0.0e+00;
	v11 =	vmul.f32 $1.442695020e+00, v31;
	v21 =	vmul.f32 $1.066924330e-01, v14;
	v26 =	vpop (erf)  }
0x42: {  	v2 =	vmax.f32 v2, $0.0e+00;
	v27 =	vpop (erf);
	(erf) = vrcp.f32 v10;
	v10 =	vmul.f32 $1.066924330e-01, v22  }
0x43: {  	v3 =	vmax.f32 v3, $0.0e+00;
	v28 =	vmul.f32 $1.066924330e-01, v27;
	v29 =	vpop (erf);
	(erf) = vpow2.f32 v18  }
0x44: {  	v18 =	vadd.f32 $-3.935581740e-01, v21;
	v21 =	vmul.f32 $1.066924330e-01, v23;
	v30 =	vmul.f32 $1.066924330e-01, v29  }
0x45: {  	v31 =	vpop (erf);
	(erf) = vpow2.f32 v11;
	v10 =	vadd.f32 $-3.935581740e-01, v10;
	v11 =	vmul.f32 $1.066924330e-01, v24  }
0x46: {  	v28 =	vadd.f32 $-3.935581740e-01, v28;
	v49 =	vmul.f32 $1.066924330e-01, v31;
	v33 =	vpop (erf);
	(erf) = vpow2.f32 v19  }
0x47: {  	v19 =	vadd.f32 $-3.935581740e-01, v21;
	v21 =	vmul.f32 $1.066924330e-01, v25;
	v34 =	vmul.f32 $1.066924330e-01, v33  }
0x48: {  	v30 =	vadd.f32 $-3.935581740e-01, v30;
	(erf) = vpow2.f32 v17;
	v17 =	vmul.f32 v18, v14  }
0x49: {  	v11 =	vadd.f32 $-3.935581740e-01, v11;
	v18 =	vmul.f32 $1.066924330e-01, v26;
	v10 =	vmul.f32 v10, v22  }
0x4a: {  	v32 =	vadd.f32 $-3.935581740e-01, v49;
	v28 =	vmul.f32 v28, v27;
	v21 =	vadd.f32 $-3.935581740e-01, v21  }
0x4b: {  	v19 =	vmul.f32 v19, v23;
	v34 =	vadd.f32 $-3.935581740e-01, v34;
	v30 =	vmul.f32 v30, v29  }
0x4c: {  	v18 =	vadd.f32 $-3.935581740e-01, v18;
	v11 =	vmul.f32 v11, v24;
	v17 =	vadd.f32 $9.797691700e-01, v17  }
0x4d: {  	v32 =	vmul.f32 v32, v31;
	v10 =	vadd.f32 $9.797691700e-01, v10;
	v28 =	vadd.f32 $9.797691700e-01, v28  }
0x4e: {  	v21 =	vmul.f32 v21, v25;
	v34 =	vmul.f32 v34, v33;
	v19 =	vadd.f32 $9.797691700e-01, v19  }
0x4f: {  	v18 =	vmul.f32 v18, v26;
	v11 =	vadd.f32 $9.797691700e-01, v11;
	v14 =	vmul.f32 v17, v14  }
0x50: {  	v17 =	vadd.f32 $9.797691700e-01, v30;
	v30 =	vadd.f32 $9.797691700e-01, v32;
	v10 =	vmul.f32 v10, v22  }
0x51: {  	v35 =	vpop (erf);
	v21 =	vadd.f32 $9.797691700e-01, v21;
	v22 =	vadd.f32 $9.797691700e-01, v34;
	v19 =	vmul.f32 v19, v23  }
0x52: {  	v36 =	vpop (erf);
	v18 =	vadd.f32 $9.797691700e-01, v18;
	v11 =	vmul.f32 v11, v24;
	v14 =	vadd.f32 $9.223163360e-04, v14  }
0x53: {  	v10 =	vadd.f32 $9.223163360e-04, v10;
	v17 =	vmul.f32 v17, v29;
	v37 =	vmul.f32 $1.066924330e-01, v36  }
0x54: {  	v21 =	vmul.f32 v21, v25;
	v25 =	vmul.f32 v28, v27;
	v19 =	vadd.f32 $9.223163360e-04, v19  }
0x55: {  	v38 =	vpop (erf);
	v22 =	vmul.f32 v22, v33;
	v11 =	vadd.f32 $9.223163360e-04, v11;
	v17 =	vadd.f32 $9.223163360e-04, v17  }
0x56: {  	v39 =	vmul.f32 $1.066924330e-01, v38;
	v14 =	vadd.f32 v14, v9;
	v29 =	vadd.f32 v10, v0  }
0x57: {  	v18 =	vmul.f32 v18, v26;
	v37 =	vadd.f32 $-3.935581740e-01, v37;
	v21 =	vadd.f32 $9.223163360e-04, v21  }
0x58: {  	v26 =	vmul.f32 v30, v31;
	v25 =	vadd.f32 $9.223163360e-04, v25;
	v22 =	vadd.f32 $9.223163360e-04, v22  }
0x59: {  	v40 =	vpop (erf);
	v0 =	vmax.f32 v4, $0.0e+00;
	v10 =	vadd.f32 v19, v13;
	v39 =	vadd.f32 $-3.935581740e-01, v39  }
0x5a: {  	v41 =	vmul.f32 $1.066924330e-01, v40;
	v42 =	vpop (erf);
	v18 =	vadd.f32 $9.223163360e-04, v18;
	v26 =	vadd.f32 $9.223163360e-04, v26  }
0x5b: {  	v43 =	vmul.f32 $1.066924330e-01, v42;
	v4 =	vadd.f32 v11, v20;
	v2 =	vadd.f32 v17, v2  }
0x5c: {  	s25 =	simm.s32 $0x380;
	v37 =	vmul.f32 v37, v36;
	v41 =	vadd.f32 $-3.935581740e-01, v41;
	v9 =	vadd.f32 v21, v15  }
0x5d: {  	v31 =	vld [tilespmem:s25+$0x10];
	v13 =	vadd.f32 v25, v1;
	v1 =	vmax.f32 v7, $0.0e+00;
	v7 =	vmax.f32 v8, $0.0e+00  }
0x5e: {  	v39 =	vmul.f32 v39, v38;
	v43 =	vadd.f32 $-3.935581740e-01, v43;
	v11 =	vadd.f32 v26, v3;
	v26 =	vld [tilespmem:s25+$0x0]  }
0x5f: {  	v8 =	vadd.f32 v29, v14;
	v41 =	vmul.f32 v41, v40;
	v50 =	vadd.f32 $9.797691700e-01, v37  }
0x60: {  	v15 =	vadd.f32 v18, v16;
	v43 =	vmul.f32 v43, v42;
	v23 =	vadd.f32 $9.797691700e-01, v39  }
0x61: {  	v30 =	vld [tilespmem:s25+$0x30];
	v3 =	vadd.f32 v22, v0;
	v51 =	vadd.f32 $9.797691700e-01, v41;
	v27 =	vmul.f32 v50, v36  }
0x62: {  	v58 =	vand.u32 $0x7FFFFFFF, v31;
	v24 =	vadd.f32 $9.797691700e-01, v43;
	v23 =	vmul.f32 v23, v38  }
0x63: {  	v18 =	vld [tilespmem:s25+$0x70];
	v28 =	vmul.f32 v51, v40;
	v27 =	vadd.f32 $9.223163360e-04, v27;
	v55 =	vand.u32 $0x7FFFFFFF, v26  }
0x64: {  	v40 =	vsub.f32 $0.0e+00, v58;
	v24 =	vmul.f32 v24, v42;
	v23 =	vadd.f32 $9.223163360e-04, v23  }
0x65: {  	v6 =	vmax.f32 v6, $0.0e+00;
	v37 =	vsub.f32 $0.0e+00, v55;
	v28 =	vadd.f32 $9.223163360e-04, v28  }
0x66: {  	v0 =	vadd.f32 v27, v5;
	v5 =	vand.u32 $0x7FFFFFFF, v30;
	v24 =	vadd.f32 $9.223163360e-04, v24  }
0x67: {  	v17 =	vld [tilespmem:s25+$0xFFFFFFC0];
	v16 =	vadd.f32 v23, v6;
	v22 =	vsub.f32 $0.0e+00, v5  }
0x68: {  	v21 =	vld [tilespmem:s25+$0xFFFFFFD0];
	v5 =	vand.u32 $0x7FFFFFFF, v18;
	v6 =	vadd.f32 v4, v10;
	v4 =	vadd.f32 v3, v11  }
0x69: {  	v12 =	vmul.f32 v35, v12;
	v25 =	vld [tilespmem:s25+$0xFFFFFFE0];
	v19 =	vadd.f32 v24, v7;
	v24 =	vsub.f32 $0.0e+00, v5  }
0x6a: {  	v36 =	vld [tilespmem:s25+$0x20];
	v1 =	vadd.f32 v28, v1;
	v7 =	vadd.f32 v15, v9;
	v15 =	vmul.f32 $1.442695020e+00, v22  }
0x6b: {  	v20 =	vld [tilespmem:s25+$0xFFFFFF90];
	v5 =	vadd.f32 v2, v13;
	v2 =	vadd.f32 v16, v0;
	v16 =	vmul.f32 $1.442695020e+00, v24  }
0x6c: {  	v27 =	vld [tilespmem:s25+$0x40];
	v3 =	vadd.f32 v19, v1;
	v19 =	vand.u32 $0x7FFFFFFF, v17;
	(erf) = vpow2.f32 v15  }
0x6d: {  	v23 =	vld [tilespmem:s25+$0xFFFFFFA0];
	(erf) = vpow2.f32 v16;
	v16 =	vsub.f32 $0.0e+00, v19;
	v19 =	vand.u32 $0x7FFFFFFF, v21  }
0x6e: {  	v29 =	vand.u32 $0x7FFFFFFF, v25;
	v25 =	vmax.f32 v25, $0.0e+00;
	v19 =	vsub.f32 $0.0e+00, v19  }
0x6f: {  	v40 =	vmul.f32 $1.442695020e+00, v40;
	v47 =	vand.u32 $0x7FFFFFFF, v36;
	v37 =	vmul.f32 $1.442695020e+00, v37;
	v22 =	vld [tilespmem:s25+$0xFFFFFFB0]  }
0x70: {  	v18 =	vmax.f32 v18, $0.0e+00;
	v47 =	vsub.f32 $0.0e+00, v47;
	v54 =	vmul.f32 $1.442695020e+00, v19;
	v19 =	vld [tilespmem:s25+$0xFFFFFF80]  }
0x71: {  	v24 =	vld [tilespmem:s25+$0xFFFFFFF0];
	v15 =	vmax.f32 v17, $0.0e+00;
	v17 =	vand.u32 $0x7FFFFFFF, v20;
	v56 =	vand.u32 $0x7FFFFFFF, v27  }
0x72: {  	v17 =	vsub.f32 $0.0e+00, v17;
	v28 =	vand.u32 $0x7FFFFFFF, v23;
	v38 =	vsub.f32 $0.0e+00, v56  }
0x73: {  	v34 =	vmax.f32 v36, $0.0e+00;
	v51 =	vmul.f32 $1.442695020e+00, v47;
	v28 =	vsub.f32 $0.0e+00, v28  }
0x74: {  	v52 =	vand.u32 $0x7FFFFFFF, v22;
	v53 =	vmul.f32 $1.442695020e+00, v17;
	v38 =	vmul.f32 $1.442695020e+00, v38  }
0x75: {  	v32 =	vmul.f32 $1.442695020e+00, v16;
	v16 =	vsub.f32 $0.0e+00, v29;
	v29 =	vld [tilespmem:s25+$0x50];
	v60 =	vpop (erf);
	v44 =	vand.u32 $0x7FFFFFFF, v19  }
0x76: {  	v17 =	vand.u32 $0x7FFFFFFF, v24;
	v45 =	vmul.f32 $1.066924330e-01, v60;
	v62 =	vpop (erf);
	v44 =	vsub.f32 $0.0e+00, v44  }
0x77: {  	v33 =	vsub.f32 $0.0e+00, v52;
	v17 =	vsub.f32 $0.0e+00, v17;
	v46 =	vmul.f32 $1.066924330e-01, v62  }
0x78: {  	v57 =	vmul.f32 $1.442695020e+00, v16;
	v16 =	vld [tilespmem:s25+$0x60];
	v45 =	vadd.f32 $-3.935581740e-01, v45;
	v44 =	vmul.f32 $1.442695020e+00, v44  }
0x79: {  	v28 =	vmul.f32 $1.442695020e+00, v28;
	v61 =	vmul.f32 $1.442695020e+00, v17;
	v46 =	vadd.f32 $-3.935581740e-01, v46  }
0x7a: {  	v59 =	vand.u32 $0x7FFFFFFF, v29;
	v45 =	vmul.f32 v45, v60;
	(erf) = vpow2.f32 v44  }
0x7b: {  	v17 =	vsub.f32 $0.0e+00, v59;
	v46 =	vmul.f32 v46, v62;
	(erf) = vpow2.f32 v32  }
0x7c: {  	v33 =	vmul.f32 $1.442695020e+00, v33;
	v63 =	vadd.f32 $9.797691700e-01, v45;
	(erf) = vpow2.f32 v53  }
0x7d: {  	v48 =	vand.u32 $0x7FFFFFFF, v16;
	v49 =	vmul.f32 $1.442695020e+00, v17;
	v50 =	vadd.f32 $9.797691700e-01, v46  }
0x7e: {  	v17 =	vmax.f32 v19, $0.0e+00;
	v52 =	vmul.f32 v63, v60;
	(erf) = vpow2.f32 v54  }
0x7f: {  	v19 =	vmax.f32 v20, $0.0e+00;
	(erf) = vpow2.f32 v28;
	v41 =	vmul.f32 v50, v62  }
0x80: {  	v20 =	vmax.f32 v21, $0.0e+00;
	v21 =	vadd.f32 $9.223163360e-04, v52;
	(erf) = vpow2.f32 v57  }
0x81: {  	v28 =	vmax.f32 v30, $0.0e+00;
	(erf) = vpow2.f32 v33;
	v54 =	vadd.f32 $9.223163360e-04, v41  }
0x82: {  	v48 =	vsub.f32 $0.0e+00, v48;
	v28 =	vadd.f32 v21, v28;
	(erf) = vpow2.f32 v61  }
0x83: {  	v21 =	vmax.f32 v22, $0.0e+00;
	v22 =	vmax.f32 v26, $0.0e+00;
	v18 =	vadd.f32 v54, v18;
	v26 =	vpop (erf)  }
0x84: {  	v27 =	vmax.f32 v27, $0.0e+00;
	v30 =	vmax.f32 v31, $0.0e+00;
	(erf) = vpow2.f32 v37;
	v31 =	vpop (erf)  }
0x85: {  	v53 =	vmul.f32 $1.442695020e+00, v48;
	(erf) = vpow2.f32 v38;
	v18 =	vadd.f32 v18, v28;
	v33 =	vpop (erf)  }
0x86: {  	v23 =	vmax.f32 v23, $0.0e+00;
	v55 =	vmul.f32 $1.066924330e-01, v31;
	v56 =	vmul.f32 $1.066924330e-01, v33  }
0x87: {  	v24 =	vmax.f32 v24, $0.0e+00;
	v36 =	vpop (erf);
	(erf) = vrcp.f32 v18;
	v18 =	vmul.f32 $1.066924330e-01, v26  }
0x88: {  	v38 =	vpop (erf);
	v57 =	vadd.f32 $-3.935581740e-01, v55;
	v58 =	vmul.f32 $1.066924330e-01, v36;
	(erf) = vpow2.f32 v40  }
0x89: {  	v39 =	vpop (erf);
	v37 =	vadd.f32 $-3.935581740e-01, v56;
	v59 =	vmul.f32 $1.066924330e-01, v38;
	(erf) = vpow2.f32 v49  }
0x8a: {  	v18 =	vadd.f32 $-3.935581740e-01, v18;
	v41 =	vpop (erf);
	v60 =	vmul.f32 $1.066924330e-01, v39;
	v32 =	vmul.f32 v57, v31  }
0x8b: {  	v35 =	vadd.f32 $-3.935581740e-01, v58;
	(erf) = vpow2.f32 v51;
	v61 =	vmul.f32 $1.066924330e-01, v41  }
0x8c: {  	v43 =	vpop (erf);
	v40 =	vadd.f32 $-3.935581740e-01, v59;
	v37 =	vmul.f32 v37, v33;
	(erf) = vpow2.f32 v53  }
0x8d: {  	v18 =	vmul.f32 v18, v26;
	v42 =	vadd.f32 $-3.935581740e-01, v60;
	v62 =	vmul.f32 $1.066924330e-01, v43  }
0x8e: {  	v45 =	vpop (erf);
	v35 =	vmul.f32 v35, v36;
	v32 =	vadd.f32 $9.797691700e-01, v32;
	v44 =	vadd.f32 $-3.935581740e-01, v61  }
0x8f: {  	v47 =	vpop (erf);
	v63 =	vmul.f32 $1.066924330e-01, v45;
	v40 =	vmul.f32 v40, v38;
	v37 =	vadd.f32 $9.797691700e-01, v37  }
0x90: {  	(erf) = vrcp.f32 v8;
	v46 =	vadd.f32 $-3.935581740e-01, v62;
	v50 =	vmul.f32 $1.066924330e-01, v47  }
0x91: {  	v42 =	vmul.f32 v42, v39;
	v18 =	vadd.f32 $9.797691700e-01, v18;
	v35 =	vadd.f32 $9.797691700e-01, v35  }
0x92: {  	v31 =	vmul.f32 v32, v31;
	(erf) = vrcp.f32 v6;
	v48 =	vadd.f32 $-3.935581740e-01, v63  }
0x93: {  	v44 =	vmul.f32 v44, v41;
	v40 =	vadd.f32 $9.797691700e-01, v40;
	v33 =	vmul.f32 v37, v33  }
0x94: {  	(erf) = vrcp.f32 v7;
	v50 =	vadd.f32 $-3.935581740e-01, v50;
	v46 =	vmul.f32 v46, v43  }
0x95: {  	v42 =	vadd.f32 $9.797691700e-01, v42;
	v18 =	vmul.f32 v18, v26;
	v35 =	vmul.f32 v35, v36  }
0x96: {  	v31 =	vadd.f32 $9.223163360e-04, v31;
	v48 =	vmul.f32 v48, v45;
	v44 =	vadd.f32 $9.797691700e-01, v44  }
0x97: {  	v49 =	vpop (erf);
	v61 =	vmul.f32 v40, v38;
	v33 =	vadd.f32 $9.223163360e-04, v33;
	v50 =	vmul.f32 v50, v47  }
0x98: {  	v51 =	vpop (erf);
	v26 =	vadd.f32 $9.797691700e-01, v46;
	v18 =	vadd.f32 $9.223163360e-04, v18;
	v39 =	vmul.f32 v42, v39  }
0x99: {  	v35 =	vadd.f32 $9.223163360e-04, v35;
	v15 =	vadd.f32 v31, v15;
	v52 =	vmul.f32 $1.066924330e-01, v51  }
0x9a: {  	v53 =	vpop (erf);
	v46 =	vadd.f32 $9.797691700e-01, v48;
	v63 =	vmul.f32 v44, v41;
	v36 =	vadd.f32 $9.223163360e-04, v61  }
0x9b: {  	v7 =	vadd.f32 v33, v19;
	(erf) = vrcp.f32 v5;
	v54 =	vmul.f32 $1.066924330e-01, v53;
	v55 =	vpop (erf)  }
0x9c: {  	v32 =	vadd.f32 $9.797691700e-01, v50;
	v26 =	vmul.f32 v26, v43;
	v56 =	vmul.f32 $1.066924330e-01, v55;
	v57 =	vpop (erf)  }
0x9d: {  	v39 =	vadd.f32 $9.223163360e-04, v39;
	v52 =	vadd.f32 $-3.935581740e-01, v52;
	v58 =	vmul.f32 $1.066924330e-01, v57  }
0x9e: {  	v46 =	vmul.f32 v46, v45;
	v54 =	vadd.f32 $-3.935581740e-01, v54;
	v56 =	vadd.f32 $-3.935581740e-01, v56  }
0x9f: {  	v40 =	vadd.f32 $9.223163360e-04, v63;
	v52 =	vmul.f32 v52, v51;
	v58 =	vadd.f32 $-3.935581740e-01, v58  }
0xa0: {  	v6 =	vadd.f32 v36, v23;
	v54 =	vmul.f32 v54, v53;
	v56 =	vmul.f32 v56, v55  }
0xa1: {  	v26 =	vadd.f32 $9.223163360e-04, v26;
	v52 =	vadd.f32 $9.797691700e-01, v52;
	v58 =	vmul.f32 v58, v57  }
0xa2: {  	v32 =	vmul.f32 v32, v47;
	v59 =	vadd.f32 $9.797691700e-01, v54;
	v60 =	vadd.f32 $9.797691700e-01, v56  }
0xa3: {  	v5 =	vadd.f32 v40, v21;
	v52 =	vmul.f32 v52, v51;
	v62 =	vadd.f32 $9.797691700e-01, v58  }
0xa4: {  	v32 =	vadd.f32 $9.223163360e-04, v32;
	v37 =	vmul.f32 v59, v53;
	v54 =	vmul.f32 v60, v55  }
0xa5: {  	v55 =	vadd.f32 $9.223163360e-04, v46;
	v56 =	vadd.f32 $9.223163360e-04, v52;
	v8 =	vmul.f32 v62, v57  }
0xa6: {  	v29 =	vmax.f32 v29, $0.0e+00;
	v37 =	vadd.f32 $9.223163360e-04, v37;
	v57 =	vadd.f32 $9.223163360e-04, v54  }
0xa7: {  	s26 =	simm.s32 $0x480;
	v16 =	vmax.f32 v16, $0.0e+00;
	v58 =	vadd.f32 $9.223163360e-04, v8;
	v8 =	vadd.f32 v18, v17  }
0xa8: {  	(erf) = vrcp.f32 v4;
	v17 =	vadd.f32 v35, v20;
	v20 =	vadd.f32 v39, v25;
	v39 =	vld [tilespmem:s26+$0x30]  }
0xa9: {  	(erf) = vrcp.f32 v2;
	v40 =	vld [tilespmem:s26+$0x70];
	v2 =	vadd.f32 v55, v22;
	v4 =	vadd.f32 v56, v30  }
0xaa: {  	v48 =	vld [tilespmem:s26+$0xFFFFFF80];
	(erf) = vrcp.f32 v3;
	v19 =	vpop (erf);
	v25 =	vadd.f32 v26, v24;
	v26 =	vadd.f32 v32, v27  }
0xab: {  	v19 =	vmul.f32 v19, v14;
	v27 =	vadd.f32 v37, v29;
	v3 =	vadd.f32 v57, v34  }
0xac: {  	v31 =	vld [tilespmem:s26+$0xFFFFFFC0];
	v18 =	vmul.f32 v49, v28;
	v16 =	vadd.f32 v58, v16;
	v30 =	vadd.f32 v15, v8  }
0xad: {  	v14 =	vld [tilespmem:s26+$0xFFFFFF90];
	v23 =	vadd.f32 v17, v7;
	v24 =	vadd.f32 v20, v6;
	v17 =	vpop (erf);
	v15 =	vand.u32 $0x7FFFFFFF, v39  }
0xae: {  	v20 =	vand.u32 $0x7FFFFFFF, v40;
	v21 =	vmul.f32 v17, v10;
	v17 =	vld [tilespmem:s26+$0xFFFFFFA0];
	v15 =	vsub.f32 $0.0e+00, v15  }
0xaf: {  	v34 =	vld [tilespmem:s26+$0xFFFFFFD0];
	v57 =	vand.u32 $0x7FFFFFFF, v48;
	v28 =	vadd.f32 v25, v5;
	v59 =	vsub.f32 $0.0e+00, v20;
	v10 =	vpop (erf)  }
0xb0: {  	v37 =	vld [tilespmem:s26+$0xFFFFFFE0];
	v29 =	vadd.f32 v26, v2;
	v22 =	vmul.f32 v10, v9;
	v45 =	vpop (erf);
	v9 =	vmul.f32 $1.442695020e+00, v15  }
0xb1: {  	v25 =	vadd.f32 v27, v4;
	v20 =	vadd.f32 v16, v3;
	v10 =	vmul.f32 $1.442695020e+00, v59;
	v32 =	vpop (erf);
	v15 =	vld [tilespmem:s26+$0xFFFFFFB0]  }
0xb2: {  	[tilespmem:s24+$0x30] =	vst v12;
	v42 =	vld [tilespmem:s26+$0x40];
	v16 =	vand.u32 $0x7FFFFFFF, v31;
	v12 =	vmul.f32 v32, v11;
	(erf) = vpow2.f32 v9  }
0xb3: {  	v38 =	vld [tilespmem:s26+$0xFFFFFFF0];
	v9 =	vsub.f32 $0.0e+00, v16;
	v16 =	vand.u32 $0x7FFFFFFF, v14;
	v26 =	vand.u32 $0x7FFFFFFF, v17  }
0xb4: {  	v43 =	vld [tilespmem:s26+$0x10];
	(erf) = vpow2.f32 v10;
	v10 =	vsub.f32 $0.0e+00, v16;
	v16 =	vand.u32 $0x7FFFFFFF, v34  }
0xb5: {  	v41 =	vld [tilespmem:s26+$0x0];
	v27 =	vsub.f32 $0.0e+00, v26;
	v26 =	vand.u32 $0x7FFFFFFF, v37;
	v16 =	vsub.f32 $0.0e+00, v16  }
0xb6: {  	v44 =	vld [tilespmem:s26+$0x50];
	v33 =	vmul.f32 $1.442695020e+00, v9;
	v60 =	vsub.f32 $0.0e+00, v26;
	v9 =	vand.u32 $0x7FFFFFFF, v15  }
0xb7: {  	v36 =	vmul.f32 $1.442695020e+00, v10;
	v49 =	vmul.f32 $1.442695020e+00, v27;
	v27 =	vand.u32 $0x7FFFFFFF, v42  }
0xb8: {  	v26 =	vld [tilespmem:s26+$0x20];
	v61 =	vsub.f32 $0.0e+00, v9;
	v9 =	vand.u32 $0x7FFFFFFF, v38;
	v16 =	vmul.f32 $1.442695020e+00, v16  }
0xb9: {  	v51 =	vmul.f32 $1.442695020e+00, v60;
	v60 =	vsub.f32 $0.0e+00, v27;
	v27 =	vand.u32 $0x7FFFFFFF, v43  }
0xba: {  	v62 =	vsub.f32 $0.0e+00, v9;
	v9 =	vand.u32 $0x7FFFFFFF, v41;
	v52 =	vsub.f32 $0.0e+00, v27  }
0xbb: {  	v27 =	vld [tilespmem:s26+$0x60];
	v63 =	vsub.f32 $0.0e+00, v9;
	v46 =	vmul.f32 $1.442695020e+00, v61;
	v61 =	vand.u32 $0x7FFFFFFF, v44  }
0xbc: {  	v10 =	vpop (erf);
	v60 =	vmul.f32 $1.442695020e+00, v60;
	v47 =	vmul.f32 $1.442695020e+00, v62;
	v53 =	vsub.f32 $0.0e+00, v61  }
0xbd: {  	v55 =	vand.u32 $0x7FFFFFFF, v26;
	v62 =	vsub.f32 $0.0e+00, v57;
	v52 =	vmul.f32 $1.442695020e+00, v52;
	v9 =	vpop (erf)  }
0xbe: {  	v50 =	vmul.f32 $1.442695020e+00, v63;
	v55 =	vsub.f32 $0.0e+00, v55;
	v54 =	vpop (erf);
	v53 =	vmul.f32 $1.442695020e+00, v53  }
0xbf: {  	v35 =	vmul.f32 $1.442695020e+00, v62;
	v56 =	vpop (erf);
	v58 =	vmul.f32 $1.066924330e-01, v54  }
0xc0: {  	v62 =	vand.u32 $0x7FFFFFFF, v27;
	v55 =	vmul.f32 $1.442695020e+00, v55;
	v59 =	vmul.f32 $1.066924330e-01, v56  }
0xc1: {  	(erf) = vpow2.f32 v35;
	v35 =	vmax.f32 v48, $0.0e+00;
	v63 =	vadd.f32 $-3.935581740e-01, v58  }
0xc2: {  	(erf) = vpow2.f32 v33;
	v33 =	vmax.f32 v14, $0.0e+00;
	v61 =	vadd.f32 $-3.935581740e-01, v59  }
0xc3: {  	v59 =	vsub.f32 $0.0e+00, v62;
	(erf) = vpow2.f32 v36;
	v36 =	vmax.f32 v34, $0.0e+00  }
0xc4: {  	v34 =	vmax.f32 v17, $0.0e+00;
	v57 =	vmul.f32 v63, v54;
	(erf) = vpow2.f32 v16  }
0xc5: {  	v17 =	vmax.f32 v39, $0.0e+00;
	v58 =	vmul.f32 v61, v56;
	(erf) = vpow2.f32 v49  }
0xc6: {  	v39 =	vmax.f32 v38, $0.0e+00;
	v57 =	vadd.f32 $9.797691700e-01, v57;
	(erf) = vpow2.f32 v51  }
0xc7: {  	v48 =	vmul.f32 $1.442695020e+00, v59;
	v58 =	vadd.f32 $9.797691700e-01, v58;
	(erf) = vpow2.f32 v46  }
0xc8: {  	v14 =	vmul.f32 v57, v54;
	v57 =	vmax.f32 v40, $0.0e+00;
	v40 =	vmax.f32 v37, $0.0e+00  }
0xc9: {  	v37 =	vmax.f32 v15, $0.0e+00;
	(erf) = vpow2.f32 v47;
	v63 =	vmul.f32 v58, v56  }
0xca: {  	(erf) = vpow2.f32 v50;
	v50 =	vmul.f32 v45, v13;
	v14 =	vadd.f32 $9.223163360e-04, v14;
	v38 =	vpop (erf)  }
0xcb: {  	(erf) = vpow2.f32 v60;
	v16 =	vadd.f32 $9.223163360e-04, v63;
	v58 =	vmul.f32 $1.066924330e-01, v38;
	v46 =	vpop (erf)  }
0xcc: {  	v49 =	vadd.f32 v14, v17;
	v59 =	vmul.f32 $1.066924330e-01, v46;
	v47 =	vpop (erf);
	v17 =	vmax.f32 v44, $0.0e+00  }
0xcd: {  	v14 =	vadd.f32 v16, v57;
	v16 =	vmax.f32 v42, $0.0e+00;
	v60 =	vmul.f32 $1.066924330e-01, v47;
	v44 =	vpop (erf)  }
0xce: {  	v13 =	vadd.f32 $-3.935581740e-01, v58;
	v61 =	vmul.f32 $1.066924330e-01, v44;
	v45 =	vpop (erf);
	v42 =	vadd.f32 $-3.935581740e-01, v59  }
0xcf: {  	v15 =	vadd.f32 v14, v49;
	v14 =	vmax.f32 v41, $0.0e+00;
	v62 =	vmul.f32 $1.066924330e-01, v45  }
0xd0: {  	v13 =	vmul.f32 v13, v38;
	v41 =	vadd.f32 $-3.935581740e-01, v61;
	v42 =	vmul.f32 v42, v46  }
0xd1: {  	(erf) = vrcp.f32 v15;
	v15 =	vmax.f32 v43, $0.0e+00;
	v43 =	vadd.f32 $-3.935581740e-01, v60  }
0xd2: {  	v51 =	vadd.f32 $-3.935581740e-01, v62;
	(erf) = vpow2.f32 v52;
	v52 =	vpop (erf);
	v41 =	vmul.f32 v41, v44  }
0xd3: {  	v13 =	vadd.f32 $9.797691700e-01, v13;
	(erf) = vpow2.f32 v53;
	v63 =	vmul.f32 $1.066924330e-01, v52  }
0xd4: {  	v42 =	vadd.f32 $9.797691700e-01, v42;
	v43 =	vmul.f32 v43, v47;
	v51 =	vmul.f32 v51, v45  }
0xd5: {  	v31 =	vmax.f32 v31, $0.0e+00;
	v53 =	vpop (erf);
	v13 =	vmul.f32 v13, v38;
	(erf) = vpow2.f32 v55  }
0xd6: {  	v26 =	vmax.f32 v26, $0.0e+00;
	v60 =	vmul.f32 $1.066924330e-01, v53;
	v42 =	vmul.f32 v42, v46  }
0xd7: {  	v55 =	vpop (erf);
	v41 =	vadd.f32 $9.797691700e-01, v41;
	(erf) = vpow2.f32 v48;
	v48 =	vadd.f32 $-3.935581740e-01, v63  }
0xd8: {  	v61 =	vmul.f32 $1.066924330e-01, v55;
	v57 =	vpop (erf);
	v43 =	vadd.f32 $9.797691700e-01, v43;
	v51 =	vadd.f32 $9.797691700e-01, v51  }
0xd9: {  	v54 =	vadd.f32 $-3.935581740e-01, v60;
	v58 =	vmul.f32 $1.066924330e-01, v57;
	v59 =	vpop (erf);
	v41 =	vmul.f32 v41, v44  }
0xda: {  	(erf) = vrcp.f32 v30;
	v56 =	vadd.f32 $-3.935581740e-01, v61;
	v60 =	vmul.f32 $1.066924330e-01, v59  }
0xdb: {  	v48 =	vmul.f32 v48, v52;
	v43 =	vmul.f32 v43, v47;
	v58 =	vadd.f32 $-3.935581740e-01, v58  }
0xdc: {  	v45 =	vmul.f32 v51, v45;
	v54 =	vmul.f32 v54, v53;
	v60 =	vadd.f32 $-3.935581740e-01, v60  }
0xdd: {  	v56 =	vmul.f32 v56, v55;
	v48 =	vadd.f32 $9.797691700e-01, v48;
	v61 =	vpop (erf);
	v58 =	vmul.f32 v58, v57  }
0xde: {  	v54 =	vadd.f32 $9.797691700e-01, v54;
	v49 =	vmul.f32 v61, v49;
	v61 =	vpop (erf);
	v60 =	vmul.f32 v60, v59  }
0xdf: {  	v48 =	vmul.f32 v48, v52;
	v56 =	vadd.f32 $9.797691700e-01, v56;
	v62 =	vmul.f32 $1.066924330e-01, v61  }
0xe0: {  	v46 =	vpop (erf);
	v53 =	vmul.f32 v54, v53;
	v58 =	vadd.f32 $9.797691700e-01, v58;
	v60 =	vadd.f32 $9.797691700e-01, v60  }
0xe1: {  	v63 =	vmul.f32 $1.066924330e-01, v46;
	v44 =	vpop (erf);
	v48 =	vadd.f32 $9.223163360e-04, v48;
	v38 =	vadd.f32 $-3.935581740e-01, v62  }
0xe2: {  	v51 =	vmul.f32 $1.066924330e-01, v44;
	v62 =	vadd.f32 $9.223163360e-04, v13;
	v13 =	vmul.f32 v56, v55  }
0xe3: {  	v52 =	vpop (erf);
	v55 =	vadd.f32 $9.223163360e-04, v43;
	v56 =	vadd.f32 $9.223163360e-04, v41;
	(erf) = vrcp.f32 v23  }
0xe4: {  	v47 =	vadd.f32 $-3.935581740e-01, v63;
	v54 =	vmul.f32 $1.066924330e-01, v52;
	v63 =	vadd.f32 $9.223163360e-04, v42  }
0xe5: {  	v42 =	vmul.f32 v58, v57;
	v43 =	vmul.f32 v60, v59;
	v58 =	vadd.f32 $9.223163360e-04, v45  }
0xe6: {  	[tilespmem:s24+$0xFFFFFF80] =	vst v19;
	v60 =	vadd.f32 $9.223163360e-04, v53;
	(erf) = vrcp.f32 v24;
	v19 =	vadd.f32 v48, v40  }
0xe7: {  	v51 =	vadd.f32 $-3.935581740e-01, v51;
	(erf) = vrcp.f32 v28;
	v28 =	vadd.f32 v62, v35  }
0xe8: {  	[tilespmem:s24+$0xFFFFFF90] =	vst v21;
	v38 =	vmul.f32 v38, v61;
	v21 =	vadd.f32 v56, v36;
	v54 =	vadd.f32 $-3.935581740e-01, v54  }
0xe9: {  	[tilespmem:s25+$0x30] =	vst v18;
	v47 =	vmul.f32 v47, v46;
	v45 =	vadd.f32 $9.223163360e-04, v43;
	v18 =	vadd.f32 v63, v31  }
0xea: {  	(erf) = vrcp.f32 v29;
	v29 =	vadd.f32 v58, v34;
	v51 =	vmul.f32 v51, v44  }
0xeb: {  	v24 =	vadd.f32 v60, v37;
	v38 =	vadd.f32 $9.797691700e-01, v38;
	v54 =	vmul.f32 v54, v52  }
0xec: {  	(erf) = vrcp.f32 v25;
	v47 =	vadd.f32 $9.797691700e-01, v47;
	v51 =	vadd.f32 $9.797691700e-01, v51  }
0xed: {  	v38 =	vmul.f32 v38, v61;
	v61 =	vadd.f32 $9.223163360e-04, v13;
	v54 =	vadd.f32 $9.797691700e-01, v54  }
0xee: {  	v41 =	vmul.f32 v47, v46;
	v57 =	vmul.f32 v51, v44;
	v44 =	vadd.f32 $9.223163360e-04, v42  }
0xef: {  	[tilespmem:s24+$0xFFFFFFA0] =	vst v22;
	v43 =	vadd.f32 $9.223163360e-04, v38;
	v38 =	vadd.f32 v55, v33;
	v59 =	vmul.f32 v54, v52  }
0xf0: {  	[tilespmem:s24+$0xFFFFFFB0] =	vst v50;
	(erf) = vrcp.f32 v20;
	v22 =	vadd.f32 v61, v39;
	v42 =	vadd.f32 $9.223163360e-04, v41  }
0xf1: {  	s28 =	simm.s32 $0x4;
	s29 =	simm.s32 $0x580;
	v27 =	vmax.f32 v27, $0.0e+00;
	[tilespmem:s26+$0x30] =	vst v49;
	v41 =	vadd.f32 $9.223163360e-04, v57;
	v13 =	vadd.f32 $9.223163360e-04, v59  }
.LBB2_2:
0xf2: {  	v35 =	vld [tilespmem:s29+$0x30];
	v11 =	vadd.f32 v44, v14;
	v14 =	vadd.f32 v45, v16;
	v25 =	vmul.f32 v10, v0;
	v0 =	vmovc v4  }
0xf3: {  	s28 =	sadd.s32 $0x2, s28;
	v4 =	vadd.f32 v43, v15;
	v15 =	vadd.f32 v42, v17;
	v1 =	vmul.f32 v9, v1;
	v37 =	vld [tilespmem:s29+$0x70];
	v16 =	vpop (erf);
	[tilespmem:s24+$0x0] =	vst v12  }
0xf4: {  	v17 =	vadd.f32 v41, v26;
	v23 =	vadd.f32 v13, v27;
	p0 =	slt.u32 s28, $0x7E;
	v9 =	vld [tilespmem:s29+$0xFFFFFFC0];
	v8 =	vmul.f32 v16, v8;
	v12 =	vpop (erf);
	[tilespmem:s24+$0x10] =	vst v25  }
0xf5: {  	v20 =	vadd.f32 v18, v28;
	v13 =	vadd.f32 v21, v38;
	v16 =	vld [tilespmem:s29+$0xFFFFFF90];
	v7 =	vmul.f32 v12, v7;
	v10 =	vpop (erf);
	[tilespmem:s24+$0x20] =	vst v1;
	s24 =	smov.u32 s25;
	s25 =	smov.u32 s26;
	s26 =	smov.u32 s29  }
0xf6: {  	v21 =	vadd.f32 v19, v29;
	v18 =	vadd.f32 v22, v24;
	v26 =	vld [tilespmem:s29+$0xFFFFFFD0];
	[tilespmem:s24+$0xFFFFFF80] =	vst v8;
	v1 =	vmul.f32 v10, v6;
	v36 =	vpop (erf)  }
0xf7: {  	v22 =	vadd.f32 v14, v11;
	v19 =	vadd.f32 v15, v4;
	v27 =	vld [tilespmem:s29+$0xFFFFFFA0];
	v6 =	vand.u32 $0x7FFFFFFF, v35;
	[tilespmem:s24+$0xFFFFFF90] =	vst v7;
	v12 =	vpop (erf)  }
0xf8: {  	v23 =	vadd.f32 v23, v17;
	v14 =	vld [tilespmem:s29+$0xFFFFFFE0];
	v6 =	vsub.f32 $0.0e+00, v6;
	v7 =	vand.u32 $0x7FFFFFFF, v37;
	[tilespmem:s24+$0xFFFFFFA0] =	vst v1;
	v10 =	vpop (erf)  }
0xf9: {  	v31 =	vand.u32 $0x7FFFFFFF, v9;
	v25 =	vmax.f32 v9, $0.0e+00;
	v15 =	vld [tilespmem:s29+$0xFFFFFFB0];
	v40 =	vsub.f32 $0.0e+00, v7;
	v9 =	vpop (erf)  }
0xfa: {  	v30 =	vsub.f32 $0.0e+00, v31;
	v33 =	vand.u32 $0x7FFFFFFF, v16;
	v34 =	vld [tilespmem:s29+$0xFFFFFFF0];
	v41 =	vmul.f32 $1.442695020e+00, v6;
	v1 =	vmovc v3;
	v3 =	vmovc v17  }
0xfb: {  	v8 =	vmovc v28;
	v17 =	vsub.f32 $0.0e+00, v33;
	v31 =	vand.u32 $0x7FFFFFFF, v26;
	v39 =	vld [tilespmem:s29+$0x0];
	v32 =	vmul.f32 $1.442695020e+00, v40;
	v7 =	vmovc v38  }
0xfc: {  	v28 =	vsub.f32 $0.0e+00, v31;
	v31 =	vand.u32 $0x7FFFFFFF, v27;
	v38 =	vld [tilespmem:s29+$0x40];
	(erf) = vpow2.f32 v41;
	v6 =	vmovc v29  }
0xfd: {  	v29 =	vsub.f32 $0.0e+00, v31;
	v31 =	vand.u32 $0x7FFFFFFF, v14;
	v40 =	vld [tilespmem:s29+$0x10];
	(erf) = vpow2.f32 v32  }
0xfe: {  	v33 =	vmul.f32 $1.442695020e+00, v30;
	v30 =	vsub.f32 $0.0e+00, v31;
	v31 =	vand.u32 $0x7FFFFFFF, v15;
	v41 =	vld [tilespmem:s29+$0x50]  }
0xff: {  	v17 =	vmul.f32 $1.442695020e+00, v17;
	v31 =	vsub.f32 $0.0e+00, v31;
	v32 =	vand.u32 $0x7FFFFFFF, v34;
	v42 =	vld [tilespmem:s29+$0x20]  }
0x100: {  	v43 =	vmul.f32 $1.442695020e+00, v28;
	v28 =	vsub.f32 $0.0e+00, v32;
	v32 =	vand.u32 $0x7FFFFFFF, v39;
	v44 =	vld [tilespmem:s29+$0x60]  }
0x101: {  	v46 =	vmul.f32 $1.442695020e+00, v29;
	v45 =	vld [tilespmem:s29+$0xFFFFFF80];
	v29 =	vsub.f32 $0.0e+00, v32;
	v32 =	vand.u32 $0x7FFFFFFF, v38  }
0x102: {  	v47 =	vmul.f32 $1.442695020e+00, v30;
	v30 =	vsub.f32 $0.0e+00, v32;
	v32 =	vand.u32 $0x7FFFFFFF, v40  }
0x103: {  	v48 =	vmul.f32 $1.442695020e+00, v31;
	v31 =	vsub.f32 $0.0e+00, v32;
	v32 =	vand.u32 $0x7FFFFFFF, v41  }
0x104: {  	v49 =	vmul.f32 $1.442695020e+00, v28;
	v32 =	vsub.f32 $0.0e+00, v32;
	v28 =	vand.u32 $0x7FFFFFFF, v42  }
0x105: {  	v50 =	vmul.f32 $1.442695020e+00, v29;
	v51 =	vsub.f32 $0.0e+00, v28;
	v28 =	vand.u32 $0x7FFFFFFF, v44;
	v52 =	vpop (erf)  }
0x106: {  	v53 =	vmul.f32 $1.442695020e+00, v30;
	v29 =	vand.u32 $0x7FFFFFFF, v45;
	v30 =	vsub.f32 $0.0e+00, v28;
	v54 =	vpop (erf)  }
0x107: {  	v55 =	vmul.f32 $1.066924330e-01, v52;
	v29 =	vsub.f32 $0.0e+00, v29;
	v56 =	vmul.f32 $1.066924330e-01, v54  }
0x108: {  	v28 =	vmax.f32 v45, $0.0e+00;
	v45 =	vmul.f32 $1.442695020e+00, v31;
	v57 =	vmul.f32 $1.442695020e+00, v32  }
0x109: {  	v31 =	vadd.f32 $-3.935581740e-01, v55;
	v58 =	vmul.f32 $1.442695020e+00, v29;
	v32 =	vadd.f32 $-3.935581740e-01, v56  }
0x10a: {  	v51 =	vmul.f32 $1.442695020e+00, v51;
	v55 =	vmul.f32 $1.442695020e+00, v30;
	v29 =	vmax.f32 v16, $0.0e+00  }
0x10b: {  	v30 =	vmax.f32 v26, $0.0e+00;
	v16 =	vmul.f32 v31, v52;
	v26 =	vmul.f32 v32, v54  }
0x10c: {  	v31 =	vmax.f32 v27, $0.0e+00;
	v32 =	vmax.f32 v14, $0.0e+00;
	(erf) = vpow2.f32 v58  }
0x10d: {  	v16 =	vadd.f32 $9.797691700e-01, v16;
	v26 =	vadd.f32 $9.797691700e-01, v26;
	(erf) = vpow2.f32 v33  }
0x10e: {  	v34 =	vmax.f32 v34, $0.0e+00;
	v33 =	vmax.f32 v15, $0.0e+00;
	(erf) = vpow2.f32 v17  }
0x10f: {  	v14 =	vmax.f32 v39, $0.0e+00;
	v17 =	vmul.f32 v16, v52;
	v26 =	vmul.f32 v26, v54  }
0x110: {  	v15 =	vmax.f32 v40, $0.0e+00;
	v16 =	vmax.f32 v38, $0.0e+00;
	(erf) = vpow2.f32 v43  }
0x111: {  	v17 =	vadd.f32 $9.223163360e-04, v17;
	v26 =	vadd.f32 $9.223163360e-04, v26;
	(erf) = vpow2.f32 v46  }
0x112: {  	v27 =	vmax.f32 v35, $0.0e+00;
	v35 =	vmax.f32 v37, $0.0e+00;
	(erf) = vpow2.f32 v47  }
0x113: {  	v37 =	vadd.f32 v17, v27;
	v35 =	vadd.f32 v26, v35;
	(erf) = vpow2.f32 v48  }
0x114: {  	v17 =	vmax.f32 v41, $0.0e+00;
	v26 =	vmax.f32 v42, $0.0e+00;
	(erf) = vpow2.f32 v49  }
0x115: {  	v27 =	vmax.f32 v44, $0.0e+00;
	v35 =	vadd.f32 v35, v37;
	v38 =	vpop (erf);
	(erf) = vpow2.f32 v50  }
0x116: {  	v39 =	vmul.f32 $1.066924330e-01, v38;
	v40 =	vpop (erf);
	(erf) = vpow2.f32 v53  }
0x117: {  	v41 =	vmul.f32 $1.066924330e-01, v40;
	v42 =	vpop (erf);
	(erf) = vrcp.f32 v35  }
0x118: {  	v35 =	vadd.f32 $-3.935581740e-01, v39;
	v39 =	vmul.f32 $1.066924330e-01, v42;
	(erf) = vpow2.f32 v45  }
0x119: {  	v48 =	vmul.f32 v36, v5;
	v41 =	vadd.f32 $-3.935581740e-01, v41;
	v43 =	vpop (erf);
	(erf) = vpow2.f32 v57  }
0x11a: {  	v36 =	vadd.f32 $-3.935581740e-01, v39;
	v39 =	vmul.f32 $1.066924330e-01, v43;
	v44 =	vpop (erf);
	(erf) = vpow2.f32 v51  }
0x11b: {  	v5 =	vmov v24;
	v45 =	vmul.f32 $1.066924330e-01, v44;
	v46 =	vpop (erf);
	(erf) = vpow2.f32 v55;
	[tilespmem:s24+$0xFFFFFFB0] =	vst v48  }
0x11c: {  	v24 =	vmul.f32 v35, v38;
	v35 =	vadd.f32 $-3.935581740e-01, v39;
	v39 =	vmul.f32 $1.066924330e-01, v46;
	v47 =	vpop (erf)  }
0x11d: {  	v41 =	vmul.f32 v41, v40;
	v45 =	vadd.f32 $-3.935581740e-01, v45;
	v48 =	vmul.f32 $1.066924330e-01, v47;
	v49 =	vpop (erf)  }
0x11e: {  	v36 =	vmul.f32 v36, v42;
	v39 =	vadd.f32 $-3.935581740e-01, v39;
	v50 =	vmul.f32 $1.066924330e-01, v49;
	v51 =	vpop (erf)  }
0x11f: {  	v35 =	vmul.f32 v35, v43;
	v48 =	vadd.f32 $-3.935581740e-01, v48;
	v52 =	vmul.f32 $1.066924330e-01, v51;
	v53 =	vpop (erf)  }
0x120: {  	v45 =	vmul.f32 v45, v44;
	v50 =	vadd.f32 $-3.935581740e-01, v50;
	v54 =	vmul.f32 $1.066924330e-01, v53;
	v55 =	vpop (erf)  }
0x121: {  	v39 =	vmul.f32 v39, v46;
	v52 =	vadd.f32 $-3.935581740e-01, v52;
	v59 =	vmul.f32 v55, v37;
	v55 =	vpop (erf)  }
0x122: {  	v48 =	vmul.f32 v48, v47;
	v54 =	vadd.f32 $-3.935581740e-01, v54;
	v56 =	vmul.f32 $1.066924330e-01, v55;
	v57 =	vpop (erf)  }
0x123: {  	v24 =	vadd.f32 $9.797691700e-01, v24;
	v50 =	vmul.f32 v50, v49;
	v58 =	vmul.f32 $1.066924330e-01, v57;
	[tilespmem:s29+$0x30] =	vst v59;
	v37 =	vpop (erf)  }
0x124: {  	v52 =	vmul.f32 v52, v51;
	v56 =	vadd.f32 $-3.935581740e-01, v56;
	v59 =	vmul.f32 $1.066924330e-01, v37;
	v60 =	vpop (erf)  }
0x125: {  	v54 =	vmul.f32 v54, v53;
	v58 =	vadd.f32 $-3.935581740e-01, v58;
	v61 =	vmul.f32 $1.066924330e-01, v60  }
0x126: {  	v41 =	vadd.f32 $9.797691700e-01, v41;
	v56 =	vmul.f32 v56, v55;
	v59 =	vadd.f32 $-3.935581740e-01, v59  }
0x127: {  	v36 =	vadd.f32 $9.797691700e-01, v36;
	v58 =	vmul.f32 v58, v57;
	v61 =	vadd.f32 $-3.935581740e-01, v61  }
0x128: {  	v35 =	vadd.f32 $9.797691700e-01, v35;
	v45 =	vadd.f32 $9.797691700e-01, v45;
	v59 =	vmul.f32 v59, v37  }
0x129: {  	v39 =	vadd.f32 $9.797691700e-01, v39;
	v48 =	vadd.f32 $9.797691700e-01, v48;
	v61 =	vmul.f32 v61, v60  }
0x12a: {  	v24 =	vmul.f32 v24, v38;
	v38 =	vadd.f32 $9.797691700e-01, v50;
	v50 =	vadd.f32 $9.797691700e-01, v52  }
0x12b: {  	v40 =	vmul.f32 v41, v40;
	v41 =	vadd.f32 $9.797691700e-01, v54;
	v52 =	vadd.f32 $9.797691700e-01, v56  }
0x12c: {  	v36 =	vmul.f32 v36, v42;
	v42 =	vadd.f32 $9.797691700e-01, v58;
	v54 =	vadd.f32 $9.797691700e-01, v59  }
0x12d: {  	v35 =	vmul.f32 v35, v43;
	v43 =	vmul.f32 v45, v44;
	v44 =	vadd.f32 $9.797691700e-01, v61  }
0x12e: {  	v24 =	vadd.f32 $9.223163360e-04, v24;
	v39 =	vmul.f32 v39, v46;
	v45 =	vmul.f32 v48, v47  }
0x12f: {  	v40 =	vadd.f32 $9.223163360e-04, v40;
	v38 =	vmul.f32 v38, v49;
	v46 =	vmul.f32 v50, v51  }
0x130: {  	v36 =	vadd.f32 $9.223163360e-04, v36;
	v41 =	vmul.f32 v41, v53;
	v47 =	vmul.f32 v52, v55  }
0x131: {  	v35 =	vadd.f32 $9.223163360e-04, v35;
	v42 =	vmul.f32 v42, v57;
	v37 =	vmul.f32 v54, v37  }
0x132: {  	v48 =	vadd.f32 $9.223163360e-04, v43;
	v39 =	vadd.f32 $9.223163360e-04, v39;
	v49 =	vmul.f32 v44, v60  }
0x133: {  	v50 =	vadd.f32 $9.223163360e-04, v45;
	v51 =	vadd.f32 $9.223163360e-04, v38;
	(erf) = vrcp.f32 v20  }
0x134: {  	v45 =	vadd.f32 $9.223163360e-04, v41;
	v44 =	vadd.f32 $9.223163360e-04, v46;
	(erf) = vrcp.f32 v13  }
0x135: {  	v43 =	vadd.f32 $9.223163360e-04, v47;
	v42 =	vadd.f32 $9.223163360e-04, v42;
	(erf) = vrcp.f32 v21  }
.Ltmp0:
0x136: {  	v41 =	vadd.f32 $9.223163360e-04, v37;
	v13 =	vadd.f32 $9.223163360e-04, v49;
	(erf) = vrcp.f32 v18;
	(pc) =	sbr.rel @p0 .LBB2_2-.Ltmp0, $4  }
0x137: {  	v28 =	vadd.f32 v24, v28;
	v18 =	vadd.f32 v40, v25;
	(erf) = vrcp.f32 v22  }
0x138: {  	v38 =	vadd.f32 v36, v29;
	v21 =	vadd.f32 v35, v30;
	(erf) = vrcp.f32 v19  }
0x139: {  	v29 =	vadd.f32 v48, v31;
	v19 =	vadd.f32 v39, v32;
	(erf) = vrcp.f32 v23  }
0x13a: {  	v12 =	vmul.f32 v12, v2;
	v2 =	vmovc v11;
	s29 =	sadd.s32 $0x100, s29;
	v24 =	vadd.f32 v50, v33;
	v22 =	vadd.f32 v51, v34  }
0x13b: {  	v11 =	vadd.f32 v44, v14  }
0x13c: {  	v0 =	vmul.f32 v10, v0;
	v10 =	vadd.f32 v42, v17;
	v17 =	vadd.f32 v21, v38  }
0x13d: {  	v14 =	vadd.f32 v45, v16;
	v16 =	vadd.f32 v18, v28;
	_ =	sdelay $0x1  }
0x13e: {  	v1 =	vmul.f32 v9, v1;
	v9 =	vadd.f32 v19, v29;
	(erf) = vrcp.f32 v16  }
0x13f: {  	v15 =	vadd.f32 v43, v15;
	(erf) = vrcp.f32 v17;
	v17 =	vpop (erf)  }
0x140: {  	[tilespmem:s24+$0x0] =	vst v12;
	v12 =	vadd.f32 v13, v27;
	v16 =	vadd.f32 v41, v26;
	v8 =	vmul.f32 v17, v8  }
0x141: {  	v18 =	vadd.f32 v22, v24;
	[tilespmem:s24+$0x10] =	vst v0;
	v0 =	vadd.f32 v10, v15;
	(erf) = vrcp.f32 v9  }
0x142: {  	v13 =	vadd.f32 v14, v11;
	[tilespmem:s24+$0x20] =	vst v1;
	v1 =	vadd.f32 v12, v16;
	v9 =	vpop (erf)  }
0x143: {  	(erf) = vrcp.f32 v18;
	v7 =	vmul.f32 v9, v7;
	v9 =	vpop (erf)  }
0x144: {  	(erf) = vrcp.f32 v13;
	[tilespmem:s25+$0xFFFFFF80] =	vst v8;
	v8 =	vpop (erf)  }
0x145: {  	(erf) = vrcp.f32 v0;
	v0 =	vpop (erf)  }
0x146: {  	v6 =	vmul.f32 v9, v6;
	(erf) = vrcp.f32 v1;
	v1 =	vpop (erf)  }
0x147: {  	[tilespmem:s25+$0xFFFFFF90] =	vst v7;
	v0 =	vmul.f32 v0, v2;
	v2 =	vpop (erf)  }
0x148: {  	[tilespmem:s25+$0xFFFFFFA0] =	vst v6;
	v1 =	vmul.f32 v1, v4;
	v4 =	vpop (erf)  }
0x149: {  	[tilespmem:s25+$0x0] =	vst v0;
	v0 =	vmul.f32 v2, v3;
	v2 =	vmul.f32 v4, v28;
	v3 =	vpop (erf)  }
0x14a: {  	v5 =	vmul.f32 v8, v5;
	[tilespmem:s25+$0x10] =	vst v1;
	v1 =	vmul.f32 v3, v38;
	v3 =	vpop (erf)  }
0x14b: {  	[tilespmem:s25+$0x20] =	vst v0;
	v0 =	vmul.f32 v3, v29  }
0x14c: {  	[tilespmem:s25+$0xFFFFFFB0] =	vst v5  }
0x14d: {  	[tilespmem:s26+$0xFFFFFF80] =	vst v2;
	v2 =	vpop (erf)  }
0x14e: {  	[tilespmem:s26+$0xFFFFFF90] =	vst v1;
	v1 =	vpop (erf);
	v2 =	vmul.f32 v2, v24  }
0x14f: {  	[tilespmem:s26+$0xFFFFFFA0] =	vst v0;
	v0 =	vpop (erf);
	v1 =	vmul.f32 v1, v11  }
0x150: {  	v3 =	vpop (erf);
	[tilespmem:s26+$0xFFFFFFB0] =	vst v2;
	v0 =	vmul.f32 v0, v15  }
0x151: {  	[tilespmem:s26+$0x0] =	vst v1;
	v1 =	vmul.f32 v3, v16  }
0x152: {  	[tilespmem:s26+$0x10] =	vst v0  }
0x153: {  	[tilespmem:s26+$0x20] =	vst v1  }
0x154: {  	[hbm4b:s5+s2] =	stream.linear.scatter [tilespmem:s12], [sflag:$0x5], $0x4000, $0x38;
	[tilespmem:$0x10200] =	vst v63  }
0x155: {  	_ =	swait.ge [sflag:s19], $0x4000  }
0x156: {  	[sflag:s19] =	ssyncset.done $0x0  }
0x157: {  	s24 =	simm.s32 $0x4200;
	[sflag:s19] =	ssyncadd.s32 $0xFFFFC000  }
0x158: {  	v10 =	vld [tilespmem:s24+$0xB0]  }
0x159: {  	v11 =	vld [tilespmem:s24+$0xF0];
	_ =	sdelay $0x1  }
0x15a: {  	v3 =	vld [tilespmem:s24+$0x40]  }
0x15b: {  	v13 =	vld [tilespmem:s24+$0x10]  }
0x15c: {  	v14 =	vld [tilespmem:s24+$0x50];
	v0 =	vand.u32 $0x7FFFFFFF, v10  }
0x15d: {  	v15 =	vld [tilespmem:s24+$0x20];
	v1 =	vand.u32 $0x7FFFFFFF, v11;
	v0 =	vsub.f32 $0.0e+00, v0  }
0x15e: {  	v16 =	vld [tilespmem:s24+$0x60];
	v1 =	vsub.f32 $0.0e+00, v1  }
0x15f: {  	v18 =	vld [tilespmem:s24+$0x0];
	v0 =	vmul.f32 $1.442695020e+00, v0  }
0x160: {  	v2 =	vmul.f32 $1.442695020e+00, v1  }
0x161: {  	v4 =	vand.u32 $0x7FFFFFFF, v3;
	(erf) = vpow2.f32 v0  }
0x162: {  	v5 =	vand.u32 $0x7FFFFFFF, v14;
	v8 =	vand.u32 $0x7FFFFFFF, v15;
	(erf) = vpow2.f32 v2;
	v2 =	vld [tilespmem:s24+$0x70]  }
0x163: {  	v12 =	vand.u32 $0x7FFFFFFF, v16;
	v6 =	vsub.f32 $0.0e+00, v4;
	v4 =	vand.u32 $0x7FFFFFFF, v13  }
0x164: {  	v27 =	vand.u32 $0x7FFFFFFF, v18;
	v10 =	vmax.f32 v10, $0.0e+00;
	v7 =	vsub.f32 $0.0e+00, v4;
	v4 =	vld [tilespmem:s24+$0xC0]  }
0x165: {  	v11 =	vmax.f32 v11, $0.0e+00;
	v15 =	vmax.f32 v15, $0.0e+00;
	v9 =	vsub.f32 $0.0e+00, v5;
	v1 =	vld [tilespmem:s24+$0x30]  }
0x166: {  	v16 =	vmax.f32 v16, $0.0e+00;
	v8 =	vsub.f32 $0.0e+00, v8;
	v12 =	vsub.f32 $0.0e+00, v12  }
0x167: {  	v5 =	vld [tilespmem:s24+$0x90];
	v27 =	vsub.f32 $0.0e+00, v27;
	v19 =	vmul.f32 $1.442695020e+00, v7;
	v7 =	vand.u32 $0x7FFFFFFF, v2  }
0x168: {  	v17 =	vmul.f32 $1.442695020e+00, v6;
	v21 =	vmul.f32 $1.442695020e+00, v9;
	v9 =	vsub.f32 $0.0e+00, v7  }
0x169: {  	v22 =	vmul.f32 $1.442695020e+00, v8;
	v12 =	vmul.f32 $1.442695020e+00, v12;
	v0 =	vmax.f32 v3, $0.0e+00  }
0x16a: {  	v3 =	vld [tilespmem:s24+$0x80];
	v8 =	vand.u32 $0x7FFFFFFF, v4;
	v6 =	vand.u32 $0x7FFFFFFF, v1;
	v24 =	vpop (erf);
	v32 =	vmul.f32 $1.442695020e+00, v9  }
0x16b: {  	v25 =	vsub.f32 $0.0e+00, v8;
	v9 =	vmul.f32 $1.442695020e+00, v27;
	v26 =	vpop (erf);
	v28 =	vmul.f32 $1.066924330e-01, v24  }
0x16c: {  	v8 =	vand.u32 $0x7FFFFFFF, v5;
	v20 =	vsub.f32 $0.0e+00, v6;
	v29 =	vmul.f32 $1.066924330e-01, v26  }
0x16d: {  	v30 =	vsub.f32 $0.0e+00, v8;
	(erf) = vpow2.f32 v9;
	v28 =	vadd.f32 $-3.935581740e-01, v28  }
0x16e: {  	v25 =	vmul.f32 $1.442695020e+00, v25;
	(erf) = vpow2.f32 v17;
	v29 =	vadd.f32 $-3.935581740e-01, v29  }
0x16f: {  	v8 =	vld [tilespmem:s24+$0xE0];
	v7 =	vand.u32 $0x7FFFFFFF, v3;
	(erf) = vpow2.f32 v19;
	v28 =	vmul.f32 v28, v24  }
0x170: {  	v23 =	vsub.f32 $0.0e+00, v7;
	v7 =	vld [tilespmem:s24+$0xA0];
	(erf) = vpow2.f32 v21;
	v29 =	vmul.f32 v29, v26  }
0x171: {  	v20 =	vmul.f32 $1.442695020e+00, v20;
	(erf) = vpow2.f32 v22;
	v9 =	vadd.f32 $9.797691700e-01, v28  }
0x172: {  	v23 =	vmul.f32 $1.442695020e+00, v23;
	(erf) = vpow2.f32 v12;
	v28 =	vadd.f32 $9.797691700e-01, v29  }
0x173: {  	v13 =	vmax.f32 v13, $0.0e+00;
	v6 =	vld [tilespmem:s24+$0xD0];
	(erf) = vpow2.f32 v20;
	v19 =	vmul.f32 v9, v24  }
0x174: {  	v1 =	vmax.f32 v1, $0.0e+00;
	(erf) = vpow2.f32 v32;
	v24 =	vmul.f32 v28, v26  }
0x175: {  	v17 =	vand.u32 $0x7FFFFFFF, v8;
	v27 =	vand.u32 $0x7FFFFFFF, v7;
	v20 =	vmax.f32 v14, $0.0e+00  }
0x176: {  	(erf) = vpow2.f32 v23;
	v19 =	vadd.f32 $9.223163360e-04, v19;
	v14 =	vpop (erf);
	v21 =	vadd.f32 $9.223163360e-04, v24  }
0x177: {  	v17 =	vsub.f32 $0.0e+00, v17;
	v27 =	vsub.f32 $0.0e+00, v27;
	(erf) = vpow2.f32 v25;
	v22 =	vpop (erf)  }
0x178: {  	v31 =	vand.u32 $0x7FFFFFFF, v6;
	v12 =	vadd.f32 v19, v10;
	v23 =	vpop (erf);
	v10 =	vadd.f32 v21, v11  }
0x179: {  	v31 =	vsub.f32 $0.0e+00, v31;
	v17 =	vmul.f32 $1.442695020e+00, v17;
	v9 =	vmax.f32 v18, $0.0e+00;
	v24 =	vpop (erf)  }
0x17a: {  	v18 =	vmul.f32 $1.442695020e+00, v30;
	v19 =	vmul.f32 $1.442695020e+00, v27;
	v25 =	vpop (erf);
	v10 =	vadd.f32 v10, v12  }
0x17b: {  	v5 =	vmax.f32 v5, $0.0e+00;
	v11 =	vmul.f32 $1.442695020e+00, v31;
	v21 =	vmul.f32 $1.066924330e-01, v14;
	v26 =	vpop (erf)  }
0x17c: {  	v2 =	vmax.f32 v2, $0.0e+00;
	v27 =	vpop (erf);
	(erf) = vrcp.f32 v10;
	v10 =	vmul.f32 $1.066924330e-01, v22  }
0x17d: {  	v3 =	vmax.f32 v3, $0.0e+00;
	v28 =	vmul.f32 $1.066924330e-01, v27;
	v29 =	vpop (erf);
	(erf) = vpow2.f32 v18  }
0x17e: {  	v18 =	vadd.f32 $-3.935581740e-01, v21;
	v21 =	vmul.f32 $1.066924330e-01, v23;
	v30 =	vmul.f32 $1.066924330e-01, v29  }
0x17f: {  	v31 =	vpop (erf);
	(erf) = vpow2.f32 v11;
	v10 =	vadd.f32 $-3.935581740e-01, v10;
	v11 =	vmul.f32 $1.066924330e-01, v24  }
0x180: {  	v28 =	vadd.f32 $-3.935581740e-01, v28;
	v44 =	vmul.f32 $1.066924330e-01, v31;
	v33 =	vpop (erf);
	(erf) = vpow2.f32 v19  }
0x181: {  	v19 =	vadd.f32 $-3.935581740e-01, v21;
	v21 =	vmul.f32 $1.066924330e-01, v25;
	v34 =	vmul.f32 $1.066924330e-01, v33  }
0x182: {  	v30 =	vadd.f32 $-3.935581740e-01, v30;
	(erf) = vpow2.f32 v17;
	v17 =	vmul.f32 v18, v14  }
0x183: {  	v11 =	vadd.f32 $-3.935581740e-01, v11;
	v18 =	vmul.f32 $1.066924330e-01, v26;
	v10 =	vmul.f32 v10, v22  }
0x184: {  	v32 =	vadd.f32 $-3.935581740e-01, v44;
	v28 =	vmul.f32 v28, v27;
	v21 =	vadd.f32 $-3.935581740e-01, v21  }
0x185: {  	v19 =	vmul.f32 v19, v23;
	v34 =	vadd.f32 $-3.935581740e-01, v34;
	v30 =	vmul.f32 v30, v29  }
0x186: {  	v18 =	vadd.f32 $-3.935581740e-01, v18;
	v11 =	vmul.f32 v11, v24;
	v17 =	vadd.f32 $9.797691700e-01, v17  }
0x187: {  	v32 =	vmul.f32 v32, v31;
	v10 =	vadd.f32 $9.797691700e-01, v10;
	v28 =	vadd.f32 $9.797691700e-01, v28  }
0x188: {  	v21 =	vmul.f32 v21, v25;
	v34 =	vmul.f32 v34, v33;
	v19 =	vadd.f32 $9.797691700e-01, v19  }
0x189: {  	v18 =	vmul.f32 v18, v26;
	v11 =	vadd.f32 $9.797691700e-01, v11;
	v14 =	vmul.f32 v17, v14  }
0x18a: {  	v17 =	vadd.f32 $9.797691700e-01, v30;
	v30 =	vadd.f32 $9.797691700e-01, v32;
	v10 =	vmul.f32 v10, v22  }
0x18b: {  	v35 =	vpop (erf);
	v21 =	vadd.f32 $9.797691700e-01, v21;
	v22 =	vadd.f32 $9.797691700e-01, v34;
	v19 =	vmul.f32 v19, v23  }
0x18c: {  	v36 =	vpop (erf);
	v18 =	vadd.f32 $9.797691700e-01, v18;
	v11 =	vmul.f32 v11, v24;
	v14 =	vadd.f32 $9.223163360e-04, v14  }
0x18d: {  	v10 =	vadd.f32 $9.223163360e-04, v10;
	v17 =	vmul.f32 v17, v29;
	v37 =	vmul.f32 $1.066924330e-01, v36  }
0x18e: {  	v21 =	vmul.f32 v21, v25;
	v25 =	vmul.f32 v28, v27;
	v19 =	vadd.f32 $9.223163360e-04, v19  }
0x18f: {  	v45 =	vpop (erf);
	v22 =	vmul.f32 v22, v33;
	v11 =	vadd.f32 $9.223163360e-04, v11;
	v17 =	vadd.f32 $9.223163360e-04, v17  }
0x190: {  	v39 =	vmul.f32 $1.066924330e-01, v45;
	v14 =	vadd.f32 v14, v9;
	v29 =	vadd.f32 v10, v0  }
0x191: {  	v18 =	vmul.f32 v18, v26;
	v37 =	vadd.f32 $-3.935581740e-01, v37;
	v21 =	vadd.f32 $9.223163360e-04, v21  }
0x192: {  	v26 =	vmul.f32 v30, v31;
	v25 =	vadd.f32 $9.223163360e-04, v25;
	v22 =	vadd.f32 $9.223163360e-04, v22  }
0x193: {  	v40 =	vpop (erf);
	v0 =	vmax.f32 v4, $0.0e+00;
	v10 =	vadd.f32 v19, v13;
	v39 =	vadd.f32 $-3.935581740e-01, v39  }
0x194: {  	v46 =	vmul.f32 $1.066924330e-01, v40;
	v47 =	vpop (erf);
	v18 =	vadd.f32 $9.223163360e-04, v18;
	v26 =	vadd.f32 $9.223163360e-04, v26  }
0x195: {  	v48 =	vmul.f32 $1.066924330e-01, v47;
	v4 =	vadd.f32 v11, v20;
	v2 =	vadd.f32 v17, v2  }
0x196: {  	s25 =	simm.s32 $0x4300;
	v37 =	vmul.f32 v37, v36;
	v41 =	vadd.f32 $-3.935581740e-01, v46;
	v9 =	vadd.f32 v21, v15  }
0x197: {  	v31 =	vld [tilespmem:s25+$0x90];
	v13 =	vadd.f32 v25, v1;
	v1 =	vmax.f32 v7, $0.0e+00;
	v7 =	vmax.f32 v8, $0.0e+00  }
0x198: {  	v39 =	vmul.f32 v39, v45;
	v43 =	vadd.f32 $-3.935581740e-01, v48;
	v11 =	vadd.f32 v26, v3;
	v26 =	vld [tilespmem:s25+$0x80]  }
0x199: {  	v8 =	vadd.f32 v29, v14;
	v41 =	vmul.f32 v41, v40;
	v49 =	vadd.f32 $9.797691700e-01, v37  }
0x19a: {  	v15 =	vadd.f32 v18, v16;
	v43 =	vmul.f32 v43, v47;
	v23 =	vadd.f32 $9.797691700e-01, v39  }
0x19b: {  	v30 =	vld [tilespmem:s25+$0xB0];
	v3 =	vadd.f32 v22, v0;
	v50 =	vadd.f32 $9.797691700e-01, v41;
	v27 =	vmul.f32 v49, v36  }
0x19c: {  	v56 =	vand.u32 $0x7FFFFFFF, v31;
	v24 =	vadd.f32 $9.797691700e-01, v43;
	v23 =	vmul.f32 v23, v45  }
0x19d: {  	v18 =	vld [tilespmem:s25+$0xF0];
	v28 =	vmul.f32 v50, v40;
	v27 =	vadd.f32 $9.223163360e-04, v27;
	v53 =	vand.u32 $0x7FFFFFFF, v26  }
0x19e: {  	v40 =	vsub.f32 $0.0e+00, v56;
	v24 =	vmul.f32 v24, v47;
	v23 =	vadd.f32 $9.223163360e-04, v23  }
0x19f: {  	v6 =	vmax.f32 v6, $0.0e+00;
	v37 =	vsub.f32 $0.0e+00, v53;
	v28 =	vadd.f32 $9.223163360e-04, v28  }
0x1a0: {  	v0 =	vadd.f32 v27, v5;
	v5 =	vand.u32 $0x7FFFFFFF, v30;
	v24 =	vadd.f32 $9.223163360e-04, v24  }
0x1a1: {  	v17 =	vld [tilespmem:s25+$0x40];
	v16 =	vadd.f32 v23, v6;
	v22 =	vsub.f32 $0.0e+00, v5  }
0x1a2: {  	v21 =	vld [tilespmem:s25+$0x50];
	v5 =	vand.u32 $0x7FFFFFFF, v18;
	v6 =	vadd.f32 v4, v10;
	v4 =	vadd.f32 v3, v11  }
0x1a3: {  	v12 =	vmul.f32 v35, v12;
	v25 =	vld [tilespmem:s25+$0x60];
	v19 =	vadd.f32 v24, v7;
	v24 =	vsub.f32 $0.0e+00, v5  }
0x1a4: {  	v36 =	vld [tilespmem:s25+$0xA0];
	v1 =	vadd.f32 v28, v1;
	v7 =	vadd.f32 v15, v9;
	v15 =	vmul.f32 $1.442695020e+00, v22  }
0x1a5: {  	v20 =	vld [tilespmem:s25+$0x10];
	v5 =	vadd.f32 v2, v13;
	v2 =	vadd.f32 v16, v0;
	v16 =	vmul.f32 $1.442695020e+00, v24  }
0x1a6: {  	v27 =	vld [tilespmem:s25+$0xC0];
	v3 =	vadd.f32 v19, v1;
	v19 =	vand.u32 $0x7FFFFFFF, v17;
	(erf) = vpow2.f32 v15  }
0x1a7: {  	v23 =	vld [tilespmem:s25+$0x20];
	(erf) = vpow2.f32 v16;
	v16 =	vsub.f32 $0.0e+00, v19;
	v19 =	vand.u32 $0x7FFFFFFF, v21  }
0x1a8: {  	v29 =	vand.u32 $0x7FFFFFFF, v25;
	v25 =	vmax.f32 v25, $0.0e+00;
	v19 =	vsub.f32 $0.0e+00, v19  }
0x1a9: {  	v40 =	vmul.f32 $1.442695020e+00, v40;
	v47 =	vand.u32 $0x7FFFFFFF, v36;
	v37 =	vmul.f32 $1.442695020e+00, v37;
	v22 =	vld [tilespmem:s25+$0x30]  }
0x1aa: {  	v18 =	vmax.f32 v18, $0.0e+00;
	v34 =	vmax.f32 v36, $0.0e+00;
	v35 =	vmul.f32 $1.442695020e+00, v19;
	v19 =	vld [tilespmem:s25+$0x0]  }
0x1ab: {  	v24 =	vld [tilespmem:s25+$0x70];
	v15 =	vmax.f32 v17, $0.0e+00;
	v17 =	vand.u32 $0x7FFFFFFF, v20;
	v54 =	vand.u32 $0x7FFFFFFF, v27  }
0x1ac: {  	v17 =	vsub.f32 $0.0e+00, v17;
	v28 =	vand.u32 $0x7FFFFFFF, v23;
	v38 =	vsub.f32 $0.0e+00, v54  }
0x1ad: {  	v47 =	vsub.f32 $0.0e+00, v47;
	v27 =	vmax.f32 v27, $0.0e+00;
	v28 =	vsub.f32 $0.0e+00, v28  }
0x1ae: {  	v51 =	vand.u32 $0x7FFFFFFF, v22;
	v52 =	vmul.f32 $1.442695020e+00, v17;
	v38 =	vmul.f32 $1.442695020e+00, v38  }
0x1af: {  	v32 =	vmul.f32 $1.442695020e+00, v16;
	v16 =	vsub.f32 $0.0e+00, v29;
	v29 =	vld [tilespmem:s25+$0xD0];
	v58 =	vpop (erf);
	v61 =	vand.u32 $0x7FFFFFFF, v19  }
0x1b0: {  	v17 =	vand.u32 $0x7FFFFFFF, v24;
	v62 =	vmul.f32 $1.066924330e-01, v58;
	v60 =	vpop (erf);
	v44 =	vsub.f32 $0.0e+00, v61  }
0x1b1: {  	v33 =	vsub.f32 $0.0e+00, v51;
	v17 =	vsub.f32 $0.0e+00, v17;
	v46 =	vmul.f32 $1.066924330e-01, v60  }
0x1b2: {  	v55 =	vmul.f32 $1.442695020e+00, v16;
	v16 =	vld [tilespmem:s25+$0xE0];
	v45 =	vadd.f32 $-3.935581740e-01, v62;
	v44 =	vmul.f32 $1.442695020e+00, v44  }
0x1b3: {  	v28 =	vmul.f32 $1.442695020e+00, v28;
	v59 =	vmul.f32 $1.442695020e+00, v17;
	v46 =	vadd.f32 $-3.935581740e-01, v46  }
0x1b4: {  	v57 =	vand.u32 $0x7FFFFFFF, v29;
	v45 =	vmul.f32 v45, v58;
	(erf) = vpow2.f32 v44  }
0x1b5: {  	v17 =	vsub.f32 $0.0e+00, v57;
	v46 =	vmul.f32 v46, v60;
	(erf) = vpow2.f32 v32  }
0x1b6: {  	v33 =	vmul.f32 $1.442695020e+00, v33;
	v63 =	vadd.f32 $9.797691700e-01, v45;
	(erf) = vpow2.f32 v52  }
0x1b7: {  	v48 =	vand.u32 $0x7FFFFFFF, v16;
	v49 =	vmul.f32 $1.442695020e+00, v17;
	v50 =	vadd.f32 $9.797691700e-01, v46  }
0x1b8: {  	v17 =	vmax.f32 v19, $0.0e+00;
	v52 =	vmul.f32 v63, v58;
	(erf) = vpow2.f32 v35  }
0x1b9: {  	v19 =	vmax.f32 v20, $0.0e+00;
	(erf) = vpow2.f32 v28;
	v41 =	vmul.f32 v50, v60  }
0x1ba: {  	v20 =	vmax.f32 v21, $0.0e+00;
	v21 =	vadd.f32 $9.223163360e-04, v52;
	(erf) = vpow2.f32 v55  }
0x1bb: {  	v28 =	vmax.f32 v30, $0.0e+00;
	(erf) = vpow2.f32 v33;
	v54 =	vadd.f32 $9.223163360e-04, v41  }
0x1bc: {  	v48 =	vsub.f32 $0.0e+00, v48;
	v28 =	vadd.f32 v21, v28;
	(erf) = vpow2.f32 v59  }
0x1bd: {  	v21 =	vmax.f32 v22, $0.0e+00;
	v22 =	vmax.f32 v26, $0.0e+00;
	v18 =	vadd.f32 v54, v18;
	v26 =	vpop (erf)  }
0x1be: {  	v51 =	vmul.f32 $1.442695020e+00, v47;
	v30 =	vmax.f32 v31, $0.0e+00;
	(erf) = vpow2.f32 v37;
	v31 =	vpop (erf)  }
0x1bf: {  	v53 =	vmul.f32 $1.442695020e+00, v48;
	(erf) = vpow2.f32 v38;
	v18 =	vadd.f32 v18, v28;
	v33 =	vpop (erf)  }
0x1c0: {  	v23 =	vmax.f32 v23, $0.0e+00;
	v55 =	vmul.f32 $1.066924330e-01, v31;
	v56 =	vmul.f32 $1.066924330e-01, v33  }
0x1c1: {  	v24 =	vmax.f32 v24, $0.0e+00;
	v36 =	vpop (erf);
	(erf) = vrcp.f32 v18;
	v18 =	vmul.f32 $1.066924330e-01, v26  }
0x1c2: {  	v38 =	vpop (erf);
	v57 =	vadd.f32 $-3.935581740e-01, v55;
	v58 =	vmul.f32 $1.066924330e-01, v36;
	(erf) = vpow2.f32 v40  }
0x1c3: {  	v39 =	vpop (erf);
	v37 =	vadd.f32 $-3.935581740e-01, v56;
	v59 =	vmul.f32 $1.066924330e-01, v38;
	(erf) = vpow2.f32 v49  }
0x1c4: {  	v18 =	vadd.f32 $-3.935581740e-01, v18;
	v41 =	vpop (erf);
	v60 =	vmul.f32 $1.066924330e-01, v39;
	v32 =	vmul.f32 v57, v31  }
0x1c5: {  	v35 =	vadd.f32 $-3.935581740e-01, v58;
	(erf) = vpow2.f32 v51;
	v61 =	vmul.f32 $1.066924330e-01, v41  }
0x1c6: {  	v43 =	vpop (erf);
	v40 =	vadd.f32 $-3.935581740e-01, v59;
	v37 =	vmul.f32 v37, v33;
	(erf) = vpow2.f32 v53  }
0x1c7: {  	v18 =	vmul.f32 v18, v26;
	v42 =	vadd.f32 $-3.935581740e-01, v60;
	v62 =	vmul.f32 $1.066924330e-01, v43  }
0x1c8: {  	v45 =	vpop (erf);
	v35 =	vmul.f32 v35, v36;
	v32 =	vadd.f32 $9.797691700e-01, v32;
	v44 =	vadd.f32 $-3.935581740e-01, v61  }
0x1c9: {  	v47 =	vpop (erf);
	v63 =	vmul.f32 $1.066924330e-01, v45;
	v40 =	vmul.f32 v40, v38;
	v37 =	vadd.f32 $9.797691700e-01, v37  }
0x1ca: {  	(erf) = vrcp.f32 v8;
	v46 =	vadd.f32 $-3.935581740e-01, v62;
	v50 =	vmul.f32 $1.066924330e-01, v47  }
0x1cb: {  	v42 =	vmul.f32 v42, v39;
	v18 =	vadd.f32 $9.797691700e-01, v18;
	v35 =	vadd.f32 $9.797691700e-01, v35  }
0x1cc: {  	v31 =	vmul.f32 v32, v31;
	(erf) = vrcp.f32 v6;
	v48 =	vadd.f32 $-3.935581740e-01, v63  }
0x1cd: {  	v44 =	vmul.f32 v44, v41;
	v40 =	vadd.f32 $9.797691700e-01, v40;
	v33 =	vmul.f32 v37, v33  }
0x1ce: {  	(erf) = vrcp.f32 v7;
	v50 =	vadd.f32 $-3.935581740e-01, v50;
	v46 =	vmul.f32 v46, v43  }
0x1cf: {  	v42 =	vadd.f32 $9.797691700e-01, v42;
	v18 =	vmul.f32 v18, v26;
	v35 =	vmul.f32 v35, v36  }
0x1d0: {  	v31 =	vadd.f32 $9.223163360e-04, v31;
	v48 =	vmul.f32 v48, v45;
	v44 =	vadd.f32 $9.797691700e-01, v44  }
0x1d1: {  	v49 =	vpop (erf);
	v61 =	vmul.f32 v40, v38;
	v33 =	vadd.f32 $9.223163360e-04, v33;
	v50 =	vmul.f32 v50, v47  }
0x1d2: {  	v51 =	vpop (erf);
	v26 =	vadd.f32 $9.797691700e-01, v46;
	v18 =	vadd.f32 $9.223163360e-04, v18;
	v39 =	vmul.f32 v42, v39  }
0x1d3: {  	v35 =	vadd.f32 $9.223163360e-04, v35;
	v15 =	vadd.f32 v31, v15;
	v52 =	vmul.f32 $1.066924330e-01, v51  }
0x1d4: {  	v53 =	vpop (erf);
	v46 =	vadd.f32 $9.797691700e-01, v48;
	v63 =	vmul.f32 v44, v41;
	v36 =	vadd.f32 $9.223163360e-04, v61  }
0x1d5: {  	v7 =	vadd.f32 v33, v19;
	(erf) = vrcp.f32 v5;
	v54 =	vmul.f32 $1.066924330e-01, v53;
	v55 =	vpop (erf)  }
0x1d6: {  	v32 =	vadd.f32 $9.797691700e-01, v50;
	v26 =	vmul.f32 v26, v43;
	v56 =	vmul.f32 $1.066924330e-01, v55;
	v57 =	vpop (erf)  }
0x1d7: {  	v39 =	vadd.f32 $9.223163360e-04, v39;
	v52 =	vadd.f32 $-3.935581740e-01, v52;
	v58 =	vmul.f32 $1.066924330e-01, v57  }
0x1d8: {  	v46 =	vmul.f32 v46, v45;
	v54 =	vadd.f32 $-3.935581740e-01, v54;
	v56 =	vadd.f32 $-3.935581740e-01, v56  }
0x1d9: {  	v40 =	vadd.f32 $9.223163360e-04, v63;
	v52 =	vmul.f32 v52, v51;
	v58 =	vadd.f32 $-3.935581740e-01, v58  }
0x1da: {  	v6 =	vadd.f32 v36, v23;
	v54 =	vmul.f32 v54, v53;
	v56 =	vmul.f32 v56, v55  }
0x1db: {  	v26 =	vadd.f32 $9.223163360e-04, v26;
	v52 =	vadd.f32 $9.797691700e-01, v52;
	v58 =	vmul.f32 v58, v57  }
0x1dc: {  	v32 =	vmul.f32 v32, v47;
	v59 =	vadd.f32 $9.797691700e-01, v54;
	v60 =	vadd.f32 $9.797691700e-01, v56  }
0x1dd: {  	v5 =	vadd.f32 v40, v21;
	v52 =	vmul.f32 v52, v51;
	v62 =	vadd.f32 $9.797691700e-01, v58  }
0x1de: {  	v32 =	vadd.f32 $9.223163360e-04, v32;
	v37 =	vmul.f32 v59, v53;
	v54 =	vmul.f32 v60, v55  }
0x1df: {  	v55 =	vadd.f32 $9.223163360e-04, v46;
	v56 =	vadd.f32 $9.223163360e-04, v52;
	v8 =	vmul.f32 v62, v57  }
0x1e0: {  	v29 =	vmax.f32 v29, $0.0e+00;
	v37 =	vadd.f32 $9.223163360e-04, v37;
	v57 =	vadd.f32 $9.223163360e-04, v54  }
0x1e1: {  	s26 =	simm.s32 $0x4400;
	v16 =	vmax.f32 v16, $0.0e+00;
	v58 =	vadd.f32 $9.223163360e-04, v8;
	v8 =	vadd.f32 v18, v17  }
0x1e2: {  	(erf) = vrcp.f32 v4;
	v17 =	vadd.f32 v35, v20;
	v20 =	vadd.f32 v39, v25;
	v39 =	vld [tilespmem:s26+$0xB0]  }
0x1e3: {  	(erf) = vrcp.f32 v2;
	v40 =	vld [tilespmem:s26+$0xF0];
	v2 =	vadd.f32 v55, v22;
	v4 =	vadd.f32 v56, v30  }
0x1e4: {  	v48 =	vld [tilespmem:s26+$0x0];
	(erf) = vrcp.f32 v3;
	v19 =	vpop (erf);
	v25 =	vadd.f32 v26, v24;
	v26 =	vadd.f32 v32, v27  }
0x1e5: {  	v19 =	vmul.f32 v19, v14;
	v27 =	vadd.f32 v37, v29;
	v3 =	vadd.f32 v57, v34  }
0x1e6: {  	v31 =	vld [tilespmem:s26+$0x40];
	v18 =	vmul.f32 v49, v28;
	v16 =	vadd.f32 v58, v16;
	v30 =	vadd.f32 v15, v8  }
0x1e7: {  	v14 =	vld [tilespmem:s26+$0x10];
	v23 =	vadd.f32 v17, v7;
	v24 =	vadd.f32 v20, v6;
	v17 =	vpop (erf);
	v15 =	vand.u32 $0x7FFFFFFF, v39  }
0x1e8: {  	v20 =	vand.u32 $0x7FFFFFFF, v40;
	v21 =	vmul.f32 v17, v10;
	v17 =	vld [tilespmem:s26+$0x20];
	v15 =	vsub.f32 $0.0e+00, v15  }
0x1e9: {  	v34 =	vld [tilespmem:s26+$0x50];
	v57 =	vand.u32 $0x7FFFFFFF, v48;
	v28 =	vadd.f32 v25, v5;
	v59 =	vsub.f32 $0.0e+00, v20;
	v10 =	vpop (erf)  }
0x1ea: {  	v37 =	vld [tilespmem:s26+$0x60];
	v29 =	vadd.f32 v26, v2;
	v22 =	vmul.f32 v10, v9;
	v45 =	vpop (erf);
	v9 =	vmul.f32 $1.442695020e+00, v15  }
0x1eb: {  	v25 =	vadd.f32 v27, v4;
	v20 =	vadd.f32 v16, v3;
	v10 =	vmul.f32 $1.442695020e+00, v59;
	v32 =	vpop (erf);
	v15 =	vld [tilespmem:s26+$0x30]  }
0x1ec: {  	[tilespmem:s24+$0xB0] =	vst v12;
	v42 =	vld [tilespmem:s26+$0xC0];
	v16 =	vand.u32 $0x7FFFFFFF, v31;
	v12 =	vmul.f32 v32, v11;
	(erf) = vpow2.f32 v9  }
0x1ed: {  	v38 =	vld [tilespmem:s26+$0x70];
	v9 =	vsub.f32 $0.0e+00, v16;
	v16 =	vand.u32 $0x7FFFFFFF, v14;
	v26 =	vand.u32 $0x7FFFFFFF, v17  }
0x1ee: {  	v43 =	vld [tilespmem:s26+$0x90];
	(erf) = vpow2.f32 v10;
	v10 =	vsub.f32 $0.0e+00, v16;
	v16 =	vand.u32 $0x7FFFFFFF, v34  }
0x1ef: {  	v41 =	vld [tilespmem:s26+$0x80];
	v27 =	vsub.f32 $0.0e+00, v26;
	v26 =	vand.u32 $0x7FFFFFFF, v37;
	v16 =	vsub.f32 $0.0e+00, v16  }
0x1f0: {  	v44 =	vld [tilespmem:s26+$0xD0];
	v33 =	vmul.f32 $1.442695020e+00, v9;
	v60 =	vsub.f32 $0.0e+00, v26;
	v9 =	vand.u32 $0x7FFFFFFF, v15  }
0x1f1: {  	v36 =	vmul.f32 $1.442695020e+00, v10;
	v49 =	vmul.f32 $1.442695020e+00, v27;
	v27 =	vand.u32 $0x7FFFFFFF, v42  }
0x1f2: {  	v26 =	vld [tilespmem:s26+$0xA0];
	v61 =	vsub.f32 $0.0e+00, v9;
	v9 =	vand.u32 $0x7FFFFFFF, v38;
	v16 =	vmul.f32 $1.442695020e+00, v16  }
0x1f3: {  	v51 =	vmul.f32 $1.442695020e+00, v60;
	v60 =	vsub.f32 $0.0e+00, v27;
	v27 =	vand.u32 $0x7FFFFFFF, v43  }
0x1f4: {  	v62 =	vsub.f32 $0.0e+00, v9;
	v9 =	vand.u32 $0x7FFFFFFF, v41;
	v52 =	vsub.f32 $0.0e+00, v27  }
0x1f5: {  	v27 =	vld [tilespmem:s26+$0xE0];
	v63 =	vsub.f32 $0.0e+00, v9;
	v46 =	vmul.f32 $1.442695020e+00, v61;
	v61 =	vand.u32 $0x7FFFFFFF, v44  }
0x1f6: {  	v10 =	vpop (erf);
	v60 =	vmul.f32 $1.442695020e+00, v60;
	v47 =	vmul.f32 $1.442695020e+00, v62;
	v53 =	vsub.f32 $0.0e+00, v61  }
0x1f7: {  	v55 =	vand.u32 $0x7FFFFFFF, v26;
	v62 =	vsub.f32 $0.0e+00, v57;
	v52 =	vmul.f32 $1.442695020e+00, v52;
	v9 =	vpop (erf)  }
0x1f8: {  	v50 =	vmul.f32 $1.442695020e+00, v63;
	v55 =	vsub.f32 $0.0e+00, v55;
	v54 =	vpop (erf);
	v53 =	vmul.f32 $1.442695020e+00, v53  }
0x1f9: {  	v35 =	vmul.f32 $1.442695020e+00, v62;
	v56 =	vpop (erf);
	v58 =	vmul.f32 $1.066924330e-01, v54  }
0x1fa: {  	v62 =	vand.u32 $0x7FFFFFFF, v27;
	v55 =	vmul.f32 $1.442695020e+00, v55;
	v59 =	vmul.f32 $1.066924330e-01, v56  }
0x1fb: {  	(erf) = vpow2.f32 v35;
	v35 =	vmax.f32 v48, $0.0e+00;
	v63 =	vadd.f32 $-3.935581740e-01, v58  }
0x1fc: {  	(erf) = vpow2.f32 v33;
	v33 =	vmax.f32 v14, $0.0e+00;
	v61 =	vadd.f32 $-3.935581740e-01, v59  }
0x1fd: {  	v59 =	vsub.f32 $0.0e+00, v62;
	(erf) = vpow2.f32 v36;
	v36 =	vmax.f32 v34, $0.0e+00  }
0x1fe: {  	v34 =	vmax.f32 v17, $0.0e+00;
	v57 =	vmul.f32 v63, v54;
	(erf) = vpow2.f32 v16  }
0x1ff: {  	v17 =	vmax.f32 v39, $0.0e+00;
	v58 =	vmul.f32 v61, v56;
	(erf) = vpow2.f32 v49  }
0x200: {  	v39 =	vmax.f32 v38, $0.0e+00;
	v57 =	vadd.f32 $9.797691700e-01, v57;
	(erf) = vpow2.f32 v51  }
0x201: {  	v48 =	vmul.f32 $1.442695020e+00, v59;
	v58 =	vadd.f32 $9.797691700e-01, v58;
	(erf) = vpow2.f32 v46  }
0x202: {  	v14 =	vmul.f32 v57, v54;
	v57 =	vmax.f32 v40, $0.0e+00;
	v40 =	vmax.f32 v37, $0.0e+00  }
0x203: {  	v37 =	vmax.f32 v15, $0.0e+00;
	(erf) = vpow2.f32 v47;
	v63 =	vmul.f32 v58, v56  }
0x204: {  	(erf) = vpow2.f32 v50;
	v50 =	vmul.f32 v45, v13;
	v14 =	vadd.f32 $9.223163360e-04, v14;
	v38 =	vpop (erf)  }
0x205: {  	(erf) = vpow2.f32 v60;
	v16 =	vadd.f32 $9.223163360e-04, v63;
	v58 =	vmul.f32 $1.066924330e-01, v38;
	v46 =	vpop (erf)  }
0x206: {  	v49 =	vadd.f32 v14, v17;
	v59 =	vmul.f32 $1.066924330e-01, v46;
	v47 =	vpop (erf);
	v17 =	vmax.f32 v44, $0.0e+00  }
0x207: {  	v14 =	vadd.f32 v16, v57;
	v16 =	vmax.f32 v42, $0.0e+00;
	v60 =	vmul.f32 $1.066924330e-01, v47;
	v44 =	vpop (erf)  }
0x208: {  	v13 =	vadd.f32 $-3.935581740e-01, v58;
	v61 =	vmul.f32 $1.066924330e-01, v44;
	v45 =	vpop (erf);
	v42 =	vadd.f32 $-3.935581740e-01, v59  }
0x209: {  	v15 =	vadd.f32 v14, v49;
	v14 =	vmax.f32 v41, $0.0e+00;
	v62 =	vmul.f32 $1.066924330e-01, v45  }
0x20a: {  	v13 =	vmul.f32 v13, v38;
	v41 =	vadd.f32 $-3.935581740e-01, v61;
	v42 =	vmul.f32 v42, v46  }
0x20b: {  	(erf) = vrcp.f32 v15;
	v15 =	vmax.f32 v43, $0.0e+00;
	v43 =	vadd.f32 $-3.935581740e-01, v60  }
0x20c: {  	v51 =	vadd.f32 $-3.935581740e-01, v62;
	(erf) = vpow2.f32 v52;
	v52 =	vpop (erf);
	v41 =	vmul.f32 v41, v44  }
0x20d: {  	v13 =	vadd.f32 $9.797691700e-01, v13;
	(erf) = vpow2.f32 v53;
	v63 =	vmul.f32 $1.066924330e-01, v52  }
0x20e: {  	v42 =	vadd.f32 $9.797691700e-01, v42;
	v43 =	vmul.f32 v43, v47;
	v51 =	vmul.f32 v51, v45  }
0x20f: {  	v31 =	vmax.f32 v31, $0.0e+00;
	v53 =	vpop (erf);
	v13 =	vmul.f32 v13, v38;
	(erf) = vpow2.f32 v55  }
0x210: {  	v26 =	vmax.f32 v26, $0.0e+00;
	v60 =	vmul.f32 $1.066924330e-01, v53;
	v42 =	vmul.f32 v42, v46  }
0x211: {  	v55 =	vpop (erf);
	v41 =	vadd.f32 $9.797691700e-01, v41;
	(erf) = vpow2.f32 v48;
	v48 =	vadd.f32 $-3.935581740e-01, v63  }
0x212: {  	v61 =	vmul.f32 $1.066924330e-01, v55;
	v57 =	vpop (erf);
	v43 =	vadd.f32 $9.797691700e-01, v43;
	v51 =	vadd.f32 $9.797691700e-01, v51  }
0x213: {  	v54 =	vadd.f32 $-3.935581740e-01, v60;
	v58 =	vmul.f32 $1.066924330e-01, v57;
	v59 =	vpop (erf);
	v41 =	vmul.f32 v41, v44  }
0x214: {  	(erf) = vrcp.f32 v30;
	v56 =	vadd.f32 $-3.935581740e-01, v61;
	v60 =	vmul.f32 $1.066924330e-01, v59  }
0x215: {  	v48 =	vmul.f32 v48, v52;
	v43 =	vmul.f32 v43, v47;
	v58 =	vadd.f32 $-3.935581740e-01, v58  }
0x216: {  	v45 =	vmul.f32 v51, v45;
	v54 =	vmul.f32 v54, v53;
	v60 =	vadd.f32 $-3.935581740e-01, v60  }
0x217: {  	v56 =	vmul.f32 v56, v55;
	v48 =	vadd.f32 $9.797691700e-01, v48;
	v61 =	vpop (erf);
	v58 =	vmul.f32 v58, v57  }
0x218: {  	v54 =	vadd.f32 $9.797691700e-01, v54;
	v49 =	vmul.f32 v61, v49;
	v61 =	vpop (erf);
	v60 =	vmul.f32 v60, v59  }
0x219: {  	v48 =	vmul.f32 v48, v52;
	v56 =	vadd.f32 $9.797691700e-01, v56;
	v62 =	vmul.f32 $1.066924330e-01, v61  }
0x21a: {  	v46 =	vpop (erf);
	v53 =	vmul.f32 v54, v53;
	v58 =	vadd.f32 $9.797691700e-01, v58;
	v60 =	vadd.f32 $9.797691700e-01, v60  }
0x21b: {  	v63 =	vmul.f32 $1.066924330e-01, v46;
	v44 =	vpop (erf);
	v48 =	vadd.f32 $9.223163360e-04, v48;
	v38 =	vadd.f32 $-3.935581740e-01, v62  }
0x21c: {  	v51 =	vmul.f32 $1.066924330e-01, v44;
	v62 =	vadd.f32 $9.223163360e-04, v13;
	v13 =	vmul.f32 v56, v55  }
0x21d: {  	v52 =	vpop (erf);
	v55 =	vadd.f32 $9.223163360e-04, v43;
	v56 =	vadd.f32 $9.223163360e-04, v41;
	(erf) = vrcp.f32 v23  }
0x21e: {  	v47 =	vadd.f32 $-3.935581740e-01, v63;
	v54 =	vmul.f32 $1.066924330e-01, v52;
	v63 =	vadd.f32 $9.223163360e-04, v42  }
0x21f: {  	v42 =	vmul.f32 v58, v57;
	v43 =	vmul.f32 v60, v59;
	v58 =	vadd.f32 $9.223163360e-04, v45  }
0x220: {  	[tilespmem:s24+$0x0] =	vst v19;
	v60 =	vadd.f32 $9.223163360e-04, v53;
	(erf) = vrcp.f32 v24;
	v19 =	vadd.f32 v48, v40  }
0x221: {  	v51 =	vadd.f32 $-3.935581740e-01, v51;
	(erf) = vrcp.f32 v28;
	v28 =	vadd.f32 v62, v35  }
0x222: {  	[tilespmem:s24+$0x10] =	vst v21;
	v38 =	vmul.f32 v38, v61;
	v21 =	vadd.f32 v56, v36;
	v54 =	vadd.f32 $-3.935581740e-01, v54  }
0x223: {  	[tilespmem:s25+$0xB0] =	vst v18;
	v47 =	vmul.f32 v47, v46;
	v45 =	vadd.f32 $9.223163360e-04, v43;
	v18 =	vadd.f32 v63, v31  }
0x224: {  	(erf) = vrcp.f32 v29;
	v29 =	vadd.f32 v58, v34;
	v51 =	vmul.f32 v51, v44  }
0x225: {  	v24 =	vadd.f32 v60, v37;
	v38 =	vadd.f32 $9.797691700e-01, v38;
	v54 =	vmul.f32 v54, v52  }
0x226: {  	(erf) = vrcp.f32 v25;
	v47 =	vadd.f32 $9.797691700e-01, v47;
	v51 =	vadd.f32 $9.797691700e-01, v51  }
0x227: {  	v38 =	vmul.f32 v38, v61;
	v61 =	vadd.f32 $9.223163360e-04, v13;
	v54 =	vadd.f32 $9.797691700e-01, v54  }
0x228: {  	v41 =	vmul.f32 v47, v46;
	v57 =	vmul.f32 v51, v44;
	v44 =	vadd.f32 $9.223163360e-04, v42  }
0x229: {  	[tilespmem:s24+$0x20] =	vst v22;
	v43 =	vadd.f32 $9.223163360e-04, v38;
	v38 =	vadd.f32 v55, v33;
	v59 =	vmul.f32 v54, v52  }
0x22a: {  	[tilespmem:s24+$0x30] =	vst v50;
	(erf) = vrcp.f32 v20;
	v22 =	vadd.f32 v61, v39;
	v42 =	vadd.f32 $9.223163360e-04, v41  }
0x22b: {  	s28 =	simm.s32 $0x84;
	s29 =	simm.s32 $0x4500;
	v27 =	vmax.f32 v27, $0.0e+00;
	[tilespmem:s26+$0xB0] =	vst v49;
	v41 =	vadd.f32 $9.223163360e-04, v57;
	v13 =	vadd.f32 $9.223163360e-04, v59  }
.LBB2_4:
0x22c: {  	v35 =	vld [tilespmem:s29+$0xB0];
	v11 =	vadd.f32 v44, v14;
	v14 =	vadd.f32 v45, v16;
	v25 =	vmul.f32 v10, v0;
	v0 =	vmovc v4  }
0x22d: {  	s28 =	sadd.s32 $0x2, s28;
	v4 =	vadd.f32 v43, v15;
	v15 =	vadd.f32 v42, v17;
	v1 =	vmul.f32 v9, v1;
	v37 =	vld [tilespmem:s29+$0xF0];
	v16 =	vpop (erf);
	[tilespmem:s24+$0x80] =	vst v12  }
0x22e: {  	v17 =	vadd.f32 v41, v26;
	v23 =	vadd.f32 v13, v27;
	p0 =	slt.u32 s28, $0xFE;
	v9 =	vld [tilespmem:s29+$0x40];
	v8 =	vmul.f32 v16, v8;
	v12 =	vpop (erf);
	[tilespmem:s24+$0x90] =	vst v25  }
0x22f: {  	v20 =	vadd.f32 v18, v28;
	v13 =	vadd.f32 v21, v38;
	v16 =	vld [tilespmem:s29+$0x10];
	v7 =	vmul.f32 v12, v7;
	v10 =	vpop (erf);
	[tilespmem:s24+$0xA0] =	vst v1;
	s24 =	smov.u32 s25;
	s25 =	smov.u32 s26;
	s26 =	smov.u32 s29  }
0x230: {  	v21 =	vadd.f32 v19, v29;
	v18 =	vadd.f32 v22, v24;
	v26 =	vld [tilespmem:s29+$0x50];
	[tilespmem:s24+$0x0] =	vst v8;
	v1 =	vmul.f32 v10, v6;
	v36 =	vpop (erf)  }
0x231: {  	v22 =	vadd.f32 v14, v11;
	v19 =	vadd.f32 v15, v4;
	v27 =	vld [tilespmem:s29+$0x20];
	v6 =	vand.u32 $0x7FFFFFFF, v35;
	[tilespmem:s24+$0x10] =	vst v7;
	v12 =	vpop (erf)  }
0x232: {  	v23 =	vadd.f32 v23, v17;
	v14 =	vld [tilespmem:s29+$0x60];
	v6 =	vsub.f32 $0.0e+00, v6;
	v7 =	vand.u32 $0x7FFFFFFF, v37;
	[tilespmem:s24+$0x20] =	vst v1;
	v10 =	vpop (erf)  }
0x233: {  	v31 =	vand.u32 $0x7FFFFFFF, v9;
	v25 =	vmax.f32 v9, $0.0e+00;
	v15 =	vld [tilespmem:s29+$0x30];
	v40 =	vsub.f32 $0.0e+00, v7;
	v9 =	vpop (erf)  }
0x234: {  	v30 =	vsub.f32 $0.0e+00, v31;
	v33 =	vand.u32 $0x7FFFFFFF, v16;
	v34 =	vld [tilespmem:s29+$0x70];
	v41 =	vmul.f32 $1.442695020e+00, v6;
	v1 =	vmovc v3;
	v3 =	vmovc v17  }
0x235: {  	v8 =	vmovc v28;
	v17 =	vsub.f32 $0.0e+00, v33;
	v31 =	vand.u32 $0x7FFFFFFF, v26;
	v39 =	vld [tilespmem:s29+$0x80];
	v32 =	vmul.f32 $1.442695020e+00, v40;
	v7 =	vmovc v38  }
0x236: {  	v28 =	vsub.f32 $0.0e+00, v31;
	v31 =	vand.u32 $0x7FFFFFFF, v27;
	v38 =	vld [tilespmem:s29+$0xC0];
	(erf) = vpow2.f32 v41;
	v6 =	vmovc v29  }
0x237: {  	v29 =	vsub.f32 $0.0e+00, v31;
	v31 =	vand.u32 $0x7FFFFFFF, v14;
	v40 =	vld [tilespmem:s29+$0x90];
	(erf) = vpow2.f32 v32  }
0x238: {  	v33 =	vmul.f32 $1.442695020e+00, v30;
	v30 =	vsub.f32 $0.0e+00, v31;
	v31 =	vand.u32 $0x7FFFFFFF, v15;
	v41 =	vld [tilespmem:s29+$0xD0]  }
0x239: {  	v17 =	vmul.f32 $1.442695020e+00, v17;
	v31 =	vsub.f32 $0.0e+00, v31;
	v32 =	vand.u32 $0x7FFFFFFF, v34;
	v42 =	vld [tilespmem:s29+$0xA0]  }
0x23a: {  	v43 =	vmul.f32 $1.442695020e+00, v28;
	v28 =	vsub.f32 $0.0e+00, v32;
	v32 =	vand.u32 $0x7FFFFFFF, v39;
	v44 =	vld [tilespmem:s29+$0xE0]  }
0x23b: {  	v46 =	vmul.f32 $1.442695020e+00, v29;
	v45 =	vld [tilespmem:s29+$0x0];
	v29 =	vsub.f32 $0.0e+00, v32;
	v32 =	vand.u32 $0x7FFFFFFF, v38  }
0x23c: {  	v47 =	vmul.f32 $1.442695020e+00, v30;
	v30 =	vsub.f32 $0.0e+00, v32;
	v32 =	vand.u32 $0x7FFFFFFF, v40  }
0x23d: {  	v48 =	vmul.f32 $1.442695020e+00, v31;
	v31 =	vsub.f32 $0.0e+00, v32;
	v32 =	vand.u32 $0x7FFFFFFF, v41  }
0x23e: {  	v49 =	vmul.f32 $1.442695020e+00, v28;
	v32 =	vsub.f32 $0.0e+00, v32;
	v28 =	vand.u32 $0x7FFFFFFF, v42  }
0x23f: {  	v50 =	vmul.f32 $1.442695020e+00, v29;
	v51 =	vsub.f32 $0.0e+00, v28;
	v28 =	vand.u32 $0x7FFFFFFF, v44;
	v52 =	vpop (erf)  }
0x240: {  	v53 =	vmul.f32 $1.442695020e+00, v30;
	v29 =	vand.u32 $0x7FFFFFFF, v45;
	v30 =	vsub.f32 $0.0e+00, v28;
	v54 =	vpop (erf)  }
0x241: {  	v55 =	vmul.f32 $1.066924330e-01, v52;
	v29 =	vsub.f32 $0.0e+00, v29;
	v56 =	vmul.f32 $1.066924330e-01, v54  }
0x242: {  	v28 =	vmax.f32 v45, $0.0e+00;
	v45 =	vmul.f32 $1.442695020e+00, v31;
	v57 =	vmul.f32 $1.442695020e+00, v32  }
0x243: {  	v31 =	vadd.f32 $-3.935581740e-01, v55;
	v58 =	vmul.f32 $1.442695020e+00, v29;
	v32 =	vadd.f32 $-3.935581740e-01, v56  }
0x244: {  	v51 =	vmul.f32 $1.442695020e+00, v51;
	v55 =	vmul.f32 $1.442695020e+00, v30;
	v29 =	vmax.f32 v16, $0.0e+00  }
0x245: {  	v30 =	vmax.f32 v26, $0.0e+00;
	v16 =	vmul.f32 v31, v52;
	v26 =	vmul.f32 v32, v54  }
0x246: {  	v31 =	vmax.f32 v27, $0.0e+00;
	v32 =	vmax.f32 v14, $0.0e+00;
	(erf) = vpow2.f32 v58  }
0x247: {  	v16 =	vadd.f32 $9.797691700e-01, v16;
	v26 =	vadd.f32 $9.797691700e-01, v26;
	(erf) = vpow2.f32 v33  }
0x248: {  	v34 =	vmax.f32 v34, $0.0e+00;
	v33 =	vmax.f32 v15, $0.0e+00;
	(erf) = vpow2.f32 v17  }
0x249: {  	v14 =	vmax.f32 v39, $0.0e+00;
	v17 =	vmul.f32 v16, v52;
	v26 =	vmul.f32 v26, v54  }
0x24a: {  	v15 =	vmax.f32 v40, $0.0e+00;
	v16 =	vmax.f32 v38, $0.0e+00;
	(erf) = vpow2.f32 v43  }
0x24b: {  	v17 =	vadd.f32 $9.223163360e-04, v17;
	v26 =	vadd.f32 $9.223163360e-04, v26;
	(erf) = vpow2.f32 v46  }
0x24c: {  	v27 =	vmax.f32 v35, $0.0e+00;
	v35 =	vmax.f32 v37, $0.0e+00;
	(erf) = vpow2.f32 v47  }
0x24d: {  	v37 =	vadd.f32 v17, v27;
	v35 =	vadd.f32 v26, v35;
	(erf) = vpow2.f32 v48  }
0x24e: {  	v17 =	vmax.f32 v41, $0.0e+00;
	v26 =	vmax.f32 v42, $0.0e+00;
	(erf) = vpow2.f32 v49  }
0x24f: {  	v27 =	vmax.f32 v44, $0.0e+00;
	v35 =	vadd.f32 v35, v37;
	v38 =	vpop (erf);
	(erf) = vpow2.f32 v50  }
0x250: {  	v39 =	vmul.f32 $1.066924330e-01, v38;
	v40 =	vpop (erf);
	(erf) = vpow2.f32 v53  }
0x251: {  	v41 =	vmul.f32 $1.066924330e-01, v40;
	v42 =	vpop (erf);
	(erf) = vrcp.f32 v35  }
0x252: {  	v35 =	vadd.f32 $-3.935581740e-01, v39;
	v39 =	vmul.f32 $1.066924330e-01, v42;
	(erf) = vpow2.f32 v45  }
0x253: {  	v48 =	vmul.f32 v36, v5;
	v41 =	vadd.f32 $-3.935581740e-01, v41;
	v43 =	vpop (erf);
	(erf) = vpow2.f32 v57  }
0x254: {  	v36 =	vadd.f32 $-3.935581740e-01, v39;
	v39 =	vmul.f32 $1.066924330e-01, v43;
	v44 =	vpop (erf);
	(erf) = vpow2.f32 v51  }
0x255: {  	v5 =	vmov v24;
	v45 =	vmul.f32 $1.066924330e-01, v44;
	v46 =	vpop (erf);
	(erf) = vpow2.f32 v55;
	[tilespmem:s24+$0x30] =	vst v48  }
0x256: {  	v24 =	vmul.f32 v35, v38;
	v35 =	vadd.f32 $-3.935581740e-01, v39;
	v39 =	vmul.f32 $1.066924330e-01, v46;
	v47 =	vpop (erf)  }
0x257: {  	v41 =	vmul.f32 v41, v40;
	v45 =	vadd.f32 $-3.935581740e-01, v45;
	v48 =	vmul.f32 $1.066924330e-01, v47;
	v49 =	vpop (erf)  }
0x258: {  	v36 =	vmul.f32 v36, v42;
	v39 =	vadd.f32 $-3.935581740e-01, v39;
	v50 =	vmul.f32 $1.066924330e-01, v49;
	v51 =	vpop (erf)  }
0x259: {  	v35 =	vmul.f32 v35, v43;
	v48 =	vadd.f32 $-3.935581740e-01, v48;
	v52 =	vmul.f32 $1.066924330e-01, v51;
	v53 =	vpop (erf)  }
0x25a: {  	v45 =	vmul.f32 v45, v44;
	v50 =	vadd.f32 $-3.935581740e-01, v50;
	v54 =	vmul.f32 $1.066924330e-01, v53;
	v55 =	vpop (erf)  }
0x25b: {  	v39 =	vmul.f32 v39, v46;
	v52 =	vadd.f32 $-3.935581740e-01, v52;
	v59 =	vmul.f32 v55, v37;
	v55 =	vpop (erf)  }
0x25c: {  	v48 =	vmul.f32 v48, v47;
	v54 =	vadd.f32 $-3.935581740e-01, v54;
	v56 =	vmul.f32 $1.066924330e-01, v55;
	v57 =	vpop (erf)  }
0x25d: {  	v24 =	vadd.f32 $9.797691700e-01, v24;
	v50 =	vmul.f32 v50, v49;
	v58 =	vmul.f32 $1.066924330e-01, v57;
	[tilespmem:s29+$0xB0] =	vst v59;
	v37 =	vpop (erf)  }
0x25e: {  	v52 =	vmul.f32 v52, v51;
	v56 =	vadd.f32 $-3.935581740e-01, v56;
	v59 =	vmul.f32 $1.066924330e-01, v37;
	v60 =	vpop (erf)  }
0x25f: {  	v54 =	vmul.f32 v54, v53;
	v58 =	vadd.f32 $-3.935581740e-01, v58;
	v61 =	vmul.f32 $1.066924330e-01, v60  }
0x260: {  	v41 =	vadd.f32 $9.797691700e-01, v41;
	v56 =	vmul.f32 v56, v55;
	v59 =	vadd.f32 $-3.935581740e-01, v59  }
0x261: {  	v36 =	vadd.f32 $9.797691700e-01, v36;
	v58 =	vmul.f32 v58, v57;
	v61 =	vadd.f32 $-3.935581740e-01, v61  }
0x262: {  	v35 =	vadd.f32 $9.797691700e-01, v35;
	v45 =	vadd.f32 $9.797691700e-01, v45;
	v59 =	vmul.f32 v59, v37  }
0x263: {  	v39 =	vadd.f32 $9.797691700e-01, v39;
	v48 =	vadd.f32 $9.797691700e-01, v48;
	v61 =	vmul.f32 v61, v60  }
0x264: {  	v24 =	vmul.f32 v24, v38;
	v38 =	vadd.f32 $9.797691700e-01, v50;
	v50 =	vadd.f32 $9.797691700e-01, v52  }
0x265: {  	v40 =	vmul.f32 v41, v40;
	v41 =	vadd.f32 $9.797691700e-01, v54;
	v52 =	vadd.f32 $9.797691700e-01, v56  }
0x266: {  	v36 =	vmul.f32 v36, v42;
	v42 =	vadd.f32 $9.797691700e-01, v58;
	v54 =	vadd.f32 $9.797691700e-01, v59  }
0x267: {  	v35 =	vmul.f32 v35, v43;
	v43 =	vmul.f32 v45, v44;
	v44 =	vadd.f32 $9.797691700e-01, v61  }
0x268: {  	v24 =	vadd.f32 $9.223163360e-04, v24;
	v39 =	vmul.f32 v39, v46;
	v45 =	vmul.f32 v48, v47  }
0x269: {  	v40 =	vadd.f32 $9.223163360e-04, v40;
	v38 =	vmul.f32 v38, v49;
	v46 =	vmul.f32 v50, v51  }
0x26a: {  	v36 =	vadd.f32 $9.223163360e-04, v36;
	v41 =	vmul.f32 v41, v53;
	v47 =	vmul.f32 v52, v55  }
0x26b: {  	v35 =	vadd.f32 $9.223163360e-04, v35;
	v42 =	vmul.f32 v42, v57;
	v37 =	vmul.f32 v54, v37  }
0x26c: {  	v48 =	vadd.f32 $9.223163360e-04, v43;
	v39 =	vadd.f32 $9.223163360e-04, v39;
	v49 =	vmul.f32 v44, v60  }
0x26d: {  	v50 =	vadd.f32 $9.223163360e-04, v45;
	v51 =	vadd.f32 $9.223163360e-04, v38;
	(erf) = vrcp.f32 v20  }
0x26e: {  	v45 =	vadd.f32 $9.223163360e-04, v41;
	v44 =	vadd.f32 $9.223163360e-04, v46;
	(erf) = vrcp.f32 v13  }
0x26f: {  	v43 =	vadd.f32 $9.223163360e-04, v47;
	v42 =	vadd.f32 $9.223163360e-04, v42;
	(erf) = vrcp.f32 v21  }
.Ltmp1:
0x270: {  	v41 =	vadd.f32 $9.223163360e-04, v37;
	v13 =	vadd.f32 $9.223163360e-04, v49;
	(erf) = vrcp.f32 v18;
	(pc) =	sbr.rel @p0 .LBB2_4-.Ltmp1, $4  }
0x271: {  	v28 =	vadd.f32 v24, v28;
	v18 =	vadd.f32 v40, v25;
	(erf) = vrcp.f32 v22  }
0x272: {  	v38 =	vadd.f32 v36, v29;
	v21 =	vadd.f32 v35, v30;
	(erf) = vrcp.f32 v19  }
0x273: {  	v29 =	vadd.f32 v48, v31;
	v19 =	vadd.f32 v39, v32;
	(erf) = vrcp.f32 v23  }
0x274: {  	v12 =	vmul.f32 v12, v2;
	v2 =	vmovc v11;
	s29 =	sadd.s32 $0x100, s29;
	v24 =	vadd.f32 v50, v33;
	v22 =	vadd.f32 v51, v34  }
0x275: {  	v11 =	vadd.f32 v44, v14  }
0x276: {  	v0 =	vmul.f32 v10, v0;
	v10 =	vadd.f32 v42, v17;
	v17 =	vadd.f32 v21, v38  }
0x277: {  	v14 =	vadd.f32 v45, v16;
	v16 =	vadd.f32 v18, v28;
	_ =	sdelay $0x1  }
0x278: {  	v1 =	vmul.f32 v9, v1;
	v9 =	vadd.f32 v19, v29;
	(erf) = vrcp.f32 v16  }
0x279: {  	v15 =	vadd.f32 v43, v15;
	(erf) = vrcp.f32 v17;
	v17 =	vpop (erf)  }
0x27a: {  	[tilespmem:s24+$0x80] =	vst v12;
	v12 =	vadd.f32 v13, v27;
	v16 =	vadd.f32 v41, v26;
	v8 =	vmul.f32 v17, v8  }
0x27b: {  	v18 =	vadd.f32 v22, v24;
	[tilespmem:s24+$0x90] =	vst v0;
	v0 =	vadd.f32 v10, v15;
	(erf) = vrcp.f32 v9  }
0x27c: {  	v13 =	vadd.f32 v14, v11;
	[tilespmem:s24+$0xA0] =	vst v1;
	v1 =	vadd.f32 v12, v16;
	v9 =	vpop (erf)  }
0x27d: {  	(erf) = vrcp.f32 v18;
	v7 =	vmul.f32 v9, v7;
	v9 =	vpop (erf)  }
0x27e: {  	(erf) = vrcp.f32 v13;
	[tilespmem:s25+$0x0] =	vst v8;
	v8 =	vpop (erf)  }
0x27f: {  	(erf) = vrcp.f32 v0;
	v0 =	vpop (erf)  }
0x280: {  	v6 =	vmul.f32 v9, v6;
	(erf) = vrcp.f32 v1;
	v1 =	vpop (erf)  }
0x281: {  	[tilespmem:s25+$0x10] =	vst v7;
	v0 =	vmul.f32 v0, v2;
	v2 =	vpop (erf)  }
0x282: {  	[tilespmem:s25+$0x20] =	vst v6;
	v1 =	vmul.f32 v1, v4;
	v4 =	vpop (erf)  }
0x283: {  	[tilespmem:s25+$0x80] =	vst v0;
	v0 =	vmul.f32 v2, v3;
	v2 =	vmul.f32 v4, v28;
	v3 =	vpop (erf)  }
0x284: {  	v5 =	vmul.f32 v8, v5;
	[tilespmem:s25+$0x90] =	vst v1;
	v1 =	vmul.f32 v3, v38;
	v3 =	vpop (erf)  }
0x285: {  	[tilespmem:s25+$0xA0] =	vst v0;
	v0 =	vmul.f32 v3, v29  }
0x286: {  	[tilespmem:s25+$0x30] =	vst v5  }
0x287: {  	[tilespmem:s26+$0x0] =	vst v2;
	v2 =	vpop (erf)  }
0x288: {  	[tilespmem:s26+$0x10] =	vst v1;
	v1 =	vpop (erf);
	v2 =	vmul.f32 v2, v24  }
0x289: {  	[tilespmem:s26+$0x20] =	vst v0;
	v0 =	vpop (erf);
	v1 =	vmul.f32 v1, v11  }
0x28a: {  	v3 =	vpop (erf);
	[tilespmem:s26+$0x30] =	vst v2;
	v0 =	vmul.f32 v0, v15  }
0x28b: {  	[tilespmem:s26+$0x80] =	vst v1;
	v1 =	vmul.f32 v3, v16  }
0x28c: {  	[tilespmem:s26+$0x90] =	vst v0  }
0x28d: {  	[tilespmem:s26+$0xA0] =	vst v1  }
0x28e: {  	[hbm4b:s6+s2] =	stream.linear.scatter [tilespmem:s13], [sflag:$0x5], $0x4000, $0x38;
	[tilespmem:$0x10200] =	vst v63  }
0x28f: {  	_ =	swait.ge [sflag:s20], $0x4000  }
0x290: {  	[sflag:s20] =	ssyncset.done $0x0  }
0x291: {  	s24 =	simm.s32 $0x8200;
	[sflag:s20] =	ssyncadd.s32 $0xFFFFC000  }
0x292: {  	v10 =	vld [tilespmem:s24+$0xB0]  }
0x293: {  	v11 =	vld [tilespmem:s24+$0xF0];
	_ =	sdelay $0x1  }
0x294: {  	v3 =	vld [tilespmem:s24+$0x40]  }
0x295: {  	v13 =	vld [tilespmem:s24+$0x10]  }
0x296: {  	v14 =	vld [tilespmem:s24+$0x50];
	v0 =	vand.u32 $0x7FFFFFFF, v10  }
0x297: {  	v15 =	vld [tilespmem:s24+$0x20];
	v1 =	vand.u32 $0x7FFFFFFF, v11;
	v0 =	vsub.f32 $0.0e+00, v0  }
0x298: {  	v16 =	vld [tilespmem:s24+$0x60];
	v1 =	vsub.f32 $0.0e+00, v1  }
0x299: {  	v18 =	vld [tilespmem:s24+$0x0];
	v0 =	vmul.f32 $1.442695020e+00, v0  }
0x29a: {  	v2 =	vmul.f32 $1.442695020e+00, v1  }
0x29b: {  	v4 =	vand.u32 $0x7FFFFFFF, v3;
	(erf) = vpow2.f32 v0  }
0x29c: {  	v5 =	vand.u32 $0x7FFFFFFF, v14;
	v8 =	vand.u32 $0x7FFFFFFF, v15;
	(erf) = vpow2.f32 v2;
	v2 =	vld [tilespmem:s24+$0x70]  }
0x29d: {  	v12 =	vand.u32 $0x7FFFFFFF, v16;
	v6 =	vsub.f32 $0.0e+00, v4;
	v4 =	vand.u32 $0x7FFFFFFF, v13  }
0x29e: {  	v27 =	vand.u32 $0x7FFFFFFF, v18;
	v10 =	vmax.f32 v10, $0.0e+00;
	v7 =	vsub.f32 $0.0e+00, v4;
	v4 =	vld [tilespmem:s24+$0xC0]  }
0x29f: {  	v11 =	vmax.f32 v11, $0.0e+00;
	v15 =	vmax.f32 v15, $0.0e+00;
	v9 =	vsub.f32 $0.0e+00, v5;
	v1 =	vld [tilespmem:s24+$0x30]  }
0x2a0: {  	v16 =	vmax.f32 v16, $0.0e+00;
	v8 =	vsub.f32 $0.0e+00, v8;
	v12 =	vsub.f32 $0.0e+00, v12  }
0x2a1: {  	v5 =	vld [tilespmem:s24+$0x90];
	v27 =	vsub.f32 $0.0e+00, v27;
	v19 =	vmul.f32 $1.442695020e+00, v7;
	v7 =	vand.u32 $0x7FFFFFFF, v2  }
0x2a2: {  	v17 =	vmul.f32 $1.442695020e+00, v6;
	v21 =	vmul.f32 $1.442695020e+00, v9;
	v9 =	vsub.f32 $0.0e+00, v7  }
0x2a3: {  	v22 =	vmul.f32 $1.442695020e+00, v8;
	v12 =	vmul.f32 $1.442695020e+00, v12;
	v0 =	vmax.f32 v3, $0.0e+00  }
0x2a4: {  	v3 =	vld [tilespmem:s24+$0x80];
	v8 =	vand.u32 $0x7FFFFFFF, v4;
	v6 =	vand.u32 $0x7FFFFFFF, v1;
	v24 =	vpop (erf);
	v32 =	vmul.f32 $1.442695020e+00, v9  }
0x2a5: {  	v25 =	vsub.f32 $0.0e+00, v8;
	v9 =	vmul.f32 $1.442695020e+00, v27;
	v26 =	vpop (erf);
	v28 =	vmul.f32 $1.066924330e-01, v24  }
0x2a6: {  	v8 =	vand.u32 $0x7FFFFFFF, v5;
	v20 =	vsub.f32 $0.0e+00, v6;
	v29 =	vmul.f32 $1.066924330e-01, v26  }
0x2a7: {  	v30 =	vsub.f32 $0.0e+00, v8;
	(erf) = vpow2.f32 v9;
	v28 =	vadd.f32 $-3.935581740e-01, v28  }
0x2a8: {  	v25 =	vmul.f32 $1.442695020e+00, v25;
	(erf) = vpow2.f32 v17;
	v29 =	vadd.f32 $-3.935581740e-01, v29  }
0x2a9: {  	v8 =	vld [tilespmem:s24+$0xE0];
	v7 =	vand.u32 $0x7FFFFFFF, v3;
	(erf) = vpow2.f32 v19;
	v28 =	vmul.f32 v28, v24  }
0x2aa: {  	v23 =	vsub.f32 $0.0e+00, v7;
	v7 =	vld [tilespmem:s24+$0xA0];
	(erf) = vpow2.f32 v21;
	v29 =	vmul.f32 v29, v26  }
0x2ab: {  	v20 =	vmul.f32 $1.442695020e+00, v20;
	(erf) = vpow2.f32 v22;
	v9 =	vadd.f32 $9.797691700e-01, v28  }
0x2ac: {  	v23 =	vmul.f32 $1.442695020e+00, v23;
	(erf) = vpow2.f32 v12;
	v28 =	vadd.f32 $9.797691700e-01, v29  }
0x2ad: {  	v13 =	vmax.f32 v13, $0.0e+00;
	v6 =	vld [tilespmem:s24+$0xD0];
	(erf) = vpow2.f32 v20;
	v19 =	vmul.f32 v9, v24  }
0x2ae: {  	v1 =	vmax.f32 v1, $0.0e+00;
	(erf) = vpow2.f32 v32;
	v24 =	vmul.f32 v28, v26  }
0x2af: {  	v17 =	vand.u32 $0x7FFFFFFF, v8;
	v27 =	vand.u32 $0x7FFFFFFF, v7;
	v20 =	vmax.f32 v14, $0.0e+00  }
0x2b0: {  	(erf) = vpow2.f32 v23;
	v19 =	vadd.f32 $9.223163360e-04, v19;
	v14 =	vpop (erf);
	v21 =	vadd.f32 $9.223163360e-04, v24  }
0x2b1: {  	v17 =	vsub.f32 $0.0e+00, v17;
	v27 =	vsub.f32 $0.0e+00, v27;
	(erf) = vpow2.f32 v25;
	v22 =	vpop (erf)  }
0x2b2: {  	v31 =	vand.u32 $0x7FFFFFFF, v6;
	v12 =	vadd.f32 v19, v10;
	v23 =	vpop (erf);
	v10 =	vadd.f32 v21, v11  }
0x2b3: {  	v31 =	vsub.f32 $0.0e+00, v31;
	v17 =	vmul.f32 $1.442695020e+00, v17;
	v9 =	vmax.f32 v18, $0.0e+00;
	v24 =	vpop (erf)  }
0x2b4: {  	v18 =	vmul.f32 $1.442695020e+00, v30;
	v19 =	vmul.f32 $1.442695020e+00, v27;
	v25 =	vpop (erf);
	v10 =	vadd.f32 v10, v12  }
0x2b5: {  	v5 =	vmax.f32 v5, $0.0e+00;
	v11 =	vmul.f32 $1.442695020e+00, v31;
	v21 =	vmul.f32 $1.066924330e-01, v14;
	v26 =	vpop (erf)  }
0x2b6: {  	v2 =	vmax.f32 v2, $0.0e+00;
	v27 =	vpop (erf);
	(erf) = vrcp.f32 v10;
	v10 =	vmul.f32 $1.066924330e-01, v22  }
0x2b7: {  	v3 =	vmax.f32 v3, $0.0e+00;
	v28 =	vmul.f32 $1.066924330e-01, v27;
	v29 =	vpop (erf);
	(erf) = vpow2.f32 v18  }
0x2b8: {  	v18 =	vadd.f32 $-3.935581740e-01, v21;
	v21 =	vmul.f32 $1.066924330e-01, v23;
	v30 =	vmul.f32 $1.066924330e-01, v29  }
0x2b9: {  	v31 =	vpop (erf);
	(erf) = vpow2.f32 v11;
	v10 =	vadd.f32 $-3.935581740e-01, v10;
	v11 =	vmul.f32 $1.066924330e-01, v24  }
0x2ba: {  	v28 =	vadd.f32 $-3.935581740e-01, v28;
	v44 =	vmul.f32 $1.066924330e-01, v31;
	v33 =	vpop (erf);
	(erf) = vpow2.f32 v19  }
0x2bb: {  	v19 =	vadd.f32 $-3.935581740e-01, v21;
	v21 =	vmul.f32 $1.066924330e-01, v25;
	v34 =	vmul.f32 $1.066924330e-01, v33  }
0x2bc: {  	v30 =	vadd.f32 $-3.935581740e-01, v30;
	(erf) = vpow2.f32 v17;
	v17 =	vmul.f32 v18, v14  }
0x2bd: {  	v11 =	vadd.f32 $-3.935581740e-01, v11;
	v18 =	vmul.f32 $1.066924330e-01, v26;
	v10 =	vmul.f32 v10, v22  }
0x2be: {  	v32 =	vadd.f32 $-3.935581740e-01, v44;
	v28 =	vmul.f32 v28, v27;
	v21 =	vadd.f32 $-3.935581740e-01, v21  }
0x2bf: {  	v19 =	vmul.f32 v19, v23;
	v34 =	vadd.f32 $-3.935581740e-01, v34;
	v30 =	vmul.f32 v30, v29  }
0x2c0: {  	v18 =	vadd.f32 $-3.935581740e-01, v18;
	v11 =	vmul.f32 v11, v24;
	v17 =	vadd.f32 $9.797691700e-01, v17  }
0x2c1: {  	v32 =	vmul.f32 v32, v31;
	v10 =	vadd.f32 $9.797691700e-01, v10;
	v28 =	vadd.f32 $9.797691700e-01, v28  }
0x2c2: {  	v21 =	vmul.f32 v21, v25;
	v34 =	vmul.f32 v34, v33;
	v19 =	vadd.f32 $9.797691700e-01, v19  }
0x2c3: {  	v18 =	vmul.f32 v18, v26;
	v11 =	vadd.f32 $9.797691700e-01, v11;
	v14 =	vmul.f32 v17, v14  }
0x2c4: {  	v17 =	vadd.f32 $9.797691700e-01, v30;
	v30 =	vadd.f32 $9.797691700e-01, v32;
	v10 =	vmul.f32 v10, v22  }
0x2c5: {  	v35 =	vpop (erf);
	v21 =	vadd.f32 $9.797691700e-01, v21;
	v22 =	vadd.f32 $9.797691700e-01, v34;
	v19 =	vmul.f32 v19, v23  }
0x2c6: {  	v36 =	vpop (erf);
	v18 =	vadd.f32 $9.797691700e-01, v18;
	v11 =	vmul.f32 v11, v24;
	v14 =	vadd.f32 $9.223163360e-04, v14  }
0x2c7: {  	v10 =	vadd.f32 $9.223163360e-04, v10;
	v17 =	vmul.f32 v17, v29;
	v37 =	vmul.f32 $1.066924330e-01, v36  }
0x2c8: {  	v21 =	vmul.f32 v21, v25;
	v25 =	vmul.f32 v28, v27;
	v19 =	vadd.f32 $9.223163360e-04, v19  }
0x2c9: {  	v45 =	vpop (erf);
	v22 =	vmul.f32 v22, v33;
	v11 =	vadd.f32 $9.223163360e-04, v11;
	v17 =	vadd.f32 $9.223163360e-04, v17  }
0x2ca: {  	v39 =	vmul.f32 $1.066924330e-01, v45;
	v14 =	vadd.f32 v14, v9;
	v29 =	vadd.f32 v10, v0  }
0x2cb: {  	v18 =	vmul.f32 v18, v26;
	v37 =	vadd.f32 $-3.935581740e-01, v37;
	v21 =	vadd.f32 $9.223163360e-04, v21  }
0x2cc: {  	v26 =	vmul.f32 v30, v31;
	v25 =	vadd.f32 $9.223163360e-04, v25;
	v22 =	vadd.f32 $9.223163360e-04, v22  }
0x2cd: {  	v40 =	vpop (erf);
	v0 =	vmax.f32 v4, $0.0e+00;
	v10 =	vadd.f32 v19, v13;
	v39 =	vadd.f32 $-3.935581740e-01, v39  }
0x2ce: {  	v46 =	vmul.f32 $1.066924330e-01, v40;
	v47 =	vpop (erf);
	v18 =	vadd.f32 $9.223163360e-04, v18;
	v26 =	vadd.f32 $9.223163360e-04, v26  }
0x2cf: {  	v48 =	vmul.f32 $1.066924330e-01, v47;
	v4 =	vadd.f32 v11, v20;
	v2 =	vadd.f32 v17, v2  }
0x2d0: {  	s25 =	simm.s32 $0x8300;
	v37 =	vmul.f32 v37, v36;
	v41 =	vadd.f32 $-3.935581740e-01, v46;
	v9 =	vadd.f32 v21, v15  }
0x2d1: {  	v31 =	vld [tilespmem:s25+$0x90];
	v13 =	vadd.f32 v25, v1;
	v1 =	vmax.f32 v7, $0.0e+00;
	v7 =	vmax.f32 v8, $0.0e+00  }
0x2d2: {  	v39 =	vmul.f32 v39, v45;
	v43 =	vadd.f32 $-3.935581740e-01, v48;
	v11 =	vadd.f32 v26, v3;
	v26 =	vld [tilespmem:s25+$0x80]  }
0x2d3: {  	v8 =	vadd.f32 v29, v14;
	v41 =	vmul.f32 v41, v40;
	v49 =	vadd.f32 $9.797691700e-01, v37  }
0x2d4: {  	v15 =	vadd.f32 v18, v16;
	v43 =	vmul.f32 v43, v47;
	v23 =	vadd.f32 $9.797691700e-01, v39  }
0x2d5: {  	v30 =	vld [tilespmem:s25+$0xB0];
	v3 =	vadd.f32 v22, v0;
	v50 =	vadd.f32 $9.797691700e-01, v41;
	v27 =	vmul.f32 v49, v36  }
0x2d6: {  	v56 =	vand.u32 $0x7FFFFFFF, v31;
	v24 =	vadd.f32 $9.797691700e-01, v43;
	v23 =	vmul.f32 v23, v45  }
0x2d7: {  	v18 =	vld [tilespmem:s25+$0xF0];
	v28 =	vmul.f32 v50, v40;
	v27 =	vadd.f32 $9.223163360e-04, v27;
	v53 =	vand.u32 $0x7FFFFFFF, v26  }
0x2d8: {  	v40 =	vsub.f32 $0.0e+00, v56;
	v24 =	vmul.f32 v24, v47;
	v23 =	vadd.f32 $9.223163360e-04, v23  }
0x2d9: {  	v6 =	vmax.f32 v6, $0.0e+00;
	v37 =	vsub.f32 $0.0e+00, v53;
	v28 =	vadd.f32 $9.223163360e-04, v28  }
0x2da: {  	v0 =	vadd.f32 v27, v5;
	v5 =	vand.u32 $0x7FFFFFFF, v30;
	v24 =	vadd.f32 $9.223163360e-04, v24  }
0x2db: {  	v17 =	vld [tilespmem:s25+$0x40];
	v16 =	vadd.f32 v23, v6;
	v22 =	vsub.f32 $0.0e+00, v5  }
0x2dc: {  	v21 =	vld [tilespmem:s25+$0x50];
	v5 =	vand.u32 $0x7FFFFFFF, v18;
	v6 =	vadd.f32 v4, v10;
	v4 =	vadd.f32 v3, v11  }
0x2dd: {  	v12 =	vmul.f32 v35, v12;
	v25 =	vld [tilespmem:s25+$0x60];
	v19 =	vadd.f32 v24, v7;
	v24 =	vsub.f32 $0.0e+00, v5  }
0x2de: {  	v36 =	vld [tilespmem:s25+$0xA0];
	v1 =	vadd.f32 v28, v1;
	v7 =	vadd.f32 v15, v9;
	v15 =	vmul.f32 $1.442695020e+00, v22  }
0x2df: {  	v20 =	vld [tilespmem:s25+$0x10];
	v5 =	vadd.f32 v2, v13;
	v2 =	vadd.f32 v16, v0;
	v16 =	vmul.f32 $1.442695020e+00, v24  }
0x2e0: {  	v27 =	vld [tilespmem:s25+$0xC0];
	v3 =	vadd.f32 v19, v1;
	v19 =	vand.u32 $0x7FFFFFFF, v17;
	(erf) = vpow2.f32 v15  }
0x2e1: {  	v23 =	vld [tilespmem:s25+$0x20];
	(erf) = vpow2.f32 v16;
	v16 =	vsub.f32 $0.0e+00, v19;
	v19 =	vand.u32 $0x7FFFFFFF, v21  }
0x2e2: {  	v29 =	vand.u32 $0x7FFFFFFF, v25;
	v25 =	vmax.f32 v25, $0.0e+00;
	v19 =	vsub.f32 $0.0e+00, v19  }
0x2e3: {  	v40 =	vmul.f32 $1.442695020e+00, v40;
	v47 =	vand.u32 $0x7FFFFFFF, v36;
	v37 =	vmul.f32 $1.442695020e+00, v37;
	v22 =	vld [tilespmem:s25+$0x30]  }
0x2e4: {  	v18 =	vmax.f32 v18, $0.0e+00;
	v34 =	vmax.f32 v36, $0.0e+00;
	v35 =	vmul.f32 $1.442695020e+00, v19;
	v19 =	vld [tilespmem:s25+$0x0]  }
0x2e5: {  	v24 =	vld [tilespmem:s25+$0x70];
	v15 =	vmax.f32 v17, $0.0e+00;
	v17 =	vand.u32 $0x7FFFFFFF, v20;
	v54 =	vand.u32 $0x7FFFFFFF, v27  }
0x2e6: {  	v17 =	vsub.f32 $0.0e+00, v17;
	v28 =	vand.u32 $0x7FFFFFFF, v23;
	v38 =	vsub.f32 $0.0e+00, v54  }
0x2e7: {  	v47 =	vsub.f32 $0.0e+00, v47;
	v27 =	vmax.f32 v27, $0.0e+00;
	v28 =	vsub.f32 $0.0e+00, v28  }
0x2e8: {  	v51 =	vand.u32 $0x7FFFFFFF, v22;
	v52 =	vmul.f32 $1.442695020e+00, v17;
	v38 =	vmul.f32 $1.442695020e+00, v38  }
0x2e9: {  	v32 =	vmul.f32 $1.442695020e+00, v16;
	v16 =	vsub.f32 $0.0e+00, v29;
	v29 =	vld [tilespmem:s25+$0xD0];
	v58 =	vpop (erf);
	v61 =	vand.u32 $0x7FFFFFFF, v19  }
0x2ea: {  	v17 =	vand.u32 $0x7FFFFFFF, v24;
	v62 =	vmul.f32 $1.066924330e-01, v58;
	v60 =	vpop (erf);
	v44 =	vsub.f32 $0.0e+00, v61  }
0x2eb: {  	v33 =	vsub.f32 $0.0e+00, v51;
	v17 =	vsub.f32 $0.0e+00, v17;
	v46 =	vmul.f32 $1.066924330e-01, v60  }
0x2ec: {  	v55 =	vmul.f32 $1.442695020e+00, v16;
	v16 =	vld [tilespmem:s25+$0xE0];
	v45 =	vadd.f32 $-3.935581740e-01, v62;
	v44 =	vmul.f32 $1.442695020e+00, v44  }
0x2ed: {  	v28 =	vmul.f32 $1.442695020e+00, v28;
	v59 =	vmul.f32 $1.442695020e+00, v17;
	v46 =	vadd.f32 $-3.935581740e-01, v46  }
0x2ee: {  	v57 =	vand.u32 $0x7FFFFFFF, v29;
	v45 =	vmul.f32 v45, v58;
	(erf) = vpow2.f32 v44  }
0x2ef: {  	v17 =	vsub.f32 $0.0e+00, v57;
	v46 =	vmul.f32 v46, v60;
	(erf) = vpow2.f32 v32  }
0x2f0: {  	v33 =	vmul.f32 $1.442695020e+00, v33;
	v63 =	vadd.f32 $9.797691700e-01, v45;
	(erf) = vpow2.f32 v52  }
0x2f1: {  	v48 =	vand.u32 $0x7FFFFFFF, v16;
	v49 =	vmul.f32 $1.442695020e+00, v17;
	v50 =	vadd.f32 $9.797691700e-01, v46  }
0x2f2: {  	v17 =	vmax.f32 v19, $0.0e+00;
	v52 =	vmul.f32 v63, v58;
	(erf) = vpow2.f32 v35  }
0x2f3: {  	v19 =	vmax.f32 v20, $0.0e+00;
	(erf) = vpow2.f32 v28;
	v41 =	vmul.f32 v50, v60  }
0x2f4: {  	v20 =	vmax.f32 v21, $0.0e+00;
	v21 =	vadd.f32 $9.223163360e-04, v52;
	(erf) = vpow2.f32 v55  }
0x2f5: {  	v28 =	vmax.f32 v30, $0.0e+00;
	(erf) = vpow2.f32 v33;
	v54 =	vadd.f32 $9.223163360e-04, v41  }
0x2f6: {  	v48 =	vsub.f32 $0.0e+00, v48;
	v28 =	vadd.f32 v21, v28;
	(erf) = vpow2.f32 v59  }
0x2f7: {  	v21 =	vmax.f32 v22, $0.0e+00;
	v22 =	vmax.f32 v26, $0.0e+00;
	v18 =	vadd.f32 v54, v18;
	v26 =	vpop (erf)  }
0x2f8: {  	v51 =	vmul.f32 $1.442695020e+00, v47;
	v30 =	vmax.f32 v31, $0.0e+00;
	(erf) = vpow2.f32 v37;
	v31 =	vpop (erf)  }
0x2f9: {  	v53 =	vmul.f32 $1.442695020e+00, v48;
	(erf) = vpow2.f32 v38;
	v18 =	vadd.f32 v18, v28;
	v33 =	vpop (erf)  }
0x2fa: {  	v23 =	vmax.f32 v23, $0.0e+00;
	v55 =	vmul.f32 $1.066924330e-01, v31;
	v56 =	vmul.f32 $1.066924330e-01, v33  }
0x2fb: {  	v24 =	vmax.f32 v24, $0.0e+00;
	v36 =	vpop (erf);
	(erf) = vrcp.f32 v18;
	v18 =	vmul.f32 $1.066924330e-01, v26  }
0x2fc: {  	v38 =	vpop (erf);
	v57 =	vadd.f32 $-3.935581740e-01, v55;
	v58 =	vmul.f32 $1.066924330e-01, v36;
	(erf) = vpow2.f32 v40  }
0x2fd: {  	v39 =	vpop (erf);
	v37 =	vadd.f32 $-3.935581740e-01, v56;
	v59 =	vmul.f32 $1.066924330e-01, v38;
	(erf) = vpow2.f32 v49  }
0x2fe: {  	v18 =	vadd.f32 $-3.935581740e-01, v18;
	v41 =	vpop (erf);
	v60 =	vmul.f32 $1.066924330e-01, v39;
	v32 =	vmul.f32 v57, v31  }
0x2ff: {  	v35 =	vadd.f32 $-3.935581740e-01, v58;
	(erf) = vpow2.f32 v51;
	v61 =	vmul.f32 $1.066924330e-01, v41  }
0x300: {  	v43 =	vpop (erf);
	v40 =	vadd.f32 $-3.935581740e-01, v59;
	v37 =	vmul.f32 v37, v33;
	(erf) = vpow2.f32 v53  }
0x301: {  	v18 =	vmul.f32 v18, v26;
	v42 =	vadd.f32 $-3.935581740e-01, v60;
	v62 =	vmul.f32 $1.066924330e-01, v43  }
0x302: {  	v45 =	vpop (erf);
	v35 =	vmul.f32 v35, v36;
	v32 =	vadd.f32 $9.797691700e-01, v32;
	v44 =	vadd.f32 $-3.935581740e-01, v61  }
0x303: {  	v47 =	vpop (erf);
	v63 =	vmul.f32 $1.066924330e-01, v45;
	v40 =	vmul.f32 v40, v38;
	v37 =	vadd.f32 $9.797691700e-01, v37  }
0x304: {  	(erf) = vrcp.f32 v8;
	v46 =	vadd.f32 $-3.935581740e-01, v62;
	v50 =	vmul.f32 $1.066924330e-01, v47  }
0x305: {  	v42 =	vmul.f32 v42, v39;
	v18 =	vadd.f32 $9.797691700e-01, v18;
	v35 =	vadd.f32 $9.797691700e-01, v35  }
0x306: {  	v31 =	vmul.f32 v32, v31;
	(erf) = vrcp.f32 v6;
	v48 =	vadd.f32 $-3.935581740e-01, v63  }
0x307: {  	v44 =	vmul.f32 v44, v41;
	v40 =	vadd.f32 $9.797691700e-01, v40;
	v33 =	vmul.f32 v37, v33  }
0x308: {  	(erf) = vrcp.f32 v7;
	v50 =	vadd.f32 $-3.935581740e-01, v50;
	v46 =	vmul.f32 v46, v43  }
0x309: {  	v42 =	vadd.f32 $9.797691700e-01, v42;
	v18 =	vmul.f32 v18, v26;
	v35 =	vmul.f32 v35, v36  }
0x30a: {  	v31 =	vadd.f32 $9.223163360e-04, v31;
	v48 =	vmul.f32 v48, v45;
	v44 =	vadd.f32 $9.797691700e-01, v44  }
0x30b: {  	v49 =	vpop (erf);
	v61 =	vmul.f32 v40, v38;
	v33 =	vadd.f32 $9.223163360e-04, v33;
	v50 =	vmul.f32 v50, v47  }
0x30c: {  	v51 =	vpop (erf);
	v26 =	vadd.f32 $9.797691700e-01, v46;
	v18 =	vadd.f32 $9.223163360e-04, v18;
	v39 =	vmul.f32 v42, v39  }
0x30d: {  	v35 =	vadd.f32 $9.223163360e-04, v35;
	v15 =	vadd.f32 v31, v15;
	v52 =	vmul.f32 $1.066924330e-01, v51  }
0x30e: {  	v53 =	vpop (erf);
	v46 =	vadd.f32 $9.797691700e-01, v48;
	v63 =	vmul.f32 v44, v41;
	v36 =	vadd.f32 $9.223163360e-04, v61  }
0x30f: {  	v7 =	vadd.f32 v33, v19;
	(erf) = vrcp.f32 v5;
	v54 =	vmul.f32 $1.066924330e-01, v53;
	v55 =	vpop (erf)  }
0x310: {  	v32 =	vadd.f32 $9.797691700e-01, v50;
	v26 =	vmul.f32 v26, v43;
	v56 =	vmul.f32 $1.066924330e-01, v55;
	v57 =	vpop (erf)  }
0x311: {  	v39 =	vadd.f32 $9.223163360e-04, v39;
	v52 =	vadd.f32 $-3.935581740e-01, v52;
	v58 =	vmul.f32 $1.066924330e-01, v57  }
0x312: {  	v46 =	vmul.f32 v46, v45;
	v54 =	vadd.f32 $-3.935581740e-01, v54;
	v56 =	vadd.f32 $-3.935581740e-01, v56  }
0x313: {  	v40 =	vadd.f32 $9.223163360e-04, v63;
	v52 =	vmul.f32 v52, v51;
	v58 =	vadd.f32 $-3.935581740e-01, v58  }
0x314: {  	v6 =	vadd.f32 v36, v23;
	v54 =	vmul.f32 v54, v53;
	v56 =	vmul.f32 v56, v55  }
0x315: {  	v26 =	vadd.f32 $9.223163360e-04, v26;
	v52 =	vadd.f32 $9.797691700e-01, v52;
	v58 =	vmul.f32 v58, v57  }
0x316: {  	v32 =	vmul.f32 v32, v47;
	v59 =	vadd.f32 $9.797691700e-01, v54;
	v60 =	vadd.f32 $9.797691700e-01, v56  }
0x317: {  	v5 =	vadd.f32 v40, v21;
	v52 =	vmul.f32 v52, v51;
	v62 =	vadd.f32 $9.797691700e-01, v58  }
0x318: {  	v32 =	vadd.f32 $9.223163360e-04, v32;
	v37 =	vmul.f32 v59, v53;
	v54 =	vmul.f32 v60, v55  }
0x319: {  	v55 =	vadd.f32 $9.223163360e-04, v46;
	v56 =	vadd.f32 $9.223163360e-04, v52;
	v8 =	vmul.f32 v62, v57  }
0x31a: {  	v29 =	vmax.f32 v29, $0.0e+00;
	v37 =	vadd.f32 $9.223163360e-04, v37;
	v57 =	vadd.f32 $9.223163360e-04, v54  }
0x31b: {  	s26 =	simm.s32 $0x8400;
	v16 =	vmax.f32 v16, $0.0e+00;
	v58 =	vadd.f32 $9.223163360e-04, v8;
	v8 =	vadd.f32 v18, v17  }
0x31c: {  	(erf) = vrcp.f32 v4;
	v17 =	vadd.f32 v35, v20;
	v20 =	vadd.f32 v39, v25;
	v39 =	vld [tilespmem:s26+$0xB0]  }
0x31d: {  	(erf) = vrcp.f32 v2;
	v40 =	vld [tilespmem:s26+$0xF0];
	v2 =	vadd.f32 v55, v22;
	v4 =	vadd.f32 v56, v30  }
0x31e: {  	v48 =	vld [tilespmem:s26+$0x0];
	(erf) = vrcp.f32 v3;
	v19 =	vpop (erf);
	v25 =	vadd.f32 v26, v24;
	v26 =	vadd.f32 v32, v27  }
0x31f: {  	v19 =	vmul.f32 v19, v14;
	v27 =	vadd.f32 v37, v29;
	v3 =	vadd.f32 v57, v34  }
0x320: {  	v31 =	vld [tilespmem:s26+$0x40];
	v18 =	vmul.f32 v49, v28;
	v16 =	vadd.f32 v58, v16;
	v30 =	vadd.f32 v15, v8  }
0x321: {  	v14 =	vld [tilespmem:s26+$0x10];
	v23 =	vadd.f32 v17, v7;
	v24 =	vadd.f32 v20, v6;
	v17 =	vpop (erf);
	v15 =	vand.u32 $0x7FFFFFFF, v39  }
0x322: {  	v20 =	vand.u32 $0x7FFFFFFF, v40;
	v21 =	vmul.f32 v17, v10;
	v17 =	vld [tilespmem:s26+$0x20];
	v15 =	vsub.f32 $0.0e+00, v15  }
0x323: {  	v34 =	vld [tilespmem:s26+$0x50];
	v57 =	vand.u32 $0x7FFFFFFF, v48;
	v28 =	vadd.f32 v25, v5;
	v59 =	vsub.f32 $0.0e+00, v20;
	v10 =	vpop (erf)  }
0x324: {  	v37 =	vld [tilespmem:s26+$0x60];
	v29 =	vadd.f32 v26, v2;
	v22 =	vmul.f32 v10, v9;
	v45 =	vpop (erf);
	v9 =	vmul.f32 $1.442695020e+00, v15  }
0x325: {  	v25 =	vadd.f32 v27, v4;
	v20 =	vadd.f32 v16, v3;
	v10 =	vmul.f32 $1.442695020e+00, v59;
	v32 =	vpop (erf);
	v15 =	vld [tilespmem:s26+$0x30]  }
0x326: {  	[tilespmem:s24+$0xB0] =	vst v12;
	v42 =	vld [tilespmem:s26+$0xC0];
	v16 =	vand.u32 $0x7FFFFFFF, v31;
	v12 =	vmul.f32 v32, v11;
	(erf) = vpow2.f32 v9  }
0x327: {  	v38 =	vld [tilespmem:s26+$0x70];
	v9 =	vsub.f32 $0.0e+00, v16;
	v16 =	vand.u32 $0x7FFFFFFF, v14;
	v26 =	vand.u32 $0x7FFFFFFF, v17  }
0x328: {  	v43 =	vld [tilespmem:s26+$0x90];
	(erf) = vpow2.f32 v10;
	v10 =	vsub.f32 $0.0e+00, v16;
	v16 =	vand.u32 $0x7FFFFFFF, v34  }
0x329: {  	v41 =	vld [tilespmem:s26+$0x80];
	v27 =	vsub.f32 $0.0e+00, v26;
	v26 =	vand.u32 $0x7FFFFFFF, v37;
	v16 =	vsub.f32 $0.0e+00, v16  }
0x32a: {  	v44 =	vld [tilespmem:s26+$0xD0];
	v33 =	vmul.f32 $1.442695020e+00, v9;
	v60 =	vsub.f32 $0.0e+00, v26;
	v9 =	vand.u32 $0x7FFFFFFF, v15  }
0x32b: {  	v36 =	vmul.f32 $1.442695020e+00, v10;
	v49 =	vmul.f32 $1.442695020e+00, v27;
	v27 =	vand.u32 $0x7FFFFFFF, v42  }
0x32c: {  	v26 =	vld [tilespmem:s26+$0xA0];
	v61 =	vsub.f32 $0.0e+00, v9;
	v9 =	vand.u32 $0x7FFFFFFF, v38;
	v16 =	vmul.f32 $1.442695020e+00, v16  }
0x32d: {  	v51 =	vmul.f32 $1.442695020e+00, v60;
	v60 =	vsub.f32 $0.0e+00, v27;
	v27 =	vand.u32 $0x7FFFFFFF, v43  }
0x32e: {  	v62 =	vsub.f32 $0.0e+00, v9;
	v9 =	vand.u32 $0x7FFFFFFF, v41;
	v52 =	vsub.f32 $0.0e+00, v27  }
0x32f: {  	v27 =	vld [tilespmem:s26+$0xE0];
	v63 =	vsub.f32 $0.0e+00, v9;
	v46 =	vmul.f32 $1.442695020e+00, v61;
	v61 =	vand.u32 $0x7FFFFFFF, v44  }
0x330: {  	v10 =	vpop (erf);
	v60 =	vmul.f32 $1.442695020e+00, v60;
	v47 =	vmul.f32 $1.442695020e+00, v62;
	v53 =	vsub.f32 $0.0e+00, v61  }
0x331: {  	v55 =	vand.u32 $0x7FFFFFFF, v26;
	v62 =	vsub.f32 $0.0e+00, v57;
	v52 =	vmul.f32 $1.442695020e+00, v52;
	v9 =	vpop (erf)  }
0x332: {  	v50 =	vmul.f32 $1.442695020e+00, v63;
	v55 =	vsub.f32 $0.0e+00, v55;
	v54 =	vpop (erf);
	v53 =	vmul.f32 $1.442695020e+00, v53  }
0x333: {  	v35 =	vmul.f32 $1.442695020e+00, v62;
	v56 =	vpop (erf);
	v58 =	vmul.f32 $1.066924330e-01, v54  }
0x334: {  	v62 =	vand.u32 $0x7FFFFFFF, v27;
	v55 =	vmul.f32 $1.442695020e+00, v55;
	v59 =	vmul.f32 $1.066924330e-01, v56  }
0x335: {  	(erf) = vpow2.f32 v35;
	v35 =	vmax.f32 v48, $0.0e+00;
	v63 =	vadd.f32 $-3.935581740e-01, v58  }
0x336: {  	(erf) = vpow2.f32 v33;
	v33 =	vmax.f32 v14, $0.0e+00;
	v61 =	vadd.f32 $-3.935581740e-01, v59  }
0x337: {  	v59 =	vsub.f32 $0.0e+00, v62;
	(erf) = vpow2.f32 v36;
	v36 =	vmax.f32 v34, $0.0e+00  }
0x338: {  	v34 =	vmax.f32 v17, $0.0e+00;
	v57 =	vmul.f32 v63, v54;
	(erf) = vpow2.f32 v16  }
0x339: {  	v17 =	vmax.f32 v39, $0.0e+00;
	v58 =	vmul.f32 v61, v56;
	(erf) = vpow2.f32 v49  }
0x33a: {  	v39 =	vmax.f32 v38, $0.0e+00;
	v57 =	vadd.f32 $9.797691700e-01, v57;
	(erf) = vpow2.f32 v51  }
0x33b: {  	v48 =	vmul.f32 $1.442695020e+00, v59;
	v58 =	vadd.f32 $9.797691700e-01, v58;
	(erf) = vpow2.f32 v46  }
0x33c: {  	v14 =	vmul.f32 v57, v54;
	v57 =	vmax.f32 v40, $0.0e+00;
	v40 =	vmax.f32 v37, $0.0e+00  }
0x33d: {  	v37 =	vmax.f32 v15, $0.0e+00;
	(erf) = vpow2.f32 v47;
	v63 =	vmul.f32 v58, v56  }
0x33e: {  	(erf) = vpow2.f32 v50;
	v50 =	vmul.f32 v45, v13;
	v14 =	vadd.f32 $9.223163360e-04, v14;
	v38 =	vpop (erf)  }
0x33f: {  	(erf) = vpow2.f32 v60;
	v16 =	vadd.f32 $9.223163360e-04, v63;
	v58 =	vmul.f32 $1.066924330e-01, v38;
	v46 =	vpop (erf)  }
0x340: {  	v49 =	vadd.f32 v14, v17;
	v59 =	vmul.f32 $1.066924330e-01, v46;
	v47 =	vpop (erf);
	v17 =	vmax.f32 v44, $0.0e+00  }
0x341: {  	v14 =	vadd.f32 v16, v57;
	v16 =	vmax.f32 v42, $0.0e+00;
	v60 =	vmul.f32 $1.066924330e-01, v47;
	v44 =	vpop (erf)  }
0x342: {  	v13 =	vadd.f32 $-3.935581740e-01, v58;
	v61 =	vmul.f32 $1.066924330e-01, v44;
	v45 =	vpop (erf);
	v42 =	vadd.f32 $-3.935581740e-01, v59  }
0x343: {  	v15 =	vadd.f32 v14, v49;
	v14 =	vmax.f32 v41, $0.0e+00;
	v62 =	vmul.f32 $1.066924330e-01, v45  }
0x344: {  	v13 =	vmul.f32 v13, v38;
	v41 =	vadd.f32 $-3.935581740e-01, v61;
	v42 =	vmul.f32 v42, v46  }
0x345: {  	(erf) = vrcp.f32 v15;
	v15 =	vmax.f32 v43, $0.0e+00;
	v43 =	vadd.f32 $-3.935581740e-01, v60  }
0x346: {  	v51 =	vadd.f32 $-3.935581740e-01, v62;
	(erf) = vpow2.f32 v52;
	v52 =	vpop (erf);
	v41 =	vmul.f32 v41, v44  }
0x347: {  	v13 =	vadd.f32 $9.797691700e-01, v13;
	(erf) = vpow2.f32 v53;
	v63 =	vmul.f32 $1.066924330e-01, v52  }
0x348: {  	v42 =	vadd.f32 $9.797691700e-01, v42;
	v43 =	vmul.f32 v43, v47;
	v51 =	vmul.f32 v51, v45  }
0x349: {  	v31 =	vmax.f32 v31, $0.0e+00;
	v53 =	vpop (erf);
	v13 =	vmul.f32 v13, v38;
	(erf) = vpow2.f32 v55  }
0x34a: {  	v26 =	vmax.f32 v26, $0.0e+00;
	v60 =	vmul.f32 $1.066924330e-01, v53;
	v42 =	vmul.f32 v42, v46  }
0x34b: {  	v55 =	vpop (erf);
	v41 =	vadd.f32 $9.797691700e-01, v41;
	(erf) = vpow2.f32 v48;
	v48 =	vadd.f32 $-3.935581740e-01, v63  }
0x34c: {  	v61 =	vmul.f32 $1.066924330e-01, v55;
	v57 =	vpop (erf);
	v43 =	vadd.f32 $9.797691700e-01, v43;
	v51 =	vadd.f32 $9.797691700e-01, v51  }
0x34d: {  	v54 =	vadd.f32 $-3.935581740e-01, v60;
	v58 =	vmul.f32 $1.066924330e-01, v57;
	v59 =	vpop (erf);
	v41 =	vmul.f32 v41, v44  }
0x34e: {  	(erf) = vrcp.f32 v30;
	v56 =	vadd.f32 $-3.935581740e-01, v61;
	v60 =	vmul.f32 $1.066924330e-01, v59  }
0x34f: {  	v48 =	vmul.f32 v48, v52;
	v43 =	vmul.f32 v43, v47;
	v58 =	vadd.f32 $-3.935581740e-01, v58  }
0x350: {  	v45 =	vmul.f32 v51, v45;
	v54 =	vmul.f32 v54, v53;
	v60 =	vadd.f32 $-3.935581740e-01, v60  }
0x351: {  	v56 =	vmul.f32 v56, v55;
	v48 =	vadd.f32 $9.797691700e-01, v48;
	v61 =	vpop (erf);
	v58 =	vmul.f32 v58, v57  }
0x352: {  	v54 =	vadd.f32 $9.797691700e-01, v54;
	v49 =	vmul.f32 v61, v49;
	v61 =	vpop (erf);
	v60 =	vmul.f32 v60, v59  }
0x353: {  	v48 =	vmul.f32 v48, v52;
	v56 =	vadd.f32 $9.797691700e-01, v56;
	v62 =	vmul.f32 $1.066924330e-01, v61  }
0x354: {  	v46 =	vpop (erf);
	v53 =	vmul.f32 v54, v53;
	v58 =	vadd.f32 $9.797691700e-01, v58;
	v60 =	vadd.f32 $9.797691700e-01, v60  }
0x355: {  	v63 =	vmul.f32 $1.066924330e-01, v46;
	v44 =	vpop (erf);
	v48 =	vadd.f32 $9.223163360e-04, v48;
	v38 =	vadd.f32 $-3.935581740e-01, v62  }
0x356: {  	v51 =	vmul.f32 $1.066924330e-01, v44;
	v62 =	vadd.f32 $9.223163360e-04, v13;
	v13 =	vmul.f32 v56, v55  }
0x357: {  	v52 =	vpop (erf);
	v55 =	vadd.f32 $9.223163360e-04, v43;
	v56 =	vadd.f32 $9.223163360e-04, v41;
	(erf) = vrcp.f32 v23  }
0x358: {  	v47 =	vadd.f32 $-3.935581740e-01, v63;
	v54 =	vmul.f32 $1.066924330e-01, v52;
	v63 =	vadd.f32 $9.223163360e-04, v42  }
0x359: {  	v42 =	vmul.f32 v58, v57;
	v43 =	vmul.f32 v60, v59;
	v58 =	vadd.f32 $9.223163360e-04, v45  }
0x35a: {  	[tilespmem:s24+$0x0] =	vst v19;
	v60 =	vadd.f32 $9.223163360e-04, v53;
	(erf) = vrcp.f32 v24;
	v19 =	vadd.f32 v48, v40  }
0x35b: {  	v51 =	vadd.f32 $-3.935581740e-01, v51;
	(erf) = vrcp.f32 v28;
	v28 =	vadd.f32 v62, v35  }
0x35c: {  	[tilespmem:s24+$0x10] =	vst v21;
	v38 =	vmul.f32 v38, v61;
	v21 =	vadd.f32 v56, v36;
	v54 =	vadd.f32 $-3.935581740e-01, v54  }
0x35d: {  	[tilespmem:s25+$0xB0] =	vst v18;
	v47 =	vmul.f32 v47, v46;
	v45 =	vadd.f32 $9.223163360e-04, v43;
	v18 =	vadd.f32 v63, v31  }
0x35e: {  	(erf) = vrcp.f32 v29;
	v29 =	vadd.f32 v58, v34;
	v51 =	vmul.f32 v51, v44  }
0x35f: {  	v24 =	vadd.f32 v60, v37;
	v38 =	vadd.f32 $9.797691700e-01, v38;
	v54 =	vmul.f32 v54, v52  }
0x360: {  	(erf) = vrcp.f32 v25;
	v47 =	vadd.f32 $9.797691700e-01, v47;
	v51 =	vadd.f32 $9.797691700e-01, v51  }
0x361: {  	v38 =	vmul.f32 v38, v61;
	v61 =	vadd.f32 $9.223163360e-04, v13;
	v54 =	vadd.f32 $9.797691700e-01, v54  }
0x362: {  	v41 =	vmul.f32 v47, v46;
	v57 =	vmul.f32 v51, v44;
	v44 =	vadd.f32 $9.223163360e-04, v42  }
0x363: {  	[tilespmem:s24+$0x20] =	vst v22;
	v43 =	vadd.f32 $9.223163360e-04, v38;
	v38 =	vadd.f32 v55, v33;
	v59 =	vmul.f32 v54, v52  }
0x364: {  	[tilespmem:s24+$0x30] =	vst v50;
	(erf) = vrcp.f32 v20;
	v22 =	vadd.f32 v61, v39;
	v42 =	vadd.f32 $9.223163360e-04, v41  }
0x365: {  	s28 =	simm.s32 $0x104;
	s29 =	simm.s32 $0x8500;
	v27 =	vmax.f32 v27, $0.0e+00;
	[tilespmem:s26+$0xB0] =	vst v49;
	v41 =	vadd.f32 $9.223163360e-04, v57;
	v13 =	vadd.f32 $9.223163360e-04, v59  }
.LBB2_6:
0x366: {  	v35 =	vld [tilespmem:s29+$0xB0];
	v11 =	vadd.f32 v44, v14;
	v14 =	vadd.f32 v45, v16;
	v25 =	vmul.f32 v10, v0;
	v0 =	vmovc v4  }
0x367: {  	s28 =	sadd.s32 $0x2, s28;
	v4 =	vadd.f32 v43, v15;
	v15 =	vadd.f32 v42, v17;
	v1 =	vmul.f32 v9, v1;
	v37 =	vld [tilespmem:s29+$0xF0];
	v16 =	vpop (erf);
	[tilespmem:s24+$0x80] =	vst v12  }
0x368: {  	v17 =	vadd.f32 v41, v26;
	v23 =	vadd.f32 v13, v27;
	p0 =	slt.u32 s28, $0x17E;
	v9 =	vld [tilespmem:s29+$0x40];
	v8 =	vmul.f32 v16, v8;
	v12 =	vpop (erf);
	[tilespmem:s24+$0x90] =	vst v25  }
0x369: {  	v20 =	vadd.f32 v18, v28;
	v13 =	vadd.f32 v21, v38;
	v16 =	vld [tilespmem:s29+$0x10];
	v7 =	vmul.f32 v12, v7;
	v10 =	vpop (erf);
	[tilespmem:s24+$0xA0] =	vst v1;
	s24 =	smov.u32 s25;
	s25 =	smov.u32 s26;
	s26 =	smov.u32 s29  }
0x36a: {  	v21 =	vadd.f32 v19, v29;
	v18 =	vadd.f32 v22, v24;
	v26 =	vld [tilespmem:s29+$0x50];
	[tilespmem:s24+$0x0] =	vst v8;
	v1 =	vmul.f32 v10, v6;
	v36 =	vpop (erf)  }
0x36b: {  	v22 =	vadd.f32 v14, v11;
	v19 =	vadd.f32 v15, v4;
	v27 =	vld [tilespmem:s29+$0x20];
	v6 =	vand.u32 $0x7FFFFFFF, v35;
	[tilespmem:s24+$0x10] =	vst v7;
	v12 =	vpop (erf)  }
0x36c: {  	v23 =	vadd.f32 v23, v17;
	v14 =	vld [tilespmem:s29+$0x60];
	v6 =	vsub.f32 $0.0e+00, v6;
	v7 =	vand.u32 $0x7FFFFFFF, v37;
	[tilespmem:s24+$0x20] =	vst v1;
	v10 =	vpop (erf)  }
0x36d: {  	v31 =	vand.u32 $0x7FFFFFFF, v9;
	v25 =	vmax.f32 v9, $0.0e+00;
	v15 =	vld [tilespmem:s29+$0x30];
	v40 =	vsub.f32 $0.0e+00, v7;
	v9 =	vpop (erf)  }
0x36e: {  	v30 =	vsub.f32 $0.0e+00, v31;
	v33 =	vand.u32 $0x7FFFFFFF, v16;
	v34 =	vld [tilespmem:s29+$0x70];
	v41 =	vmul.f32 $1.442695020e+00, v6;
	v1 =	vmovc v3;
	v3 =	vmovc v17  }
0x36f: {  	v8 =	vmovc v28;
	v17 =	vsub.f32 $0.0e+00, v33;
	v31 =	vand.u32 $0x7FFFFFFF, v26;
	v39 =	vld [tilespmem:s29+$0x80];
	v32 =	vmul.f32 $1.442695020e+00, v40;
	v7 =	vmovc v38  }
0x370: {  	v28 =	vsub.f32 $0.0e+00, v31;
	v31 =	vand.u32 $0x7FFFFFFF, v27;
	v38 =	vld [tilespmem:s29+$0xC0];
	(erf) = vpow2.f32 v41;
	v6 =	vmovc v29  }
0x371: {  	v29 =	vsub.f32 $0.0e+00, v31;
	v31 =	vand.u32 $0x7FFFFFFF, v14;
	v40 =	vld [tilespmem:s29+$0x90];
	(erf) = vpow2.f32 v32  }
0x372: {  	v33 =	vmul.f32 $1.442695020e+00, v30;
	v30 =	vsub.f32 $0.0e+00, v31;
	v31 =	vand.u32 $0x7FFFFFFF, v15;
	v41 =	vld [tilespmem:s29+$0xD0]  }
0x373: {  	v17 =	vmul.f32 $1.442695020e+00, v17;
	v31 =	vsub.f32 $0.0e+00, v31;
	v32 =	vand.u32 $0x7FFFFFFF, v34;
	v42 =	vld [tilespmem:s29+$0xA0]  }
0x374: {  	v43 =	vmul.f32 $1.442695020e+00, v28;
	v28 =	vsub.f32 $0.0e+00, v32;
	v32 =	vand.u32 $0x7FFFFFFF, v39;
	v44 =	vld [tilespmem:s29+$0xE0]  }
0x375: {  	v46 =	vmul.f32 $1.442695020e+00, v29;
	v45 =	vld [tilespmem:s29+$0x0];
	v29 =	vsub.f32 $0.0e+00, v32;
	v32 =	vand.u32 $0x7FFFFFFF, v38  }
0x376: {  	v47 =	vmul.f32 $1.442695020e+00, v30;
	v30 =	vsub.f32 $0.0e+00, v32;
	v32 =	vand.u32 $0x7FFFFFFF, v40  }
0x377: {  	v48 =	vmul.f32 $1.442695020e+00, v31;
	v31 =	vsub.f32 $0.0e+00, v32;
	v32 =	vand.u32 $0x7FFFFFFF, v41  }
0x378: {  	v49 =	vmul.f32 $1.442695020e+00, v28;
	v32 =	vsub.f32 $0.0e+00, v32;
	v28 =	vand.u32 $0x7FFFFFFF, v42  }
0x379: {  	v50 =	vmul.f32 $1.442695020e+00, v29;
	v51 =	vsub.f32 $0.0e+00, v28;
	v28 =	vand.u32 $0x7FFFFFFF, v44;
	v52 =	vpop (erf)  }
0x37a: {  	v53 =	vmul.f32 $1.442695020e+00, v30;
	v29 =	vand.u32 $0x7FFFFFFF, v45;
	v30 =	vsub.f32 $0.0e+00, v28;
	v54 =	vpop (erf)  }
0x37b: {  	v55 =	vmul.f32 $1.066924330e-01, v52;
	v29 =	vsub.f32 $0.0e+00, v29;
	v56 =	vmul.f32 $1.066924330e-01, v54  }
0x37c: {  	v28 =	vmax.f32 v45, $0.0e+00;
	v45 =	vmul.f32 $1.442695020e+00, v31;
	v57 =	vmul.f32 $1.442695020e+00, v32  }
0x37d: {  	v31 =	vadd.f32 $-3.935581740e-01, v55;
	v58 =	vmul.f32 $1.442695020e+00, v29;
	v32 =	vadd.f32 $-3.935581740e-01, v56  }
0x37e: {  	v51 =	vmul.f32 $1.442695020e+00, v51;
	v55 =	vmul.f32 $1.442695020e+00, v30;
	v29 =	vmax.f32 v16, $0.0e+00  }
0x37f: {  	v30 =	vmax.f32 v26, $0.0e+00;
	v16 =	vmul.f32 v31, v52;
	v26 =	vmul.f32 v32, v54  }
0x380: {  	v31 =	vmax.f32 v27, $0.0e+00;
	v32 =	vmax.f32 v14, $0.0e+00;
	(erf) = vpow2.f32 v58  }
0x381: {  	v16 =	vadd.f32 $9.797691700e-01, v16;
	v26 =	vadd.f32 $9.797691700e-01, v26;
	(erf) = vpow2.f32 v33  }
0x382: {  	v34 =	vmax.f32 v34, $0.0e+00;
	v33 =	vmax.f32 v15, $0.0e+00;
	(erf) = vpow2.f32 v17  }
0x383: {  	v14 =	vmax.f32 v39, $0.0e+00;
	v17 =	vmul.f32 v16, v52;
	v26 =	vmul.f32 v26, v54  }
0x384: {  	v15 =	vmax.f32 v40, $0.0e+00;
	v16 =	vmax.f32 v38, $0.0e+00;
	(erf) = vpow2.f32 v43  }
0x385: {  	v17 =	vadd.f32 $9.223163360e-04, v17;
	v26 =	vadd.f32 $9.223163360e-04, v26;
	(erf) = vpow2.f32 v46  }
0x386: {  	v27 =	vmax.f32 v35, $0.0e+00;
	v35 =	vmax.f32 v37, $0.0e+00;
	(erf) = vpow2.f32 v47  }
0x387: {  	v37 =	vadd.f32 v17, v27;
	v35 =	vadd.f32 v26, v35;
	(erf) = vpow2.f32 v48  }
0x388: {  	v17 =	vmax.f32 v41, $0.0e+00;
	v26 =	vmax.f32 v42, $0.0e+00;
	(erf) = vpow2.f32 v49  }
0x389: {  	v27 =	vmax.f32 v44, $0.0e+00;
	v35 =	vadd.f32 v35, v37;
	v38 =	vpop (erf);
	(erf) = vpow2.f32 v50  }
0x38a: {  	v39 =	vmul.f32 $1.066924330e-01, v38;
	v40 =	vpop (erf);
	(erf) = vpow2.f32 v53  }
0x38b: {  	v41 =	vmul.f32 $1.066924330e-01, v40;
	v42 =	vpop (erf);
	(erf) = vrcp.f32 v35  }
0x38c: {  	v35 =	vadd.f32 $-3.935581740e-01, v39;
	v39 =	vmul.f32 $1.066924330e-01, v42;
	(erf) = vpow2.f32 v45  }
0x38d: {  	v48 =	vmul.f32 v36, v5;
	v41 =	vadd.f32 $-3.935581740e-01, v41;
	v43 =	vpop (erf);
	(erf) = vpow2.f32 v57  }
0x38e: {  	v36 =	vadd.f32 $-3.935581740e-01, v39;
	v39 =	vmul.f32 $1.066924330e-01, v43;
	v44 =	vpop (erf);
	(erf) = vpow2.f32 v51  }
0x38f: {  	v5 =	vmov v24;
	v45 =	vmul.f32 $1.066924330e-01, v44;
	v46 =	vpop (erf);
	(erf) = vpow2.f32 v55;
	[tilespmem:s24+$0x30] =	vst v48  }
0x390: {  	v24 =	vmul.f32 v35, v38;
	v35 =	vadd.f32 $-3.935581740e-01, v39;
	v39 =	vmul.f32 $1.066924330e-01, v46;
	v47 =	vpop (erf)  }
0x391: {  	v41 =	vmul.f32 v41, v40;
	v45 =	vadd.f32 $-3.935581740e-01, v45;
	v48 =	vmul.f32 $1.066924330e-01, v47;
	v49 =	vpop (erf)  }
0x392: {  	v36 =	vmul.f32 v36, v42;
	v39 =	vadd.f32 $-3.935581740e-01, v39;
	v50 =	vmul.f32 $1.066924330e-01, v49;
	v51 =	vpop (erf)  }
0x393: {  	v35 =	vmul.f32 v35, v43;
	v48 =	vadd.f32 $-3.935581740e-01, v48;
	v52 =	vmul.f32 $1.066924330e-01, v51;
	v53 =	vpop (erf)  }
0x394: {  	v45 =	vmul.f32 v45, v44;
	v50 =	vadd.f32 $-3.935581740e-01, v50;
	v54 =	vmul.f32 $1.066924330e-01, v53;
	v55 =	vpop (erf)  }
0x395: {  	v39 =	vmul.f32 v39, v46;
	v52 =	vadd.f32 $-3.935581740e-01, v52;
	v59 =	vmul.f32 v55, v37;
	v55 =	vpop (erf)  }
0x396: {  	v48 =	vmul.f32 v48, v47;
	v54 =	vadd.f32 $-3.935581740e-01, v54;
	v56 =	vmul.f32 $1.066924330e-01, v55;
	v57 =	vpop (erf)  }
0x397: {  	v24 =	vadd.f32 $9.797691700e-01, v24;
	v50 =	vmul.f32 v50, v49;
	v58 =	vmul.f32 $1.066924330e-01, v57;
	[tilespmem:s29+$0xB0] =	vst v59;
	v37 =	vpop (erf)  }
0x398: {  	v52 =	vmul.f32 v52, v51;
	v56 =	vadd.f32 $-3.935581740e-01, v56;
	v59 =	vmul.f32 $1.066924330e-01, v37;
	v60 =	vpop (erf)  }
0x399: {  	v54 =	vmul.f32 v54, v53;
	v58 =	vadd.f32 $-3.935581740e-01, v58;
	v61 =	vmul.f32 $1.066924330e-01, v60  }
0x39a: {  	v41 =	vadd.f32 $9.797691700e-01, v41;
	v56 =	vmul.f32 v56, v55;
	v59 =	vadd.f32 $-3.935581740e-01, v59  }
0x39b: {  	v36 =	vadd.f32 $9.797691700e-01, v36;
	v58 =	vmul.f32 v58, v57;
	v61 =	vadd.f32 $-3.935581740e-01, v61  }
0x39c: {  	v35 =	vadd.f32 $9.797691700e-01, v35;
	v45 =	vadd.f32 $9.797691700e-01, v45;
	v59 =	vmul.f32 v59, v37  }
0x39d: {  	v39 =	vadd.f32 $9.797691700e-01, v39;
	v48 =	vadd.f32 $9.797691700e-01, v48;
	v61 =	vmul.f32 v61, v60  }
0x39e: {  	v24 =	vmul.f32 v24, v38;
	v38 =	vadd.f32 $9.797691700e-01, v50;
	v50 =	vadd.f32 $9.797691700e-01, v52  }
0x39f: {  	v40 =	vmul.f32 v41, v40;
	v41 =	vadd.f32 $9.797691700e-01, v54;
	v52 =	vadd.f32 $9.797691700e-01, v56  }
0x3a0: {  	v36 =	vmul.f32 v36, v42;
	v42 =	vadd.f32 $9.797691700e-01, v58;
	v54 =	vadd.f32 $9.797691700e-01, v59  }
0x3a1: {  	v35 =	vmul.f32 v35, v43;
	v43 =	vmul.f32 v45, v44;
	v44 =	vadd.f32 $9.797691700e-01, v61  }
0x3a2: {  	v24 =	vadd.f32 $9.223163360e-04, v24;
	v39 =	vmul.f32 v39, v46;
	v45 =	vmul.f32 v48, v47  }
0x3a3: {  	v40 =	vadd.f32 $9.223163360e-04, v40;
	v38 =	vmul.f32 v38, v49;
	v46 =	vmul.f32 v50, v51  }
0x3a4: {  	v36 =	vadd.f32 $9.223163360e-04, v36;
	v41 =	vmul.f32 v41, v53;
	v47 =	vmul.f32 v52, v55  }
0x3a5: {  	v35 =	vadd.f32 $9.223163360e-04, v35;
	v42 =	vmul.f32 v42, v57;
	v37 =	vmul.f32 v54, v37  }
0x3a6: {  	v48 =	vadd.f32 $9.223163360e-04, v43;
	v39 =	vadd.f32 $9.223163360e-04, v39;
	v49 =	vmul.f32 v44, v60  }
0x3a7: {  	v50 =	vadd.f32 $9.223163360e-04, v45;
	v51 =	vadd.f32 $9.223163360e-04, v38;
	(erf) = vrcp.f32 v20  }
0x3a8: {  	v45 =	vadd.f32 $9.223163360e-04, v41;
	v44 =	vadd.f32 $9.223163360e-04, v46;
	(erf) = vrcp.f32 v13  }
0x3a9: {  	v43 =	vadd.f32 $9.223163360e-04, v47;
	v42 =	vadd.f32 $9.223163360e-04, v42;
	(erf) = vrcp.f32 v21  }
.Ltmp2:
0x3aa: {  	v41 =	vadd.f32 $9.223163360e-04, v37;
	v13 =	vadd.f32 $9.223163360e-04, v49;
	(erf) = vrcp.f32 v18;
	(pc) =	sbr.rel @p0 .LBB2_6-.Ltmp2, $4  }
0x3ab: {  	v28 =	vadd.f32 v24, v28;
	v18 =	vadd.f32 v40, v25;
	(erf) = vrcp.f32 v22  }
0x3ac: {  	v38 =	vadd.f32 v36, v29;
	v21 =	vadd.f32 v35, v30;
	(erf) = vrcp.f32 v19  }
0x3ad: {  	v29 =	vadd.f32 v48, v31;
	v19 =	vadd.f32 v39, v32;
	(erf) = vrcp.f32 v23  }
0x3ae: {  	v12 =	vmul.f32 v12, v2;
	v2 =	vmovc v11;
	s29 =	sadd.s32 $0x100, s29;
	v24 =	vadd.f32 v50, v33;
	v22 =	vadd.f32 v51, v34  }
0x3af: {  	v11 =	vadd.f32 v44, v14  }
0x3b0: {  	v0 =	vmul.f32 v10, v0;
	v10 =	vadd.f32 v42, v17;
	v17 =	vadd.f32 v21, v38  }
0x3b1: {  	v14 =	vadd.f32 v45, v16;
	v16 =	vadd.f32 v18, v28;
	_ =	sdelay $0x1  }
0x3b2: {  	v1 =	vmul.f32 v9, v1;
	v9 =	vadd.f32 v19, v29;
	(erf) = vrcp.f32 v16  }
0x3b3: {  	v15 =	vadd.f32 v43, v15;
	(erf) = vrcp.f32 v17;
	v17 =	vpop (erf)  }
0x3b4: {  	[tilespmem:s24+$0x80] =	vst v12;
	v12 =	vadd.f32 v13, v27;
	v16 =	vadd.f32 v41, v26;
	v8 =	vmul.f32 v17, v8  }
0x3b5: {  	v18 =	vadd.f32 v22, v24;
	[tilespmem:s24+$0x90] =	vst v0;
	v0 =	vadd.f32 v10, v15;
	(erf) = vrcp.f32 v9  }
0x3b6: {  	v13 =	vadd.f32 v14, v11;
	[tilespmem:s24+$0xA0] =	vst v1;
	v1 =	vadd.f32 v12, v16;
	v9 =	vpop (erf)  }
0x3b7: {  	(erf) = vrcp.f32 v18;
	v7 =	vmul.f32 v9, v7;
	v9 =	vpop (erf)  }
0x3b8: {  	(erf) = vrcp.f32 v13;
	[tilespmem:s25+$0x0] =	vst v8;
	v8 =	vpop (erf)  }
0x3b9: {  	(erf) = vrcp.f32 v0;
	v0 =	vpop (erf)  }
0x3ba: {  	v6 =	vmul.f32 v9, v6;
	(erf) = vrcp.f32 v1;
	v1 =	vpop (erf)  }
0x3bb: {  	[tilespmem:s25+$0x10] =	vst v7;
	v0 =	vmul.f32 v0, v2;
	v2 =	vpop (erf)  }
0x3bc: {  	[tilespmem:s25+$0x20] =	vst v6;
	v1 =	vmul.f32 v1, v4;
	v4 =	vpop (erf)  }
0x3bd: {  	[tilespmem:s25+$0x80] =	vst v0;
	v0 =	vmul.f32 v2, v3;
	v2 =	vmul.f32 v4, v28;
	v3 =	vpop (erf)  }
0x3be: {  	v5 =	vmul.f32 v8, v5;
	[tilespmem:s25+$0x90] =	vst v1;
	v1 =	vmul.f32 v3, v38;
	v3 =	vpop (erf)  }
0x3bf: {  	[tilespmem:s25+$0xA0] =	vst v0;
	v0 =	vmul.f32 v3, v29  }
0x3c0: {  	[tilespmem:s25+$0x30] =	vst v5  }
0x3c1: {  	[tilespmem:s26+$0x0] =	vst v2;
	v2 =	vpop (erf)  }
0x3c2: {  	[tilespmem:s26+$0x10] =	vst v1;
	v1 =	vpop (erf);
	v2 =	vmul.f32 v2, v24  }
0x3c3: {  	[tilespmem:s26+$0x20] =	vst v0;
	v0 =	vpop (erf);
	v1 =	vmul.f32 v1, v11  }
0x3c4: {  	v3 =	vpop (erf);
	[tilespmem:s26+$0x30] =	vst v2;
	v0 =	vmul.f32 v0, v15  }
0x3c5: {  	[tilespmem:s26+$0x80] =	vst v1;
	v1 =	vmul.f32 v3, v16  }
0x3c6: {  	[tilespmem:s26+$0x90] =	vst v0  }
0x3c7: {  	[tilespmem:s26+$0xA0] =	vst v1  }
0x3c8: {  	[hbm4b:s7+s2] =	stream.linear.scatter [tilespmem:s15], [sflag:$0x5], $0x4000, $0x38;
	[tilespmem:$0x10200] =	vst v63  }
0x3c9: {  	_ =	swait.ge [sflag:s21], $0x4000  }
0x3ca: {  	[sflag:s21] =	ssyncset.done $0x0  }
0x3cb: {  	s24 =	simm.s32 $0xC200;
	[sflag:s21] =	ssyncadd.s32 $0xFFFFC000  }
0x3cc: {  	v10 =	vld [tilespmem:s24+$0xB0]  }
0x3cd: {  	v11 =	vld [tilespmem:s24+$0xF0];
	_ =	sdelay $0x1  }
0x3ce: {  	v3 =	vld [tilespmem:s24+$0x40]  }
0x3cf: {  	v13 =	vld [tilespmem:s24+$0x10]  }
0x3d0: {  	v14 =	vld [tilespmem:s24+$0x50];
	v0 =	vand.u32 $0x7FFFFFFF, v10  }
0x3d1: {  	v15 =	vld [tilespmem:s24+$0x20];
	v1 =	vand.u32 $0x7FFFFFFF, v11;
	v0 =	vsub.f32 $0.0e+00, v0  }
0x3d2: {  	v16 =	vld [tilespmem:s24+$0x60];
	v1 =	vsub.f32 $0.0e+00, v1  }
0x3d3: {  	v18 =	vld [tilespmem:s24+$0x0];
	v0 =	vmul.f32 $1.442695020e+00, v0  }
0x3d4: {  	v2 =	vmul.f32 $1.442695020e+00, v1  }
0x3d5: {  	v4 =	vand.u32 $0x7FFFFFFF, v3;
	(erf) = vpow2.f32 v0  }
0x3d6: {  	v5 =	vand.u32 $0x7FFFFFFF, v14;
	v8 =	vand.u32 $0x7FFFFFFF, v15;
	(erf) = vpow2.f32 v2;
	v2 =	vld [tilespmem:s24+$0x70]  }
0x3d7: {  	v12 =	vand.u32 $0x7FFFFFFF, v16;
	v6 =	vsub.f32 $0.0e+00, v4;
	v4 =	vand.u32 $0x7FFFFFFF, v13  }
0x3d8: {  	v27 =	vand.u32 $0x7FFFFFFF, v18;
	v10 =	vmax.f32 v10, $0.0e+00;
	v7 =	vsub.f32 $0.0e+00, v4;
	v4 =	vld [tilespmem:s24+$0xC0]  }
0x3d9: {  	v11 =	vmax.f32 v11, $0.0e+00;
	v15 =	vmax.f32 v15, $0.0e+00;
	v9 =	vsub.f32 $0.0e+00, v5;
	v1 =	vld [tilespmem:s24+$0x30]  }
0x3da: {  	v16 =	vmax.f32 v16, $0.0e+00;
	v8 =	vsub.f32 $0.0e+00, v8;
	v12 =	vsub.f32 $0.0e+00, v12  }
0x3db: {  	v5 =	vld [tilespmem:s24+$0x90];
	v27 =	vsub.f32 $0.0e+00, v27;
	v19 =	vmul.f32 $1.442695020e+00, v7;
	v7 =	vand.u32 $0x7FFFFFFF, v2  }
0x3dc: {  	v17 =	vmul.f32 $1.442695020e+00, v6;
	v21 =	vmul.f32 $1.442695020e+00, v9;
	v9 =	vsub.f32 $0.0e+00, v7  }
0x3dd: {  	v22 =	vmul.f32 $1.442695020e+00, v8;
	v12 =	vmul.f32 $1.442695020e+00, v12;
	v0 =	vmax.f32 v3, $0.0e+00  }
0x3de: {  	v3 =	vld [tilespmem:s24+$0x80];
	v8 =	vand.u32 $0x7FFFFFFF, v4;
	v6 =	vand.u32 $0x7FFFFFFF, v1;
	v24 =	vpop (erf);
	v32 =	vmul.f32 $1.442695020e+00, v9  }
0x3df: {  	v25 =	vsub.f32 $0.0e+00, v8;
	v9 =	vmul.f32 $1.442695020e+00, v27;
	v26 =	vpop (erf);
	v28 =	vmul.f32 $1.066924330e-01, v24  }
0x3e0: {  	v8 =	vand.u32 $0x7FFFFFFF, v5;
	v20 =	vsub.f32 $0.0e+00, v6;
	v29 =	vmul.f32 $1.066924330e-01, v26  }
0x3e1: {  	v30 =	vsub.f32 $0.0e+00, v8;
	(erf) = vpow2.f32 v9;
	v28 =	vadd.f32 $-3.935581740e-01, v28  }
0x3e2: {  	v25 =	vmul.f32 $1.442695020e+00, v25;
	(erf) = vpow2.f32 v17;
	v29 =	vadd.f32 $-3.935581740e-01, v29  }
0x3e3: {  	v8 =	vld [tilespmem:s24+$0xE0];
	v7 =	vand.u32 $0x7FFFFFFF, v3;
	(erf) = vpow2.f32 v19;
	v28 =	vmul.f32 v28, v24  }
0x3e4: {  	v23 =	vsub.f32 $0.0e+00, v7;
	v7 =	vld [tilespmem:s24+$0xA0];
	(erf) = vpow2.f32 v21;
	v29 =	vmul.f32 v29, v26  }
0x3e5: {  	v20 =	vmul.f32 $1.442695020e+00, v20;
	(erf) = vpow2.f32 v22;
	v9 =	vadd.f32 $9.797691700e-01, v28  }
0x3e6: {  	v23 =	vmul.f32 $1.442695020e+00, v23;
	(erf) = vpow2.f32 v12;
	v28 =	vadd.f32 $9.797691700e-01, v29  }
0x3e7: {  	v13 =	vmax.f32 v13, $0.0e+00;
	v6 =	vld [tilespmem:s24+$0xD0];
	(erf) = vpow2.f32 v20;
	v19 =	vmul.f32 v9, v24  }
0x3e8: {  	v1 =	vmax.f32 v1, $0.0e+00;
	(erf) = vpow2.f32 v32;
	v24 =	vmul.f32 v28, v26  }
0x3e9: {  	v17 =	vand.u32 $0x7FFFFFFF, v8;
	v27 =	vand.u32 $0x7FFFFFFF, v7;
	v20 =	vmax.f32 v14, $0.0e+00  }
0x3ea: {  	(erf) = vpow2.f32 v23;
	v19 =	vadd.f32 $9.223163360e-04, v19;
	v14 =	vpop (erf);
	v21 =	vadd.f32 $9.223163360e-04, v24  }
0x3eb: {  	v17 =	vsub.f32 $0.0e+00, v17;
	v27 =	vsub.f32 $0.0e+00, v27;
	(erf) = vpow2.f32 v25;
	v22 =	vpop (erf)  }
0x3ec: {  	v31 =	vand.u32 $0x7FFFFFFF, v6;
	v12 =	vadd.f32 v19, v10;
	v23 =	vpop (erf);
	v10 =	vadd.f32 v21, v11  }
0x3ed: {  	v31 =	vsub.f32 $0.0e+00, v31;
	v17 =	vmul.f32 $1.442695020e+00, v17;
	v9 =	vmax.f32 v18, $0.0e+00;
	v24 =	vpop (erf)  }
0x3ee: {  	v18 =	vmul.f32 $1.442695020e+00, v30;
	v19 =	vmul.f32 $1.442695020e+00, v27;
	v25 =	vpop (erf);
	v10 =	vadd.f32 v10, v12  }
0x3ef: {  	v5 =	vmax.f32 v5, $0.0e+00;
	v11 =	vmul.f32 $1.442695020e+00, v31;
	v21 =	vmul.f32 $1.066924330e-01, v14;
	v26 =	vpop (erf)  }
0x3f0: {  	v2 =	vmax.f32 v2, $0.0e+00;
	v27 =	vpop (erf);
	(erf) = vrcp.f32 v10;
	v10 =	vmul.f32 $1.066924330e-01, v22  }
0x3f1: {  	v3 =	vmax.f32 v3, $0.0e+00;
	v28 =	vmul.f32 $1.066924330e-01, v27;
	v29 =	vpop (erf);
	(erf) = vpow2.f32 v18  }
0x3f2: {  	v18 =	vadd.f32 $-3.935581740e-01, v21;
	v21 =	vmul.f32 $1.066924330e-01, v23;
	v30 =	vmul.f32 $1.066924330e-01, v29  }
0x3f3: {  	v31 =	vpop (erf);
	(erf) = vpow2.f32 v11;
	v10 =	vadd.f32 $-3.935581740e-01, v10;
	v11 =	vmul.f32 $1.066924330e-01, v24  }
0x3f4: {  	v28 =	vadd.f32 $-3.935581740e-01, v28;
	v44 =	vmul.f32 $1.066924330e-01, v31;
	v33 =	vpop (erf);
	(erf) = vpow2.f32 v19  }
0x3f5: {  	v19 =	vadd.f32 $-3.935581740e-01, v21;
	v21 =	vmul.f32 $1.066924330e-01, v25;
	v34 =	vmul.f32 $1.066924330e-01, v33  }
0x3f6: {  	v30 =	vadd.f32 $-3.935581740e-01, v30;
	(erf) = vpow2.f32 v17;
	v17 =	vmul.f32 v18, v14  }
0x3f7: {  	v11 =	vadd.f32 $-3.935581740e-01, v11;
	v18 =	vmul.f32 $1.066924330e-01, v26;
	v10 =	vmul.f32 v10, v22  }
0x3f8: {  	v32 =	vadd.f32 $-3.935581740e-01, v44;
	v28 =	vmul.f32 v28, v27;
	v21 =	vadd.f32 $-3.935581740e-01, v21  }
0x3f9: {  	v19 =	vmul.f32 v19, v23;
	v34 =	vadd.f32 $-3.935581740e-01, v34;
	v30 =	vmul.f32 v30, v29  }
0x3fa: {  	v18 =	vadd.f32 $-3.935581740e-01, v18;
	v11 =	vmul.f32 v11, v24;
	v17 =	vadd.f32 $9.797691700e-01, v17  }
0x3fb: {  	v32 =	vmul.f32 v32, v31;
	v10 =	vadd.f32 $9.797691700e-01, v10;
	v28 =	vadd.f32 $9.797691700e-01, v28  }
0x3fc: {  	v21 =	vmul.f32 v21, v25;
	v34 =	vmul.f32 v34, v33;
	v19 =	vadd.f32 $9.797691700e-01, v19  }
0x3fd: {  	v18 =	vmul.f32 v18, v26;
	v11 =	vadd.f32 $9.797691700e-01, v11;
	v14 =	vmul.f32 v17, v14  }
0x3fe: {  	v17 =	vadd.f32 $9.797691700e-01, v30;
	v30 =	vadd.f32 $9.797691700e-01, v32;
	v10 =	vmul.f32 v10, v22  }
0x3ff: {  	v35 =	vpop (erf);
	v21 =	vadd.f32 $9.797691700e-01, v21;
	v22 =	vadd.f32 $9.797691700e-01, v34;
	v19 =	vmul.f32 v19, v23  }
0x400: {  	v36 =	vpop (erf);
	v18 =	vadd.f32 $9.797691700e-01, v18;
	v11 =	vmul.f32 v11, v24;
	v14 =	vadd.f32 $9.223163360e-04, v14  }
0x401: {  	v10 =	vadd.f32 $9.223163360e-04, v10;
	v17 =	vmul.f32 v17, v29;
	v37 =	vmul.f32 $1.066924330e-01, v36  }
0x402: {  	v21 =	vmul.f32 v21, v25;
	v25 =	vmul.f32 v28, v27;
	v19 =	vadd.f32 $9.223163360e-04, v19  }
0x403: {  	v45 =	vpop (erf);
	v22 =	vmul.f32 v22, v33;
	v11 =	vadd.f32 $9.223163360e-04, v11;
	v17 =	vadd.f32 $9.223163360e-04, v17  }
0x404: {  	v39 =	vmul.f32 $1.066924330e-01, v45;
	v14 =	vadd.f32 v14, v9;
	v29 =	vadd.f32 v10, v0  }
0x405: {  	v18 =	vmul.f32 v18, v26;
	v37 =	vadd.f32 $-3.935581740e-01, v37;
	v21 =	vadd.f32 $9.223163360e-04, v21  }
0x406: {  	v26 =	vmul.f32 v30, v31;
	v25 =	vadd.f32 $9.223163360e-04, v25;
	v22 =	vadd.f32 $9.223163360e-04, v22  }
0x407: {  	v40 =	vpop (erf);
	v0 =	vmax.f32 v4, $0.0e+00;
	v10 =	vadd.f32 v19, v13;
	v39 =	vadd.f32 $-3.935581740e-01, v39  }
0x408: {  	v46 =	vmul.f32 $1.066924330e-01, v40;
	v47 =	vpop (erf);
	v18 =	vadd.f32 $9.223163360e-04, v18;
	v26 =	vadd.f32 $9.223163360e-04, v26  }
0x409: {  	v48 =	vmul.f32 $1.066924330e-01, v47;
	v4 =	vadd.f32 v11, v20;
	v2 =	vadd.f32 v17, v2  }
0x40a: {  	s25 =	simm.s32 $0xC300;
	v37 =	vmul.f32 v37, v36;
	v41 =	vadd.f32 $-3.935581740e-01, v46;
	v9 =	vadd.f32 v21, v15  }
0x40b: {  	v31 =	vld [tilespmem:s25+$0x90];
	v13 =	vadd.f32 v25, v1;
	v1 =	vmax.f32 v7, $0.0e+00;
	v7 =	vmax.f32 v8, $0.0e+00  }
0x40c: {  	v39 =	vmul.f32 v39, v45;
	v43 =	vadd.f32 $-3.935581740e-01, v48;
	v11 =	vadd.f32 v26, v3;
	v26 =	vld [tilespmem:s25+$0x80]  }
0x40d: {  	v8 =	vadd.f32 v29, v14;
	v41 =	vmul.f32 v41, v40;
	v49 =	vadd.f32 $9.797691700e-01, v37  }
0x40e: {  	v15 =	vadd.f32 v18, v16;
	v43 =	vmul.f32 v43, v47;
	v23 =	vadd.f32 $9.797691700e-01, v39  }
0x40f: {  	v30 =	vld [tilespmem:s25+$0xB0];
	v3 =	vadd.f32 v22, v0;
	v50 =	vadd.f32 $9.797691700e-01, v41;
	v27 =	vmul.f32 v49, v36  }
0x410: {  	v56 =	vand.u32 $0x7FFFFFFF, v31;
	v24 =	vadd.f32 $9.797691700e-01, v43;
	v23 =	vmul.f32 v23, v45  }
0x411: {  	v18 =	vld [tilespmem:s25+$0xF0];
	v28 =	vmul.f32 v50, v40;
	v27 =	vadd.f32 $9.223163360e-04, v27;
	v53 =	vand.u32 $0x7FFFFFFF, v26  }
0x412: {  	v40 =	vsub.f32 $0.0e+00, v56;
	v24 =	vmul.f32 v24, v47;
	v23 =	vadd.f32 $9.223163360e-04, v23  }
0x413: {  	v6 =	vmax.f32 v6, $0.0e+00;
	v37 =	vsub.f32 $0.0e+00, v53;
	v28 =	vadd.f32 $9.223163360e-04, v28  }
0x414: {  	v0 =	vadd.f32 v27, v5;
	v5 =	vand.u32 $0x7FFFFFFF, v30;
	v24 =	vadd.f32 $9.223163360e-04, v24  }
0x415: {  	v17 =	vld [tilespmem:s25+$0x40];
	v16 =	vadd.f32 v23, v6;
	v22 =	vsub.f32 $0.0e+00, v5  }
0x416: {  	v21 =	vld [tilespmem:s25+$0x50];
	v5 =	vand.u32 $0x7FFFFFFF, v18;
	v6 =	vadd.f32 v4, v10;
	v4 =	vadd.f32 v3, v11  }
0x417: {  	v12 =	vmul.f32 v35, v12;
	v25 =	vld [tilespmem:s25+$0x60];
	v19 =	vadd.f32 v24, v7;
	v24 =	vsub.f32 $0.0e+00, v5  }
0x418: {  	v36 =	vld [tilespmem:s25+$0xA0];
	v1 =	vadd.f32 v28, v1;
	v7 =	vadd.f32 v15, v9;
	v15 =	vmul.f32 $1.442695020e+00, v22  }
0x419: {  	v20 =	vld [tilespmem:s25+$0x10];
	v5 =	vadd.f32 v2, v13;
	v2 =	vadd.f32 v16, v0;
	v16 =	vmul.f32 $1.442695020e+00, v24  }
0x41a: {  	v27 =	vld [tilespmem:s25+$0xC0];
	v3 =	vadd.f32 v19, v1;
	v19 =	vand.u32 $0x7FFFFFFF, v17;
	(erf) = vpow2.f32 v15  }
0x41b: {  	v23 =	vld [tilespmem:s25+$0x20];
	(erf) = vpow2.f32 v16;
	v16 =	vsub.f32 $0.0e+00, v19;
	v19 =	vand.u32 $0x7FFFFFFF, v21  }
0x41c: {  	v29 =	vand.u32 $0x7FFFFFFF, v25;
	v25 =	vmax.f32 v25, $0.0e+00;
	v19 =	vsub.f32 $0.0e+00, v19  }
0x41d: {  	v40 =	vmul.f32 $1.442695020e+00, v40;
	v47 =	vand.u32 $0x7FFFFFFF, v36;
	v37 =	vmul.f32 $1.442695020e+00, v37;
	v22 =	vld [tilespmem:s25+$0x30]  }
0x41e: {  	v18 =	vmax.f32 v18, $0.0e+00;
	v34 =	vmax.f32 v36, $0.0e+00;
	v35 =	vmul.f32 $1.442695020e+00, v19;
	v19 =	vld [tilespmem:s25+$0x0]  }
0x41f: {  	v24 =	vld [tilespmem:s25+$0x70];
	v15 =	vmax.f32 v17, $0.0e+00;
	v17 =	vand.u32 $0x7FFFFFFF, v20;
	v54 =	vand.u32 $0x7FFFFFFF, v27  }
0x420: {  	v17 =	vsub.f32 $0.0e+00, v17;
	v28 =	vand.u32 $0x7FFFFFFF, v23;
	v38 =	vsub.f32 $0.0e+00, v54  }
0x421: {  	v47 =	vsub.f32 $0.0e+00, v47;
	v27 =	vmax.f32 v27, $0.0e+00;
	v28 =	vsub.f32 $0.0e+00, v28  }
0x422: {  	v51 =	vand.u32 $0x7FFFFFFF, v22;
	v52 =	vmul.f32 $1.442695020e+00, v17;
	v38 =	vmul.f32 $1.442695020e+00, v38  }
0x423: {  	v32 =	vmul.f32 $1.442695020e+00, v16;
	v16 =	vsub.f32 $0.0e+00, v29;
	v29 =	vld [tilespmem:s25+$0xD0];
	v58 =	vpop (erf);
	v61 =	vand.u32 $0x7FFFFFFF, v19  }
0x424: {  	v17 =	vand.u32 $0x7FFFFFFF, v24;
	v62 =	vmul.f32 $1.066924330e-01, v58;
	v60 =	vpop (erf);
	v44 =	vsub.f32 $0.0e+00, v61  }
0x425: {  	v33 =	vsub.f32 $0.0e+00, v51;
	v17 =	vsub.f32 $0.0e+00, v17;
	v46 =	vmul.f32 $1.066924330e-01, v60  }
0x426: {  	v55 =	vmul.f32 $1.442695020e+00, v16;
	v16 =	vld [tilespmem:s25+$0xE0];
	v45 =	vadd.f32 $-3.935581740e-01, v62;
	v44 =	vmul.f32 $1.442695020e+00, v44  }
0x427: {  	v28 =	vmul.f32 $1.442695020e+00, v28;
	v59 =	vmul.f32 $1.442695020e+00, v17;
	v46 =	vadd.f32 $-3.935581740e-01, v46  }
0x428: {  	v57 =	vand.u32 $0x7FFFFFFF, v29;
	v45 =	vmul.f32 v45, v58;
	(erf) = vpow2.f32 v44  }
0x429: {  	v17 =	vsub.f32 $0.0e+00, v57;
	v46 =	vmul.f32 v46, v60;
	(erf) = vpow2.f32 v32  }
0x42a: {  	v33 =	vmul.f32 $1.442695020e+00, v33;
	v63 =	vadd.f32 $9.797691700e-01, v45;
	(erf) = vpow2.f32 v52  }
0x42b: {  	v48 =	vand.u32 $0x7FFFFFFF, v16;
	v49 =	vmul.f32 $1.442695020e+00, v17;
	v50 =	vadd.f32 $9.797691700e-01, v46  }
0x42c: {  	v17 =	vmax.f32 v19, $0.0e+00;
	v52 =	vmul.f32 v63, v58;
	(erf) = vpow2.f32 v35  }
0x42d: {  	v19 =	vmax.f32 v20, $0.0e+00;
	(erf) = vpow2.f32 v28;
	v41 =	vmul.f32 v50, v60  }
0x42e: {  	v20 =	vmax.f32 v21, $0.0e+00;
	v21 =	vadd.f32 $9.223163360e-04, v52;
	(erf) = vpow2.f32 v55  }
0x42f: {  	v28 =	vmax.f32 v30, $0.0e+00;
	(erf) = vpow2.f32 v33;
	v54 =	vadd.f32 $9.223163360e-04, v41  }
0x430: {  	v48 =	vsub.f32 $0.0e+00, v48;
	v28 =	vadd.f32 v21, v28;
	(erf) = vpow2.f32 v59  }
0x431: {  	v21 =	vmax.f32 v22, $0.0e+00;
	v22 =	vmax.f32 v26, $0.0e+00;
	v18 =	vadd.f32 v54, v18;
	v26 =	vpop (erf)  }
0x432: {  	v51 =	vmul.f32 $1.442695020e+00, v47;
	v30 =	vmax.f32 v31, $0.0e+00;
	(erf) = vpow2.f32 v37;
	v31 =	vpop (erf)  }
0x433: {  	v53 =	vmul.f32 $1.442695020e+00, v48;
	(erf) = vpow2.f32 v38;
	v18 =	vadd.f32 v18, v28;
	v33 =	vpop (erf)  }
0x434: {  	v23 =	vmax.f32 v23, $0.0e+00;
	v55 =	vmul.f32 $1.066924330e-01, v31;
	v56 =	vmul.f32 $1.066924330e-01, v33  }
0x435: {  	v24 =	vmax.f32 v24, $0.0e+00;
	v36 =	vpop (erf);
	(erf) = vrcp.f32 v18;
	v18 =	vmul.f32 $1.066924330e-01, v26  }
0x436: {  	v38 =	vpop (erf);
	v57 =	vadd.f32 $-3.935581740e-01, v55;
	v58 =	vmul.f32 $1.066924330e-01, v36;
	(erf) = vpow2.f32 v40  }
0x437: {  	v39 =	vpop (erf);
	v37 =	vadd.f32 $-3.935581740e-01, v56;
	v59 =	vmul.f32 $1.066924330e-01, v38;
	(erf) = vpow2.f32 v49  }
0x438: {  	v18 =	vadd.f32 $-3.935581740e-01, v18;
	v41 =	vpop (erf);
	v60 =	vmul.f32 $1.066924330e-01, v39;
	v32 =	vmul.f32 v57, v31  }
0x439: {  	v35 =	vadd.f32 $-3.935581740e-01, v58;
	(erf) = vpow2.f32 v51;
	v61 =	vmul.f32 $1.066924330e-01, v41  }
0x43a: {  	v43 =	vpop (erf);
	v40 =	vadd.f32 $-3.935581740e-01, v59;
	v37 =	vmul.f32 v37, v33;
	(erf) = vpow2.f32 v53  }
0x43b: {  	v18 =	vmul.f32 v18, v26;
	v42 =	vadd.f32 $-3.935581740e-01, v60;
	v62 =	vmul.f32 $1.066924330e-01, v43  }
0x43c: {  	v45 =	vpop (erf);
	v35 =	vmul.f32 v35, v36;
	v32 =	vadd.f32 $9.797691700e-01, v32;
	v44 =	vadd.f32 $-3.935581740e-01, v61  }
0x43d: {  	v47 =	vpop (erf);
	v63 =	vmul.f32 $1.066924330e-01, v45;
	v40 =	vmul.f32 v40, v38;
	v37 =	vadd.f32 $9.797691700e-01, v37  }
0x43e: {  	(erf) = vrcp.f32 v8;
	v46 =	vadd.f32 $-3.935581740e-01, v62;
	v50 =	vmul.f32 $1.066924330e-01, v47  }
0x43f: {  	v42 =	vmul.f32 v42, v39;
	v18 =	vadd.f32 $9.797691700e-01, v18;
	v35 =	vadd.f32 $9.797691700e-01, v35  }
0x440: {  	v31 =	vmul.f32 v32, v31;
	(erf) = vrcp.f32 v6;
	v48 =	vadd.f32 $-3.935581740e-01, v63  }
0x441: {  	v44 =	vmul.f32 v44, v41;
	v40 =	vadd.f32 $9.797691700e-01, v40;
	v33 =	vmul.f32 v37, v33  }
0x442: {  	(erf) = vrcp.f32 v7;
	v50 =	vadd.f32 $-3.935581740e-01, v50;
	v46 =	vmul.f32 v46, v43  }
0x443: {  	v42 =	vadd.f32 $9.797691700e-01, v42;
	v18 =	vmul.f32 v18, v26;
	v35 =	vmul.f32 v35, v36  }
0x444: {  	v31 =	vadd.f32 $9.223163360e-04, v31;
	v48 =	vmul.f32 v48, v45;
	v44 =	vadd.f32 $9.797691700e-01, v44  }
0x445: {  	v49 =	vpop (erf);
	v61 =	vmul.f32 v40, v38;
	v33 =	vadd.f32 $9.223163360e-04, v33;
	v50 =	vmul.f32 v50, v47  }
0x446: {  	v51 =	vpop (erf);
	v26 =	vadd.f32 $9.797691700e-01, v46;
	v18 =	vadd.f32 $9.223163360e-04, v18;
	v39 =	vmul.f32 v42, v39  }
0x447: {  	v35 =	vadd.f32 $9.223163360e-04, v35;
	v15 =	vadd.f32 v31, v15;
	v52 =	vmul.f32 $1.066924330e-01, v51  }
0x448: {  	v53 =	vpop (erf);
	v46 =	vadd.f32 $9.797691700e-01, v48;
	v63 =	vmul.f32 v44, v41;
	v36 =	vadd.f32 $9.223163360e-04, v61  }
0x449: {  	v7 =	vadd.f32 v33, v19;
	(erf) = vrcp.f32 v5;
	v54 =	vmul.f32 $1.066924330e-01, v53;
	v55 =	vpop (erf)  }
0x44a: {  	v32 =	vadd.f32 $9.797691700e-01, v50;
	v26 =	vmul.f32 v26, v43;
	v56 =	vmul.f32 $1.066924330e-01, v55;
	v57 =	vpop (erf)  }
0x44b: {  	v39 =	vadd.f32 $9.223163360e-04, v39;
	v52 =	vadd.f32 $-3.935581740e-01, v52;
	v58 =	vmul.f32 $1.066924330e-01, v57  }
0x44c: {  	v46 =	vmul.f32 v46, v45;
	v54 =	vadd.f32 $-3.935581740e-01, v54;
	v56 =	vadd.f32 $-3.935581740e-01, v56  }
0x44d: {  	v40 =	vadd.f32 $9.223163360e-04, v63;
	v52 =	vmul.f32 v52, v51;
	v58 =	vadd.f32 $-3.935581740e-01, v58  }
0x44e: {  	v6 =	vadd.f32 v36, v23;
	v54 =	vmul.f32 v54, v53;
	v56 =	vmul.f32 v56, v55  }
0x44f: {  	v26 =	vadd.f32 $9.223163360e-04, v26;
	v52 =	vadd.f32 $9.797691700e-01, v52;
	v58 =	vmul.f32 v58, v57  }
0x450: {  	v32 =	vmul.f32 v32, v47;
	v59 =	vadd.f32 $9.797691700e-01, v54;
	v60 =	vadd.f32 $9.797691700e-01, v56  }
0x451: {  	v5 =	vadd.f32 v40, v21;
	v52 =	vmul.f32 v52, v51;
	v62 =	vadd.f32 $9.797691700e-01, v58  }
0x452: {  	v32 =	vadd.f32 $9.223163360e-04, v32;
	v37 =	vmul.f32 v59, v53;
	v54 =	vmul.f32 v60, v55  }
0x453: {  	v55 =	vadd.f32 $9.223163360e-04, v46;
	v56 =	vadd.f32 $9.223163360e-04, v52;
	v8 =	vmul.f32 v62, v57  }
0x454: {  	v29 =	vmax.f32 v29, $0.0e+00;
	v37 =	vadd.f32 $9.223163360e-04, v37;
	v57 =	vadd.f32 $9.223163360e-04, v54  }
0x455: {  	s26 =	simm.s32 $0xC400;
	v16 =	vmax.f32 v16, $0.0e+00;
	v58 =	vadd.f32 $9.223163360e-04, v8;
	v8 =	vadd.f32 v18, v17  }
0x456: {  	(erf) = vrcp.f32 v4;
	v17 =	vadd.f32 v35, v20;
	v20 =	vadd.f32 v39, v25;
	v39 =	vld [tilespmem:s26+$0xB0]  }
0x457: {  	(erf) = vrcp.f32 v2;
	v40 =	vld [tilespmem:s26+$0xF0];
	v2 =	vadd.f32 v55, v22;
	v4 =	vadd.f32 v56, v30  }
0x458: {  	v48 =	vld [tilespmem:s26+$0x0];
	(erf) = vrcp.f32 v3;
	v19 =	vpop (erf);
	v25 =	vadd.f32 v26, v24;
	v26 =	vadd.f32 v32, v27  }
0x459: {  	v19 =	vmul.f32 v19, v14;
	v27 =	vadd.f32 v37, v29;
	v3 =	vadd.f32 v57, v34  }
0x45a: {  	v31 =	vld [tilespmem:s26+$0x40];
	v18 =	vmul.f32 v49, v28;
	v16 =	vadd.f32 v58, v16;
	v30 =	vadd.f32 v15, v8  }
0x45b: {  	v14 =	vld [tilespmem:s26+$0x10];
	v23 =	vadd.f32 v17, v7;
	v24 =	vadd.f32 v20, v6;
	v17 =	vpop (erf);
	v15 =	vand.u32 $0x7FFFFFFF, v39  }
0x45c: {  	v20 =	vand.u32 $0x7FFFFFFF, v40;
	v21 =	vmul.f32 v17, v10;
	v17 =	vld [tilespmem:s26+$0x20];
	v15 =	vsub.f32 $0.0e+00, v15  }
0x45d: {  	v34 =	vld [tilespmem:s26+$0x50];
	v57 =	vand.u32 $0x7FFFFFFF, v48;
	v28 =	vadd.f32 v25, v5;
	v59 =	vsub.f32 $0.0e+00, v20;
	v10 =	vpop (erf)  }
0x45e: {  	v37 =	vld [tilespmem:s26+$0x60];
	v29 =	vadd.f32 v26, v2;
	v22 =	vmul.f32 v10, v9;
	v45 =	vpop (erf);
	v9 =	vmul.f32 $1.442695020e+00, v15  }
0x45f: {  	v25 =	vadd.f32 v27, v4;
	v20 =	vadd.f32 v16, v3;
	v10 =	vmul.f32 $1.442695020e+00, v59;
	v32 =	vpop (erf);
	v15 =	vld [tilespmem:s26+$0x30]  }
0x460: {  	[tilespmem:s24+$0xB0] =	vst v12;
	v42 =	vld [tilespmem:s26+$0xC0];
	v16 =	vand.u32 $0x7FFFFFFF, v31;
	v12 =	vmul.f32 v32, v11;
	(erf) = vpow2.f32 v9  }
0x461: {  	v38 =	vld [tilespmem:s26+$0x70];
	v9 =	vsub.f32 $0.0e+00, v16;
	v16 =	vand.u32 $0x7FFFFFFF, v14;
	v26 =	vand.u32 $0x7FFFFFFF, v17  }
0x462: {  	v43 =	vld [tilespmem:s26+$0x90];
	(erf) = vpow2.f32 v10;
	v10 =	vsub.f32 $0.0e+00, v16;
	v16 =	vand.u32 $0x7FFFFFFF, v34  }
0x463: {  	v41 =	vld [tilespmem:s26+$0x80];
	v27 =	vsub.f32 $0.0e+00, v26;
	v26 =	vand.u32 $0x7FFFFFFF, v37;
	v16 =	vsub.f32 $0.0e+00, v16  }
0x464: {  	v44 =	vld [tilespmem:s26+$0xD0];
	v33 =	vmul.f32 $1.442695020e+00, v9;
	v60 =	vsub.f32 $0.0e+00, v26;
	v9 =	vand.u32 $0x7FFFFFFF, v15  }
0x465: {  	v36 =	vmul.f32 $1.442695020e+00, v10;
	v49 =	vmul.f32 $1.442695020e+00, v27;
	v27 =	vand.u32 $0x7FFFFFFF, v42  }
0x466: {  	v26 =	vld [tilespmem:s26+$0xA0];
	v61 =	vsub.f32 $0.0e+00, v9;
	v9 =	vand.u32 $0x7FFFFFFF, v38;
	v16 =	vmul.f32 $1.442695020e+00, v16  }
0x467: {  	v51 =	vmul.f32 $1.442695020e+00, v60;
	v60 =	vsub.f32 $0.0e+00, v27;
	v27 =	vand.u32 $0x7FFFFFFF, v43  }
0x468: {  	v62 =	vsub.f32 $0.0e+00, v9;
	v9 =	vand.u32 $0x7FFFFFFF, v41;
	v52 =	vsub.f32 $0.0e+00, v27  }
0x469: {  	v27 =	vld [tilespmem:s26+$0xE0];
	v63 =	vsub.f32 $0.0e+00, v9;
	v46 =	vmul.f32 $1.442695020e+00, v61;
	v61 =	vand.u32 $0x7FFFFFFF, v44  }
0x46a: {  	v10 =	vpop (erf);
	v60 =	vmul.f32 $1.442695020e+00, v60;
	v47 =	vmul.f32 $1.442695020e+00, v62;
	v53 =	vsub.f32 $0.0e+00, v61  }
0x46b: {  	v55 =	vand.u32 $0x7FFFFFFF, v26;
	v62 =	vsub.f32 $0.0e+00, v57;
	v52 =	vmul.f32 $1.442695020e+00, v52;
	v9 =	vpop (erf)  }
0x46c: {  	v50 =	vmul.f32 $1.442695020e+00, v63;
	v55 =	vsub.f32 $0.0e+00, v55;
	v54 =	vpop (erf);
	v53 =	vmul.f32 $1.442695020e+00, v53  }
0x46d: {  	v35 =	vmul.f32 $1.442695020e+00, v62;
	v56 =	vpop (erf);
	v58 =	vmul.f32 $1.066924330e-01, v54  }
0x46e: {  	v62 =	vand.u32 $0x7FFFFFFF, v27;
	v55 =	vmul.f32 $1.442695020e+00, v55;
	v59 =	vmul.f32 $1.066924330e-01, v56  }
0x46f: {  	(erf) = vpow2.f32 v35;
	v35 =	vmax.f32 v48, $0.0e+00;
	v63 =	vadd.f32 $-3.935581740e-01, v58  }
0x470: {  	(erf) = vpow2.f32 v33;
	v33 =	vmax.f32 v14, $0.0e+00;
	v61 =	vadd.f32 $-3.935581740e-01, v59  }
0x471: {  	v59 =	vsub.f32 $0.0e+00, v62;
	(erf) = vpow2.f32 v36;
	v36 =	vmax.f32 v34, $0.0e+00  }
0x472: {  	v34 =	vmax.f32 v17, $0.0e+00;
	v57 =	vmul.f32 v63, v54;
	(erf) = vpow2.f32 v16  }
0x473: {  	v17 =	vmax.f32 v39, $0.0e+00;
	v58 =	vmul.f32 v61, v56;
	(erf) = vpow2.f32 v49  }
0x474: {  	v39 =	vmax.f32 v38, $0.0e+00;
	v57 =	vadd.f32 $9.797691700e-01, v57;
	(erf) = vpow2.f32 v51  }
0x475: {  	v48 =	vmul.f32 $1.442695020e+00, v59;
	v58 =	vadd.f32 $9.797691700e-01, v58;
	(erf) = vpow2.f32 v46  }
0x476: {  	v14 =	vmul.f32 v57, v54;
	v57 =	vmax.f32 v40, $0.0e+00;
	v40 =	vmax.f32 v37, $0.0e+00  }
0x477: {  	v37 =	vmax.f32 v15, $0.0e+00;
	(erf) = vpow2.f32 v47;
	v63 =	vmul.f32 v58, v56  }
0x478: {  	(erf) = vpow2.f32 v50;
	v50 =	vmul.f32 v45, v13;
	v14 =	vadd.f32 $9.223163360e-04, v14;
	v38 =	vpop (erf)  }
0x479: {  	(erf) = vpow2.f32 v60;
	v16 =	vadd.f32 $9.223163360e-04, v63;
	v58 =	vmul.f32 $1.066924330e-01, v38;
	v46 =	vpop (erf)  }
0x47a: {  	v49 =	vadd.f32 v14, v17;
	v59 =	vmul.f32 $1.066924330e-01, v46;
	v47 =	vpop (erf);
	v17 =	vmax.f32 v44, $0.0e+00  }
0x47b: {  	v14 =	vadd.f32 v16, v57;
	v16 =	vmax.f32 v42, $0.0e+00;
	v60 =	vmul.f32 $1.066924330e-01, v47;
	v44 =	vpop (erf)  }
0x47c: {  	v13 =	vadd.f32 $-3.935581740e-01, v58;
	v61 =	vmul.f32 $1.066924330e-01, v44;
	v45 =	vpop (erf);
	v42 =	vadd.f32 $-3.935581740e-01, v59  }
0x47d: {  	v15 =	vadd.f32 v14, v49;
	v14 =	vmax.f32 v41, $0.0e+00;
	v62 =	vmul.f32 $1.066924330e-01, v45  }
0x47e: {  	v13 =	vmul.f32 v13, v38;
	v41 =	vadd.f32 $-3.935581740e-01, v61;
	v42 =	vmul.f32 v42, v46  }
0x47f: {  	(erf) = vrcp.f32 v15;
	v15 =	vmax.f32 v43, $0.0e+00;
	v43 =	vadd.f32 $-3.935581740e-01, v60  }
0x480: {  	v51 =	vadd.f32 $-3.935581740e-01, v62;
	(erf) = vpow2.f32 v52;
	v52 =	vpop (erf);
	v41 =	vmul.f32 v41, v44  }
0x481: {  	v13 =	vadd.f32 $9.797691700e-01, v13;
	(erf) = vpow2.f32 v53;
	v63 =	vmul.f32 $1.066924330e-01, v52  }
0x482: {  	v42 =	vadd.f32 $9.797691700e-01, v42;
	v43 =	vmul.f32 v43, v47;
	v51 =	vmul.f32 v51, v45  }
0x483: {  	v31 =	vmax.f32 v31, $0.0e+00;
	v53 =	vpop (erf);
	v13 =	vmul.f32 v13, v38;
	(erf) = vpow2.f32 v55  }
0x484: {  	v26 =	vmax.f32 v26, $0.0e+00;
	v60 =	vmul.f32 $1.066924330e-01, v53;
	v42 =	vmul.f32 v42, v46  }
0x485: {  	v55 =	vpop (erf);
	v41 =	vadd.f32 $9.797691700e-01, v41;
	(erf) = vpow2.f32 v48;
	v48 =	vadd.f32 $-3.935581740e-01, v63  }
0x486: {  	v61 =	vmul.f32 $1.066924330e-01, v55;
	v57 =	vpop (erf);
	v43 =	vadd.f32 $9.797691700e-01, v43;
	v51 =	vadd.f32 $9.797691700e-01, v51  }
0x487: {  	v54 =	vadd.f32 $-3.935581740e-01, v60;
	v58 =	vmul.f32 $1.066924330e-01, v57;
	v59 =	vpop (erf);
	v41 =	vmul.f32 v41, v44  }
0x488: {  	(erf) = vrcp.f32 v30;
	v56 =	vadd.f32 $-3.935581740e-01, v61;
	v60 =	vmul.f32 $1.066924330e-01, v59  }
0x489: {  	v48 =	vmul.f32 v48, v52;
	v43 =	vmul.f32 v43, v47;
	v58 =	vadd.f32 $-3.935581740e-01, v58  }
0x48a: {  	v45 =	vmul.f32 v51, v45;
	v54 =	vmul.f32 v54, v53;
	v60 =	vadd.f32 $-3.935581740e-01, v60  }
0x48b: {  	v56 =	vmul.f32 v56, v55;
	v48 =	vadd.f32 $9.797691700e-01, v48;
	v61 =	vpop (erf);
	v58 =	vmul.f32 v58, v57  }
0x48c: {  	v54 =	vadd.f32 $9.797691700e-01, v54;
	v49 =	vmul.f32 v61, v49;
	v61 =	vpop (erf);
	v60 =	vmul.f32 v60, v59  }
0x48d: {  	v48 =	vmul.f32 v48, v52;
	v56 =	vadd.f32 $9.797691700e-01, v56;
	v62 =	vmul.f32 $1.066924330e-01, v61  }
0x48e: {  	v46 =	vpop (erf);
	v53 =	vmul.f32 v54, v53;
	v58 =	vadd.f32 $9.797691700e-01, v58;
	v60 =	vadd.f32 $9.797691700e-01, v60  }
0x48f: {  	v63 =	vmul.f32 $1.066924330e-01, v46;
	v44 =	vpop (erf);
	v48 =	vadd.f32 $9.223163360e-04, v48;
	v38 =	vadd.f32 $-3.935581740e-01, v62  }
0x490: {  	v51 =	vmul.f32 $1.066924330e-01, v44;
	v62 =	vadd.f32 $9.223163360e-04, v13;
	v13 =	vmul.f32 v56, v55  }
0x491: {  	v52 =	vpop (erf);
	v55 =	vadd.f32 $9.223163360e-04, v43;
	v56 =	vadd.f32 $9.223163360e-04, v41;
	(erf) = vrcp.f32 v23  }
0x492: {  	v47 =	vadd.f32 $-3.935581740e-01, v63;
	v54 =	vmul.f32 $1.066924330e-01, v52;
	v63 =	vadd.f32 $9.223163360e-04, v42  }
0x493: {  	v42 =	vmul.f32 v58, v57;
	v43 =	vmul.f32 v60, v59;
	v58 =	vadd.f32 $9.223163360e-04, v45  }
0x494: {  	[tilespmem:s24+$0x0] =	vst v19;
	v60 =	vadd.f32 $9.223163360e-04, v53;
	(erf) = vrcp.f32 v24;
	v19 =	vadd.f32 v48, v40  }
0x495: {  	v51 =	vadd.f32 $-3.935581740e-01, v51;
	(erf) = vrcp.f32 v28;
	v28 =	vadd.f32 v62, v35  }
0x496: {  	[tilespmem:s24+$0x10] =	vst v21;
	v38 =	vmul.f32 v38, v61;
	v21 =	vadd.f32 v56, v36;
	v54 =	vadd.f32 $-3.935581740e-01, v54  }
0x497: {  	[tilespmem:s25+$0xB0] =	vst v18;
	v47 =	vmul.f32 v47, v46;
	v45 =	vadd.f32 $9.223163360e-04, v43;
	v18 =	vadd.f32 v63, v31  }
0x498: {  	(erf) = vrcp.f32 v29;
	v29 =	vadd.f32 v58, v34;
	v51 =	vmul.f32 v51, v44  }
0x499: {  	v24 =	vadd.f32 v60, v37;
	v38 =	vadd.f32 $9.797691700e-01, v38;
	v54 =	vmul.f32 v54, v52  }
0x49a: {  	(erf) = vrcp.f32 v25;
	v47 =	vadd.f32 $9.797691700e-01, v47;
	v51 =	vadd.f32 $9.797691700e-01, v51  }
0x49b: {  	v38 =	vmul.f32 v38, v61;
	v61 =	vadd.f32 $9.223163360e-04, v13;
	v54 =	vadd.f32 $9.797691700e-01, v54  }
0x49c: {  	v41 =	vmul.f32 v47, v46;
	v57 =	vmul.f32 v51, v44;
	v44 =	vadd.f32 $9.223163360e-04, v42  }
0x49d: {  	[tilespmem:s24+$0x20] =	vst v22;
	v43 =	vadd.f32 $9.223163360e-04, v38;
	v38 =	vadd.f32 v55, v33;
	v59 =	vmul.f32 v54, v52  }
0x49e: {  	[tilespmem:s24+$0x30] =	vst v50;
	(erf) = vrcp.f32 v20;
	v22 =	vadd.f32 v61, v39;
	v42 =	vadd.f32 $9.223163360e-04, v41  }
0x49f: {  	s28 =	simm.s32 $0x184;
	s29 =	simm.s32 $0xC500;
	v27 =	vmax.f32 v27, $0.0e+00;
	[tilespmem:s26+$0xB0] =	vst v49;
	v41 =	vadd.f32 $9.223163360e-04, v57;
	v13 =	vadd.f32 $9.223163360e-04, v59  }
.LBB2_8:
0x4a0: {  	v35 =	vld [tilespmem:s29+$0xB0];
	v11 =	vadd.f32 v44, v14;
	v14 =	vadd.f32 v45, v16;
	v25 =	vmul.f32 v10, v0;
	v0 =	vmovc v4  }
0x4a1: {  	s28 =	sadd.s32 $0x2, s28;
	v4 =	vadd.f32 v43, v15;
	v15 =	vadd.f32 v42, v17;
	v1 =	vmul.f32 v9, v1;
	v37 =	vld [tilespmem:s29+$0xF0];
	v16 =	vpop (erf);
	[tilespmem:s24+$0x80] =	vst v12  }
0x4a2: {  	v17 =	vadd.f32 v41, v26;
	v23 =	vadd.f32 v13, v27;
	p0 =	slt.u32 s28, $0x1FE;
	v9 =	vld [tilespmem:s29+$0x40];
	v8 =	vmul.f32 v16, v8;
	v12 =	vpop (erf);
	[tilespmem:s24+$0x90] =	vst v25  }
0x4a3: {  	v20 =	vadd.f32 v18, v28;
	v13 =	vadd.f32 v21, v38;
	v16 =	vld [tilespmem:s29+$0x10];
	v7 =	vmul.f32 v12, v7;
	v10 =	vpop (erf);
	[tilespmem:s24+$0xA0] =	vst v1;
	s24 =	smov.u32 s25;
	s25 =	smov.u32 s26;
	s26 =	smov.u32 s29  }
0x4a4: {  	v21 =	vadd.f32 v19, v29;
	v18 =	vadd.f32 v22, v24;
	v26 =	vld [tilespmem:s29+$0x50];
	[tilespmem:s24+$0x0] =	vst v8;
	v1 =	vmul.f32 v10, v6;
	v36 =	vpop (erf)  }
0x4a5: {  	v22 =	vadd.f32 v14, v11;
	v19 =	vadd.f32 v15, v4;
	v27 =	vld [tilespmem:s29+$0x20];
	v6 =	vand.u32 $0x7FFFFFFF, v35;
	[tilespmem:s24+$0x10] =	vst v7;
	v12 =	vpop (erf)  }
0x4a6: {  	v23 =	vadd.f32 v23, v17;
	v14 =	vld [tilespmem:s29+$0x60];
	v6 =	vsub.f32 $0.0e+00, v6;
	v7 =	vand.u32 $0x7FFFFFFF, v37;
	[tilespmem:s24+$0x20] =	vst v1;
	v10 =	vpop (erf)  }
0x4a7: {  	v31 =	vand.u32 $0x7FFFFFFF, v9;
	v25 =	vmax.f32 v9, $0.0e+00;
	v15 =	vld [tilespmem:s29+$0x30];
	v40 =	vsub.f32 $0.0e+00, v7;
	v9 =	vpop (erf)  }
0x4a8: {  	v30 =	vsub.f32 $0.0e+00, v31;
	v33 =	vand.u32 $0x7FFFFFFF, v16;
	v34 =	vld [tilespmem:s29+$0x70];
	v41 =	vmul.f32 $1.442695020e+00, v6;
	v1 =	vmovc v3;
	v3 =	vmovc v17  }
0x4a9: {  	v8 =	vmovc v28;
	v17 =	vsub.f32 $0.0e+00, v33;
	v31 =	vand.u32 $0x7FFFFFFF, v26;
	v39 =	vld [tilespmem:s29+$0x80];
	v32 =	vmul.f32 $1.442695020e+00, v40;
	v7 =	vmovc v38  }
0x4aa: {  	v28 =	vsub.f32 $0.0e+00, v31;
	v31 =	vand.u32 $0x7FFFFFFF, v27;
	v38 =	vld [tilespmem:s29+$0xC0];
	(erf) = vpow2.f32 v41;
	v6 =	vmovc v29  }
0x4ab: {  	v29 =	vsub.f32 $0.0e+00, v31;
	v31 =	vand.u32 $0x7FFFFFFF, v14;
	v40 =	vld [tilespmem:s29+$0x90];
	(erf) = vpow2.f32 v32  }
0x4ac: {  	v33 =	vmul.f32 $1.442695020e+00, v30;
	v30 =	vsub.f32 $0.0e+00, v31;
	v31 =	vand.u32 $0x7FFFFFFF, v15;
	v41 =	vld [tilespmem:s29+$0xD0]  }
0x4ad: {  	v17 =	vmul.f32 $1.442695020e+00, v17;
	v31 =	vsub.f32 $0.0e+00, v31;
	v32 =	vand.u32 $0x7FFFFFFF, v34;
	v42 =	vld [tilespmem:s29+$0xA0]  }
0x4ae: {  	v43 =	vmul.f32 $1.442695020e+00, v28;
	v28 =	vsub.f32 $0.0e+00, v32;
	v32 =	vand.u32 $0x7FFFFFFF, v39;
	v44 =	vld [tilespmem:s29+$0xE0]  }
0x4af: {  	v46 =	vmul.f32 $1.442695020e+00, v29;
	v45 =	vld [tilespmem:s29+$0x0];
	v29 =	vsub.f32 $0.0e+00, v32;
	v32 =	vand.u32 $0x7FFFFFFF, v38  }
0x4b0: {  	v47 =	vmul.f32 $1.442695020e+00, v30;
	v30 =	vsub.f32 $0.0e+00, v32;
	v32 =	vand.u32 $0x7FFFFFFF, v40  }
0x4b1: {  	v48 =	vmul.f32 $1.442695020e+00, v31;
	v31 =	vsub.f32 $0.0e+00, v32;
	v32 =	vand.u32 $0x7FFFFFFF, v41  }
0x4b2: {  	v49 =	vmul.f32 $1.442695020e+00, v28;
	v32 =	vsub.f32 $0.0e+00, v32;
	v28 =	vand.u32 $0x7FFFFFFF, v42  }
0x4b3: {  	v50 =	vmul.f32 $1.442695020e+00, v29;
	v51 =	vsub.f32 $0.0e+00, v28;
	v28 =	vand.u32 $0x7FFFFFFF, v44;
	v52 =	vpop (erf)  }
0x4b4: {  	v53 =	vmul.f32 $1.442695020e+00, v30;
	v29 =	vand.u32 $0x7FFFFFFF, v45;
	v30 =	vsub.f32 $0.0e+00, v28;
	v54 =	vpop (erf)  }
0x4b5: {  	v55 =	vmul.f32 $1.066924330e-01, v52;
	v29 =	vsub.f32 $0.0e+00, v29;
	v56 =	vmul.f32 $1.066924330e-01, v54  }
0x4b6: {  	v28 =	vmax.f32 v45, $0.0e+00;
	v45 =	vmul.f32 $1.442695020e+00, v31;
	v57 =	vmul.f32 $1.442695020e+00, v32  }
0x4b7: {  	v31 =	vadd.f32 $-3.935581740e-01, v55;
	v58 =	vmul.f32 $1.442695020e+00, v29;
	v32 =	vadd.f32 $-3.935581740e-01, v56  }
0x4b8: {  	v51 =	vmul.f32 $1.442695020e+00, v51;
	v55 =	vmul.f32 $1.442695020e+00, v30;
	v29 =	vmax.f32 v16, $0.0e+00  }
0x4b9: {  	v30 =	vmax.f32 v26, $0.0e+00;
	v16 =	vmul.f32 v31, v52;
	v26 =	vmul.f32 v32, v54  }
0x4ba: {  	v31 =	vmax.f32 v27, $0.0e+00;
	v32 =	vmax.f32 v14, $0.0e+00;
	(erf) = vpow2.f32 v58  }
0x4bb: {  	v16 =	vadd.f32 $9.797691700e-01, v16;
	v26 =	vadd.f32 $9.797691700e-01, v26;
	(erf) = vpow2.f32 v33  }
0x4bc: {  	v34 =	vmax.f32 v34, $0.0e+00;
	v33 =	vmax.f32 v15, $0.0e+00;
	(erf) = vpow2.f32 v17  }
0x4bd: {  	v14 =	vmax.f32 v39, $0.0e+00;
	v17 =	vmul.f32 v16, v52;
	v26 =	vmul.f32 v26, v54  }
0x4be: {  	v15 =	vmax.f32 v40, $0.0e+00;
	v16 =	vmax.f32 v38, $0.0e+00;
	(erf) = vpow2.f32 v43  }
0x4bf: {  	v17 =	vadd.f32 $9.223163360e-04, v17;
	v26 =	vadd.f32 $9.223163360e-04, v26;
	(erf) = vpow2.f32 v46  }
0x4c0: {  	v27 =	vmax.f32 v35, $0.0e+00;
	v35 =	vmax.f32 v37, $0.0e+00;
	(erf) = vpow2.f32 v47  }
0x4c1: {  	v37 =	vadd.f32 v17, v27;
	v35 =	vadd.f32 v26, v35;
	(erf) = vpow2.f32 v48  }
0x4c2: {  	v17 =	vmax.f32 v41, $0.0e+00;
	v26 =	vmax.f32 v42, $0.0e+00;
	(erf) = vpow2.f32 v49  }
0x4c3: {  	v27 =	vmax.f32 v44, $0.0e+00;
	v35 =	vadd.f32 v35, v37;
	v38 =	vpop (erf);
	(erf) = vpow2.f32 v50  }
0x4c4: {  	v39 =	vmul.f32 $1.066924330e-01, v38;
	v40 =	vpop (erf);
	(erf) = vpow2.f32 v53  }
0x4c5: {  	v41 =	vmul.f32 $1.066924330e-01, v40;
	v42 =	vpop (erf);
	(erf) = vrcp.f32 v35  }
0x4c6: {  	v35 =	vadd.f32 $-3.935581740e-01, v39;
	v39 =	vmul.f32 $1.066924330e-01, v42;
	(erf) = vpow2.f32 v45  }
0x4c7: {  	v48 =	vmul.f32 v36, v5;
	v41 =	vadd.f32 $-3.935581740e-01, v41;
	v43 =	vpop (erf);
	(erf) = vpow2.f32 v57  }
0x4c8: {  	v36 =	vadd.f32 $-3.935581740e-01, v39;
	v39 =	vmul.f32 $1.066924330e-01, v43;
	v44 =	vpop (erf);
	(erf) = vpow2.f32 v51  }
0x4c9: {  	v5 =	vmov v24;
	v45 =	vmul.f32 $1.066924330e-01, v44;
	v46 =	vpop (erf);
	(erf) = vpow2.f32 v55;
	[tilespmem:s24+$0x30] =	vst v48  }
0x4ca: {  	v24 =	vmul.f32 v35, v38;
	v35 =	vadd.f32 $-3.935581740e-01, v39;
	v39 =	vmul.f32 $1.066924330e-01, v46;
	v47 =	vpop (erf)  }
0x4cb: {  	v41 =	vmul.f32 v41, v40;
	v45 =	vadd.f32 $-3.935581740e-01, v45;
	v48 =	vmul.f32 $1.066924330e-01, v47;
	v49 =	vpop (erf)  }
0x4cc: {  	v36 =	vmul.f32 v36, v42;
	v39 =	vadd.f32 $-3.935581740e-01, v39;
	v50 =	vmul.f32 $1.066924330e-01, v49;
	v51 =	vpop (erf)  }
0x4cd: {  	v35 =	vmul.f32 v35, v43;
	v48 =	vadd.f32 $-3.935581740e-01, v48;
	v52 =	vmul.f32 $1.066924330e-01, v51;
	v53 =	vpop (erf)  }
0x4ce: {  	v45 =	vmul.f32 v45, v44;
	v50 =	vadd.f32 $-3.935581740e-01, v50;
	v54 =	vmul.f32 $1.066924330e-01, v53;
	v55 =	vpop (erf)  }
0x4cf: {  	v39 =	vmul.f32 v39, v46;
	v52 =	vadd.f32 $-3.935581740e-01, v52;
	v59 =	vmul.f32 v55, v37;
	v55 =	vpop (erf)  }
0x4d0: {  	v48 =	vmul.f32 v48, v47;
	v54 =	vadd.f32 $-3.935581740e-01, v54;
	v56 =	vmul.f32 $1.066924330e-01, v55;
	v57 =	vpop (erf)  }
0x4d1: {  	v24 =	vadd.f32 $9.797691700e-01, v24;
	v50 =	vmul.f32 v50, v49;
	v58 =	vmul.f32 $1.066924330e-01, v57;
	[tilespmem:s29+$0xB0] =	vst v59;
	v37 =	vpop (erf)  }
0x4d2: {  	v52 =	vmul.f32 v52, v51;
	v56 =	vadd.f32 $-3.935581740e-01, v56;
	v59 =	vmul.f32 $1.066924330e-01, v37;
	v60 =	vpop (erf)  }
0x4d3: {  	v54 =	vmul.f32 v54, v53;
	v58 =	vadd.f32 $-3.935581740e-01, v58;
	v61 =	vmul.f32 $1.066924330e-01, v60  }
0x4d4: {  	v41 =	vadd.f32 $9.797691700e-01, v41;
	v56 =	vmul.f32 v56, v55;
	v59 =	vadd.f32 $-3.935581740e-01, v59  }
0x4d5: {  	v36 =	vadd.f32 $9.797691700e-01, v36;
	v58 =	vmul.f32 v58, v57;
	v61 =	vadd.f32 $-3.935581740e-01, v61  }
0x4d6: {  	v35 =	vadd.f32 $9.797691700e-01, v35;
	v45 =	vadd.f32 $9.797691700e-01, v45;
	v59 =	vmul.f32 v59, v37  }
0x4d7: {  	v39 =	vadd.f32 $9.797691700e-01, v39;
	v48 =	vadd.f32 $9.797691700e-01, v48;
	v61 =	vmul.f32 v61, v60  }
0x4d8: {  	v24 =	vmul.f32 v24, v38;
	v38 =	vadd.f32 $9.797691700e-01, v50;
	v50 =	vadd.f32 $9.797691700e-01, v52  }
0x4d9: {  	v40 =	vmul.f32 v41, v40;
	v41 =	vadd.f32 $9.797691700e-01, v54;
	v52 =	vadd.f32 $9.797691700e-01, v56  }
0x4da: {  	v36 =	vmul.f32 v36, v42;
	v42 =	vadd.f32 $9.797691700e-01, v58;
	v54 =	vadd.f32 $9.797691700e-01, v59  }
0x4db: {  	v35 =	vmul.f32 v35, v43;
	v43 =	vmul.f32 v45, v44;
	v44 =	vadd.f32 $9.797691700e-01, v61  }
0x4dc: {  	v24 =	vadd.f32 $9.223163360e-04, v24;
	v39 =	vmul.f32 v39, v46;
	v45 =	vmul.f32 v48, v47  }
0x4dd: {  	v40 =	vadd.f32 $9.223163360e-04, v40;
	v38 =	vmul.f32 v38, v49;
	v46 =	vmul.f32 v50, v51  }
0x4de: {  	v36 =	vadd.f32 $9.223163360e-04, v36;
	v41 =	vmul.f32 v41, v53;
	v47 =	vmul.f32 v52, v55  }
0x4df: {  	v35 =	vadd.f32 $9.223163360e-04, v35;
	v42 =	vmul.f32 v42, v57;
	v37 =	vmul.f32 v54, v37  }
0x4e0: {  	v48 =	vadd.f32 $9.223163360e-04, v43;
	v39 =	vadd.f32 $9.223163360e-04, v39;
	v49 =	vmul.f32 v44, v60  }
0x4e1: {  	v50 =	vadd.f32 $9.223163360e-04, v45;
	v51 =	vadd.f32 $9.223163360e-04, v38;
	(erf) = vrcp.f32 v20  }
0x4e2: {  	v45 =	vadd.f32 $9.223163360e-04, v41;
	v44 =	vadd.f32 $9.223163360e-04, v46;
	(erf) = vrcp.f32 v13  }
0x4e3: {  	v43 =	vadd.f32 $9.223163360e-04, v47;
	v42 =	vadd.f32 $9.223163360e-04, v42;
	(erf) = vrcp.f32 v21  }
.Ltmp3:
0x4e4: {  	v41 =	vadd.f32 $9.223163360e-04, v37;
	v13 =	vadd.f32 $9.223163360e-04, v49;
	(erf) = vrcp.f32 v18;
	(pc) =	sbr.rel @p0 .LBB2_8-.Ltmp3, $4  }
0x4e5: {  	v28 =	vadd.f32 v24, v28;
	v18 =	vadd.f32 v40, v25;
	(erf) = vrcp.f32 v22  }
0x4e6: {  	v38 =	vadd.f32 v36, v29;
	v21 =	vadd.f32 v35, v30;
	(erf) = vrcp.f32 v19  }
0x4e7: {  	v29 =	vadd.f32 v48, v31;
	v19 =	vadd.f32 v39, v32;
	(erf) = vrcp.f32 v23  }
0x4e8: {  	v12 =	vmul.f32 v12, v2;
	v2 =	vmovc v11;
	s29 =	sadd.s32 $0x100, s29;
	v24 =	vadd.f32 v50, v33;
	v22 =	vadd.f32 v51, v34  }
0x4e9: {  	v11 =	vadd.f32 v44, v14;
	v33 =	vadd.f32 v45, v16  }
0x4ea: {  	v15 =	vadd.f32 v43, v15;
	v34 =	vadd.f32 v18, v28  }
0x4eb: {  	v0 =	vmul.f32 v10, v0;
	v35 =	vadd.f32 v42, v17;
	v36 =	vadd.f32 v21, v38  }
0x4ec: {  	v1 =	vmul.f32 v9, v1;
	v37 =	vadd.f32 v19, v29;
	(erf) = vrcp.f32 v34  }
0x4ed: {  	v39 =	vadd.f32 v41, v26;
	v40 =	vadd.f32 v22, v24;
	(erf) = vrcp.f32 v36  }
0x4ee: {  	v42 =	vadd.f32 v13, v27;
	v41 =	vpop (erf);
	[tilespmem:s24+$0x80] =	vst v12;
	v43 =	vadd.f32 v33, v11;
	(erf) = vrcp.f32 v37  }
0x4ef: {  	v8 =	vmul.f32 v41, v8;
	v44 =	vpop (erf);
	[tilespmem:s24+$0x90] =	vst v0;
	v45 =	vadd.f32 v35, v15;
	(erf) = vrcp.f32 v40  }
0x4f0: {  	[tilespmem:s24+$0xA0] =	vst v1;
	v47 =	vadd.f32 v42, v39;
	v7 =	vmul.f32 v44, v7;
	v46 =	vpop (erf);
	(erf) = vrcp.f32 v43  }
0x4f1: {  	[tilespmem:s25+$0x0] =	vst v8;
	v6 =	vmul.f32 v46, v6;
	v48 =	vpop (erf);
	(erf) = vrcp.f32 v45  }
0x4f2: {  	[tilespmem:s25+$0x10] =	vst v7;
	v49 =	vpop (erf);
	v5 =	vmul.f32 v48, v5;
	(erf) = vrcp.f32 v47  }
0x4f3: {  	v50 =	vpop (erf);
	[tilespmem:s25+$0x20] =	vst v6;
	v0 =	vmul.f32 v49, v2  }
0x4f4: {  	v51 =	vpop (erf);
	[tilespmem:s25+$0x30] =	vst v5;
	v1 =	vmul.f32 v50, v4  }
0x4f5: {  	[tilespmem:s25+$0x80] =	vst v0;
	v53 =	vmul.f32 v51, v3;
	v52 =	vpop (erf)  }
0x4f6: {  	[tilespmem:s25+$0x90] =	vst v1;
	v54 =	vmul.f32 v52, v28;
	v55 =	vpop (erf)  }
0x4f7: {  	[tilespmem:s25+$0xA0] =	vst v53;
	v56 =	vmul.f32 v55, v38;
	v57 =	vpop (erf)  }
0x4f8: {  	[tilespmem:s26+$0x0] =	vst v54;
	v58 =	vmul.f32 v57, v29;
	v59 =	vpop (erf)  }
0x4f9: {  	[tilespmem:s26+$0x10] =	vst v56;
	v60 =	vpop (erf);
	v2 =	vmul.f32 v59, v24  }
0x4fa: {  	[tilespmem:s26+$0x20] =	vst v58;
	v61 =	vpop (erf);
	v1 =	vmul.f32 v60, v11  }
0x4fb: {  	v62 =	vpop (erf);
	[tilespmem:s26+$0x30] =	vst v2;
	v0 =	vmul.f32 v61, v15  }
0x4fc: {  	[tilespmem:s26+$0x80] =	vst v1;
	v63 =	vmul.f32 v62, v39  }
0x4fd: {  	[tilespmem:s26+$0x90] =	vst v0  }
0x4fe: {  	[tilespmem:s26+$0xA0] =	vst v63  }
0x4ff: {  	[hbm4b:s8+s2] =	stream.linear.scatter [tilespmem:s17], [sflag:$0x5], $0x4000, $0x38;
	[tilespmem:$0x10200] =	vst v63  }
0x500: {  	_ =	swait.ge [sflag:s22], $0x4000  }
0x501: {  	[sflag:s22] =	ssyncset.done $0x0  }
0x502: {  	[sflag:s22] =	ssyncadd.s32 $0xFFFFC000  }
0x503: {  	_ =	swait.ge [sflag:s22], $0x4000  }
0x504: {  	[sflag:s22] =	ssyncset.done $0x0  }
0x505: {  	s23 =	sadd.s32 $0x1, s23;
	[sflag:s22] =	ssyncadd.s32 $0xFFFFC000  }
0x506: {  	p0 =	sne.s32 s23, s9;
	_ =	swait.ge [sflag:s22], $0x4000  }
.Ltmp4:
0x507: {  	[sflag:s22] =	ssyncset.done $0x0;
	(pc) =	sbr.rel @p0 .LBB2_1-.Ltmp4, $4  }
0x508: {  	[sflag:s22] =	ssyncadd.s32 $0xFFFFC000  }
0x509: {  	_ =	swait.ge [sflag:s22], $0x4000  }
0x50a: {  	[sflag:s22] =	ssyncset.done $0x0  }
0x50b: {  	[sflag:s22] =	ssyncadd.s32 $0xFFFFC000  }
0x50c: {  	_ =	sfence.sel $0x180000  }
0x50d: {  	[bflag:$0x0] =	sbarrier.arrive $0xFFFF  }
0x50e: {  	p0 =	sne.s32 s1, $0x0;
	_ =	strace $0x90000047  }
0x50f: {  	s0 =	sadd.s32 @!p0 $0x100000, s0;
	[bflag:$0x2] =	sbarrier.arrive $0xFFFF  }
0x510: {  	[sflag:s0] =	ssyncadd.tile.s32 @!p0 $0x1;
	_ =	shalt  }
.Lfunc_end2:
_tile_overlayer_lowered:
.L_overlay_start_2:
0x511: {  	(tag) =	ssettag $0x2  }
0x512: {  	s0 =	rddreg [dreg:$0x0];
	s2 =	stileid.u32  }
0x513: {  	s1 =	rddreg [dreg:$0x1];
	p0 =	sne.s32 s2, $0x0  }
0x514: {  	s3 =	rddreg [dreg:$0x2];
	[bflag:$0x3] =	sbarrier.arrive $0xFFFF;
	s2 =	simm.s32 @!p0 $0x1C06  }
0x515: {  	[timem:s3], [sflag:s2] =	dma.local @!p0 [hbm:s0], s1  }
0x516: {  	s0 =	simm.s32 @!p0 $0x6  }
0x517: {  	_ =	swait.ge @!p0 [sflag:s0], s1  }
0x518: {  	s1 =	ssub.s32 @!p0 $0x0, s1;
	[sflag:s0] =	ssyncset.done @!p0 $0x0  }
0x519: {  	[sflag:s0] =	ssyncadd.s32 @!p0 s1  }
0x51a: {  	[bflag:$0x3] =	sbarrier.arrive $0xFFFF  }
0x51b: {  	_ =	shalt  }

</sc_bundles>
